<compile_context>
chip_gen: v7x
topology: tpu7x:2x2x1
jax: 0.10.2.dev20260603
libtpu: 0.0.44.dev20260713+nightly
codegen_flags: <defaults>
</compile_context>

<pallas_src>
import functools

import jax
import jax.numpy as jnp
from jax import lax
from jax.experimental import pallas as pl
from jax.experimental.pallas import tpu as pltpu
from jax.experimental.pallas import tpu_sc as plsc

N = 10000
F = 128
NPAD = 10240
CHUNK = 128
NCH = 80
NT = 32
EPAD = NT * NCH * CHUNK
SHARE = NPAD // 16

_MESH = plsc.VectorSubcoreMesh(core_axis_name="c", subcore_axis_name="s")


@functools.partial(
    pl.kernel,
    out_type=jax.ShapeDtypeStruct((2, NPAD, F), jnp.float32),
    mesh=_MESH,
    scratch_types=[
        pltpu.VMEM((NCH, CHUNK), jnp.int32),
        pltpu.VMEM((CHUNK, F), jnp.float32),
        pltpu.VMEM_SHARED((NPAD, F), jnp.float32),
    ],
)
def _sc_degree(dst_hbm, ones_hbm, zeros_hbm, out_hbm, dst_v, buf_v, acc_sh):
    cid = lax.axis_index("c")
    sid = lax.axis_index("s")
    wid = cid * 16 + sid
    pltpu.sync_copy(dst_hbm.at[wid], dst_v)
    pltpu.sync_copy(zeros_hbm, buf_v)
    for k in range(SHARE // CHUNK):
        pltpu.sync_copy(buf_v, acc_sh.at[pl.ds(sid * SHARE + k * CHUNK, CHUNK)])
    plsc.subcore_barrier()
    pltpu.sync_copy(ones_hbm, buf_v)

    def body(j, carry):
        pltpu.sync_copy(buf_v, acc_sh.at[dst_v.at[j]], add=True)
        return carry

    lax.fori_loop(0, NCH, body, 0)
    plsc.subcore_barrier()
    for k in range(SHARE // CHUNK):
        sl = pl.ds(sid * SHARE + k * CHUNK, CHUNK)
        pltpu.sync_copy(acc_sh.at[sl], buf_v)
        pltpu.sync_copy(buf_v, out_hbm.at[cid, sl])


GCH = 128
T0 = 80
T1 = 80
GNCH = max(T0, T1)
NBUF = 2


@functools.partial(
    pl.kernel,
    out_type=jax.ShapeDtypeStruct((2, NPAD, F), jnp.float32),
    mesh=_MESH,
    scratch_types=[
        pltpu.VMEM((GNCH, GCH), jnp.int32),
        pltpu.VMEM((NBUF, GCH), jnp.int32),
        [pltpu.VMEM((GCH, F), jnp.float32) for _ in range(NBUF)],
        [pltpu.SemaphoreType.DMA for _ in range(NBUF)],
        [pltpu.SemaphoreType.DMA for _ in range(NBUF)],
        pltpu.VMEM_SHARED((NPAD, F), jnp.float32),
    ],
)
def _sc_propagate(y_hbm, src_hbm, dst_hbm, zeros_hbm, out_hbm,
                  src_v, dring, rows, sg, sd, acc_sh):
    cid = lax.axis_index("c")
    sid = lax.axis_index("s")
    wid = cid * 16 + sid
    pltpu.sync_copy(src_hbm.at[wid], src_v)
    pltpu.sync_copy(zeros_hbm.at[pl.ds(0, GCH)], rows[0])
    pltpu.sync_copy(zeros_hbm.at[pl.ds(0, GCH)], rows[1])
    for k in range(SHARE // GCH):
        pltpu.sync_copy(rows[k % 2], acc_sh.at[pl.ds(sid * SHARE + k * GCH, GCH)])
    plsc.subcore_barrier()

    def pipe(lo, hi):
        for b in range(NBUF):
            pltpu.async_copy(dst_hbm.at[wid, lo + b], dring.at[b], sd[b])
            pltpu.async_copy(y_hbm.at[src_v.at[lo + b]], rows[b], sg[b])

        def body(p, carry):
            for b in range(NBUF):
                j = lo + NBUF * p + b
                nxt = jnp.minimum(j + NBUF, hi - 1)
                pltpu.make_async_copy(y_hbm.at[src_v.at[j]], rows[b], sg[b]).wait()
                pltpu.make_async_copy(dst_hbm.at[wid, j], dring.at[b], sd[b]).wait()
                pltpu.sync_copy(rows[b], acc_sh.at[dring.at[b]], add=True)
                pltpu.async_copy(dst_hbm.at[wid, nxt], dring.at[b], sd[b])
                pltpu.async_copy(y_hbm.at[src_v.at[nxt]], rows[b], sg[b])
            return carry

        lax.fori_loop(0, (hi - lo) // NBUF, body, 0)
        for b in range(NBUF):
            pltpu.make_async_copy(y_hbm.at[src_v.at[hi - 1]], rows[b], sg[b]).wait()
            pltpu.make_async_copy(dst_hbm.at[wid, hi - 1], dring.at[b], sd[b]).wait()

    pipe(0, T1)

    if T0 > T1:
        @pl.when(cid == 0)
        def _():
            pipe(T1, T0)

    plsc.subcore_barrier()
    for k in range(SHARE // GCH):
        sl = pl.ds(sid * SHARE + k * GCH, GCH)
        pltpu.sync_copy(acc_sh.at[sl], rows[k % 2])
        pltpu.sync_copy(rows[k % 2], out_hbm.at[cid, sl])


BN = 640
BNO = 400


def _norm_from(deg_ref):
    d = deg_ref[0, :, 0:1] + deg_ref[1, :, 0:1]
    return lax.rsqrt(jnp.maximum(d, 1.0))


def _tc_y1_body(deg_ref, feat_ref, y_ref):
    y_ref[...] = feat_ref[...] * _norm_from(deg_ref)


_tc_y1 = pl.pallas_call(
    _tc_y1_body,
    grid=(NPAD // BN,),
    in_specs=[
        pl.BlockSpec((2, BN, F), lambda i: (0, i, 0)),
        pl.BlockSpec((BN, F), lambda i: (i, 0)),
    ],
    out_specs=pl.BlockSpec((BN, F), lambda i: (i, 0)),
    out_shape=jax.ShapeDtypeStruct((NPAD, F), jnp.float32),
)


def _tc_tx1_body(r_ref, deg_ref, feat_ref, hp_ref, tx1_ref, y2_ref):
    r = r_ref[0, 0]
    nrm = _norm_from(deg_ref)
    h = (hp_ref[0] + hp_ref[1]) * nrm
    tx1 = (r - 1.0) * feat_ref[...] - r * h
    tx1_ref[...] = tx1
    y2_ref[...] = tx1 * nrm


_tc_tx1 = pl.pallas_call(
    _tc_tx1_body,
    grid=(NPAD // BN,),
    in_specs=[
        pl.BlockSpec(memory_space=pltpu.SMEM),
        pl.BlockSpec((2, BN, F), lambda i: (0, i, 0)),
        pl.BlockSpec((BN, F), lambda i: (i, 0)),
        pl.BlockSpec((2, BN, F), lambda i: (0, i, 0)),
    ],
    out_specs=[
        pl.BlockSpec((BN, F), lambda i: (i, 0)),
        pl.BlockSpec((BN, F), lambda i: (i, 0)),
    ],
    out_shape=[
        jax.ShapeDtypeStruct((NPAD, F), jnp.float32),
        jax.ShapeDtypeStruct((NPAD, F), jnp.float32),
    ],
)


def _tc_out_body(r_ref, deg_ref, feat_ref, tx1_ref, hp_ref, w_ref, out_ref):
    r = r_ref[0, 0]
    nrm = _norm_from(deg_ref)
    h2 = (hp_ref[0] + hp_ref[1]) * nrm
    f = feat_ref[...]
    t1 = tx1_ref[...]
    t2 = -2.0 * r * h2 + 2.0 * (r - 1.0) * t1 - f
    x = jnp.concatenate([f, t1, t2], axis=1)
    out_ref[...] = jnp.dot(x, w_ref[...], preferred_element_type=jnp.float32)


_tc_out = pl.pallas_call(
    _tc_out_body,
    grid=(N // BNO,),
    in_specs=[
        pl.BlockSpec(memory_space=pltpu.SMEM),
        pl.BlockSpec((2, BNO, F), lambda i: (0, i, 0)),
        pl.BlockSpec((BNO, F), lambda i: (i, 0)),
        pl.BlockSpec((BNO, F), lambda i: (i, 0)),
        pl.BlockSpec((2, BNO, F), lambda i: (0, i, 0)),
        pl.BlockSpec((3 * F, F), lambda i: (0, 0)),
    ],
    out_specs=pl.BlockSpec((BNO, F), lambda i: (i, 0)),
    out_shape=jax.ShapeDtypeStruct((N, F), jnp.float32),
)


def kernel(feat, edge_index, lambda_max, W0, W1, W2):
    src = edge_index[0].astype(jnp.int32)
    dst = edge_index[1].astype(jnp.int32)
    e = src.shape[0]
    pad = jnp.full((EPAD - e,), N, jnp.int32)

    def shard(flat):
        cut = 16 * T0 * GCH
        p0 = flat[:cut].reshape(16, T0, GCH)
        p0 = jnp.pad(p0, ((0, 0), (0, GNCH - T0), (0, 0)), constant_values=N)
        p1 = flat[cut:].reshape(16, T1, GCH)
        p1 = jnp.pad(p1, ((0, 0), (0, GNCH - T1), (0, 0)), constant_values=N)
        return jnp.concatenate([p0, p1], axis=0)

    src_flat = jnp.concatenate([src, pad])
    dst_flat = jnp.concatenate([dst, pad])
    src_t = shard(src_flat)
    dst_t = shard(dst_flat)
    dst_deg = dst_flat.reshape(NT, NCH, CHUNK)
    feat_pad = jnp.pad(feat, ((0, NPAD - N), (0, 0)))
    ones128 = jnp.ones((CHUNK, F), jnp.float32)
    zeros128 = jnp.zeros((CHUNK, F), jnp.float32)
    r = jnp.reshape((2.0 / lambda_max).astype(jnp.float32), (1, 1))

    deg2 = _sc_degree(dst_deg, ones128, zeros128)
    y1 = _tc_y1(deg2, feat_pad)
    h1 = _sc_propagate(y1, src_t, dst_t, zeros128)
    tx1, y2 = _tc_tx1(r, deg2, feat_pad, h1)
    h2 = _sc_propagate(y2, src_t, dst_t, zeros128)
    wcat = jnp.concatenate([W0, W1, W2], axis=0)
    return _tc_out(r, deg2, feat, tx1, h2, wcat)

# --- scband reference (transcript-rebuilt; emitter-appended) ---
"""Pipeline reference for scband-cheb-net-59528246723312 (READ-ONLY COPY).

The authoritative reference and input builder live on the scoring server;
editing this copy changes nothing except your own understanding.
"""

import jax, jax.numpy as jnp
import numpy as np

N_NODES = 10000
N_EDGES = 320000
IN_FEATS = 128
OUT_FEATS = 128
K = 3


def setup_inputs(seed: int = 0) -> dict:
    key = jax.random.key(seed)
    k_feat, k_ei, k_w0, k_w1, k_w2 = jax.random.split(key, 5)
    feat = jax.random.normal(k_feat, (N_NODES, IN_FEATS), dtype=jnp.float32)
    edge_index = jax.random.randint(k_ei, (2, N_EDGES), 0, N_NODES, dtype=jnp.int64)
    scale = 1.0 / np.sqrt(IN_FEATS)
    W0 = jax.random.normal(k_w0, (IN_FEATS, OUT_FEATS), dtype=jnp.float32) * scale
    W1 = jax.random.normal(k_w1, (IN_FEATS, OUT_FEATS), dtype=jnp.float32) * scale
    W2 = jax.random.normal(k_w2, (IN_FEATS, OUT_FEATS), dtype=jnp.float32) * scale
    return {"feat": feat, "edge_index": edge_index, "lambda_max": 2, "W0": W0, "W1": W1, "W2": W2}


def reference(feat, edge_index, lambda_max, W0, W1, W2):
    # ChebNet / ChebConv with k=3 (DGL semantics):
    # norm = in_degree(clamped)^-0.5; \hat{L} applied via normalized adjacency aggregation
    N = feat.shape[0]
    src = edge_index[0]
    dst = edge_index[1]
    deg = jax.ops.segment_sum(jnp.ones((src.shape[0],), dtype=jnp.float32), dst, num_segments=N)
    norm = jnp.power(jnp.clip(deg, 1.0, None), -0.5)[:, None]
    re_norm = 2.0 / jnp.float32(lambda_max)
    # T_0 = X
    Tx_0 = feat
    rst = Tx_0 @ W0
    # T_1 = \hat{L} X = -re_norm * (D^-1/2 A D^-1/2 X) + (re_norm - 1) X
    h = jax.ops.segment_sum((Tx_0 * norm)[src], dst, num_segments=N) * norm
    Tx_1 = -re_norm * h + Tx_0 * (re_norm - 1.0)
    rst = rst + Tx_1 @ W1
    # T_2 = 2 \hat{L} T_1 - T_0
    h = jax.ops.segment_sum((Tx_1 * norm)[src], dst, num_segments=N) * norm
    Tx_2 = 2.0 * (-re_norm) * h + Tx_1 * (2.0 * (re_norm - 1.0)) - Tx_0
    rst = rst + Tx_2 @ W2
    return rst

if __name__ == "__main__":
    import jax
    _d = setup_inputs()
    print(jax.jit(kernel)(*tuple(_d.values())))

</pallas_src>

<mosaic_0001>
#map = affine_map<(d0, d1) -> (0, 0, 0)>
#map1 = affine_map<(d0, d1) -> (0, 0)>
module attributes {stable_mosaic.version = 14 : i64} {
  func.func @_sc_degree(%arg0: i32, %arg1: i32, %arg2: memref<32x80x128xi32, #tpu.memory_space<hbm>>, %arg3: memref<128x128xf32, #tpu.memory_space<hbm>>, %arg4: memref<128x128xf32, #tpu.memory_space<hbm>>, %arg5: memref<2x10240x128xf32, #tpu.memory_space<hbm>>, %arg6: memref<80x128xi32, #tpu.memory_space<vmem>>, %arg7: memref<128x128xf32, #tpu.memory_space<vmem>>, %arg8: memref<10240x128xf32, #tpu.memory_space<vmem_shared>>) attributes {dimension_semantics = [#tpu.dimension_semantics<core_parallel>, #tpu.dimension_semantics<subcore_parallel>], iteration_bounds = array<i64: 2, 16>, scalar_prefetch = 0 : i64, scratch_operands = 3 : i64, tpu.core_type = #tpu.core_type<sc_vector_subcore>, window_params = [{transform_indices = #map}, {transform_indices = #map1}, {transform_indices = #map1}, {transform_indices = #map}]} {
    %mul3A = arith.constant 16 : i32
    %mul3A_0 = arith.muli %arg0, %mul3A : i32
    %add3A = arith.addi %mul3A_0, %arg1 : i32
    "tpu.region"() ({
      %run_scoped3A = tpu.sem_alloc : memref<!tpu.dma_semaphore, #tpu.memory_space<semaphore_mem>>
      %dma_start3A = arith.constant 0 : i32
      %dma_start3A_47 = arith.constant 0 : i32
      %dma_start3A_48 = tpu.memref_slice %arg2[%add3A, %dma_start3A, %dma_start3A_47] : memref<32x80x128xi32, #tpu.memory_space<hbm>> -> memref<1x80x128xi32, #tpu.memory_space<hbm>>
      %dma_start3A_49 = tpu.memref_squeeze %dma_start3A_48 : memref<1x80x128xi32, #tpu.memory_space<hbm>> -> memref<80x128xi32, #tpu.memory_space<hbm>>
      %dma_start3A_50 = arith.constant 0 : i32
      %dma_start3A_51 = arith.constant 0 : i32
      %dma_start3A_52 = tpu.memref_slice %arg2[%add3A, %dma_start3A_50, %dma_start3A_51] : memref<32x80x128xi32, #tpu.memory_space<hbm>> -> memref<1x80x128xi32, #tpu.memory_space<hbm>>
      %dma_start3A_53 = tpu.memref_squeeze %dma_start3A_52 : memref<1x80x128xi32, #tpu.memory_space<hbm>> -> memref<80x128xi32, #tpu.memory_space<hbm>>
      tpu.enqueue_dma source(%dma_start3A_53 : memref<80x128xi32, #tpu.memory_space<hbm>>) target(%arg6 : memref<80x128xi32, #tpu.memory_space<vmem>>) target_semaphore(%run_scoped3A : memref<!tpu.dma_semaphore, #tpu.memory_space<semaphore_mem>>)
      %dma_wait3A = arith.constant 0 : i32
      %dma_wait3A_54 = arith.constant 0 : i32
      %dma_wait3A_55 = tpu.memref_slice %arg2[%add3A, %dma_wait3A, %dma_wait3A_54] : memref<32x80x128xi32, #tpu.memory_space<hbm>> -> memref<1x80x128xi32, #tpu.memory_space<hbm>>
      %dma_wait3A_56 = tpu.memref_squeeze %dma_wait3A_55 : memref<1x80x128xi32, #tpu.memory_space<hbm>> -> memref<80x128xi32, #tpu.memory_space<hbm>>
      %dma_wait3A_57 = arith.constant 0 : i32
      %dma_wait3A_58 = arith.constant 0 : i32
      %dma_wait3A_59 = tpu.memref_slice %arg2[%add3A, %dma_wait3A_57, %dma_wait3A_58] : memref<32x80x128xi32, #tpu.memory_space<hbm>> -> memref<1x80x128xi32, #tpu.memory_space<hbm>>
      %dma_wait3A_60 = tpu.memref_squeeze %dma_wait3A_59 : memref<1x80x128xi32, #tpu.memory_space<hbm>> -> memref<80x128xi32, #tpu.memory_space<hbm>>
      tpu.wait_dma2 semaphore(%run_scoped3A : memref<!tpu.dma_semaphore, #tpu.memory_space<semaphore_mem>>) src(%dma_wait3A_60 : memref<80x128xi32, #tpu.memory_space<hbm>>) dst(%arg6 : memref<80x128xi32, #tpu.memory_space<vmem>>)
      tpu.yield
    }) : () -> ()
    "tpu.region"() ({
      %run_scoped3A = tpu.sem_alloc : memref<!tpu.dma_semaphore, #tpu.memory_space<semaphore_mem>>
      tpu.enqueue_dma source(%arg4 : memref<128x128xf32, #tpu.memory_space<hbm>>) target(%arg7 : memref<128x128xf32, #tpu.memory_space<vmem>>) target_semaphore(%run_scoped3A : memref<!tpu.dma_semaphore, #tpu.memory_space<semaphore_mem>>)
      tpu.wait_dma2 semaphore(%run_scoped3A : memref<!tpu.dma_semaphore, #tpu.memory_space<semaphore_mem>>) src(%arg4 : memref<128x128xf32, #tpu.memory_space<hbm>>) dst(%arg7 : memref<128x128xf32, #tpu.memory_space<vmem>>)
      tpu.yield
    }) : () -> ()
    %mul3A_1 = arith.constant 640 : i32
    %mul3A_2 = arith.muli %arg1, %mul3A_1 : i32
    %add3A_3 = arith.constant 0 : i32
    %add3A_4 = arith.addi %mul3A_2, %add3A_3 : i32
    "tpu.region"() ({
      %run_scoped3A = tpu.sem_alloc : memref<!tpu.dma_semaphore, #tpu.memory_space<semaphore_mem>>
      %dma_start3A = arith.constant 0 : i32
      %dma_start3A_47 = tpu.memref_slice %arg8[%add3A_4, %dma_start3A] : memref<10240x128xf32, #tpu.memory_space<vmem_shared>> -> memref<128x128xf32, #tpu.memory_space<vmem_shared>>
      %dma_start3A_48 = arith.constant 0 : i32
      %dma_start3A_49 = tpu.memref_slice %arg8[%add3A_4, %dma_start3A_48] : memref<10240x128xf32, #tpu.memory_space<vmem_shared>> -> memref<128x128xf32, #tpu.memory_space<vmem_shared>>
      tpu.enqueue_dma source(%arg7 : memref<128x128xf32, #tpu.memory_space<vmem>>) target(%dma_start3A_49 : memref<128x128xf32, #tpu.memory_space<vmem_shared>>) target_semaphore(%run_scoped3A : memref<!tpu.dma_semaphore, #tpu.memory_space<semaphore_mem>>)
      %dma_wait3A = arith.constant 0 : i32
      %dma_wait3A_50 = tpu.memref_slice %arg8[%add3A_4, %dma_wait3A] : memref<10240x128xf32, #tpu.memory_space<vmem_shared>> -> memref<128x128xf32, #tpu.memory_space<vmem_shared>>
      %dma_wait3A_51 = arith.constant 0 : i32
      %dma_wait3A_52 = tpu.memref_slice %arg8[%add3A_4, %dma_wait3A_51] : memref<10240x128xf32, #tpu.memory_space<vmem_shared>> -> memref<128x128xf32, #tpu.memory_space<vmem_shared>>
      tpu.wait_dma2 semaphore(%run_scoped3A : memref<!tpu.dma_semaphore, #tpu.memory_space<semaphore_mem>>) src(%arg7 : memref<128x128xf32, #tpu.memory_space<vmem>>) dst(%dma_wait3A_52 : memref<128x128xf32, #tpu.memory_space<vmem_shared>>)
      tpu.yield
    }) : () -> ()
    %mul3A_5 = arith.constant 640 : i32
    %mul3A_6 = arith.muli %arg1, %mul3A_5 : i32
    %add3A_7 = arith.constant 128 : i32
    %add3A_8 = arith.addi %mul3A_6, %add3A_7 : i32
    "tpu.region"() ({
      %run_scoped3A = tpu.sem_alloc : memref<!tpu.dma_semaphore, #tpu.memory_space<semaphore_mem>>
      %dma_start3A = arith.constant 0 : i32
      %dma_start3A_47 = tpu.memref_slice %arg8[%add3A_8, %dma_start3A] : memref<10240x128xf32, #tpu.memory_space<vmem_shared>> -> memref<128x128xf32, #tpu.memory_space<vmem_shared>>
      %dma_start3A_48 = arith.constant 0 : i32
      %dma_start3A_49 = tpu.memref_slice %arg8[%add3A_8, %dma_start3A_48] : memref<10240x128xf32, #tpu.memory_space<vmem_shared>> -> memref<128x128xf32, #tpu.memory_space<vmem_shared>>
      tpu.enqueue_dma source(%arg7 : memref<128x128xf32, #tpu.memory_space<vmem>>) target(%dma_start3A_49 : memref<128x128xf32, #tpu.memory_space<vmem_shared>>) target_semaphore(%run_scoped3A : memref<!tpu.dma_semaphore, #tpu.memory_space<semaphore_mem>>)
      %dma_wait3A = arith.constant 0 : i32
      %dma_wait3A_50 = tpu.memref_slice %arg8[%add3A_8, %dma_wait3A] : memref<10240x128xf32, #tpu.memory_space<vmem_shared>> -> memref<128x128xf32, #tpu.memory_space<vmem_shared>>
      %dma_wait3A_51 = arith.constant 0 : i32
      %dma_wait3A_52 = tpu.memref_slice %arg8[%add3A_8, %dma_wait3A_51] : memref<10240x128xf32, #tpu.memory_space<vmem_shared>> -> memref<128x128xf32, #tpu.memory_space<vmem_shared>>
      tpu.wait_dma2 semaphore(%run_scoped3A : memref<!tpu.dma_semaphore, #tpu.memory_space<semaphore_mem>>) src(%arg7 : memref<128x128xf32, #tpu.memory_space<vmem>>) dst(%dma_wait3A_52 : memref<128x128xf32, #tpu.memory_space<vmem_shared>>)
      tpu.yield
    }) : () -> ()
    %mul3A_9 = arith.constant 640 : i32
    %mul3A_10 = arith.muli %arg1, %mul3A_9 : i32
    %add3A_11 = arith.constant 256 : i32
    %add3A_12 = arith.addi %mul3A_10, %add3A_11 : i32
    "tpu.region"() ({
      %run_scoped3A = tpu.sem_alloc : memref<!tpu.dma_semaphore, #tpu.memory_space<semaphore_mem>>
      %dma_start3A = arith.constant 0 : i32
      %dma_start3A_47 = tpu.memref_slice %arg8[%add3A_12, %dma_start3A] : memref<10240x128xf32, #tpu.memory_space<vmem_shared>> -> memref<128x128xf32, #tpu.memory_space<vmem_shared>>
      %dma_start3A_48 = arith.constant 0 : i32
      %dma_start3A_49 = tpu.memref_slice %arg8[%add3A_12, %dma_start3A_48] : memref<10240x128xf32, #tpu.memory_space<vmem_shared>> -> memref<128x128xf32, #tpu.memory_space<vmem_shared>>
      tpu.enqueue_dma source(%arg7 : memref<128x128xf32, #tpu.memory_space<vmem>>) target(%dma_start3A_49 : memref<128x128xf32, #tpu.memory_space<vmem_shared>>) target_semaphore(%run_scoped3A : memref<!tpu.dma_semaphore, #tpu.memory_space<semaphore_mem>>)
      %dma_wait3A = arith.constant 0 : i32
      %dma_wait3A_50 = tpu.memref_slice %arg8[%add3A_12, %dma_wait3A] : memref<10240x128xf32, #tpu.memory_space<vmem_shared>> -> memref<128x128xf32, #tpu.memory_space<vmem_shared>>
      %dma_wait3A_51 = arith.constant 0 : i32
      %dma_wait3A_52 = tpu.memref_slice %arg8[%add3A_12, %dma_wait3A_51] : memref<10240x128xf32, #tpu.memory_space<vmem_shared>> -> memref<128x128xf32, #tpu.memory_space<vmem_shared>>
      tpu.wait_dma2 semaphore(%run_scoped3A : memref<!tpu.dma_semaphore, #tpu.memory_space<semaphore_mem>>) src(%arg7 : memref<128x128xf32, #tpu.memory_space<vmem>>) dst(%dma_wait3A_52 : memref<128x128xf32, #tpu.memory_space<vmem_shared>>)
      tpu.yield
    }) : () -> ()
    %mul3A_13 = arith.constant 640 : i32
    %mul3A_14 = arith.muli %arg1, %mul3A_13 : i32
    %add3A_15 = arith.constant 384 : i32
    %add3A_16 = arith.addi %mul3A_14, %add3A_15 : i32
    "tpu.region"() ({
      %run_scoped3A = tpu.sem_alloc : memref<!tpu.dma_semaphore, #tpu.memory_space<semaphore_mem>>
      %dma_start3A = arith.constant 0 : i32
      %dma_start3A_47 = tpu.memref_slice %arg8[%add3A_16, %dma_start3A] : memref<10240x128xf32, #tpu.memory_space<vmem_shared>> -> memref<128x128xf32, #tpu.memory_space<vmem_shared>>
      %dma_start3A_48 = arith.constant 0 : i32
      %dma_start3A_49 = tpu.memref_slice %arg8[%add3A_16, %dma_start3A_48] : memref<10240x128xf32, #tpu.memory_space<vmem_shared>> -> memref<128x128xf32, #tpu.memory_space<vmem_shared>>
      tpu.enqueue_dma source(%arg7 : memref<128x128xf32, #tpu.memory_space<vmem>>) target(%dma_start3A_49 : memref<128x128xf32, #tpu.memory_space<vmem_shared>>) target_semaphore(%run_scoped3A : memref<!tpu.dma_semaphore, #tpu.memory_space<semaphore_mem>>)
      %dma_wait3A = arith.constant 0 : i32
      %dma_wait3A_50 = tpu.memref_slice %arg8[%add3A_16, %dma_wait3A] : memref<10240x128xf32, #tpu.memory_space<vmem_shared>> -> memref<128x128xf32, #tpu.memory_space<vmem_shared>>
      %dma_wait3A_51 = arith.constant 0 : i32
      %dma_wait3A_52 = tpu.memref_slice %arg8[%add3A_16, %dma_wait3A_51] : memref<10240x128xf32, #tpu.memory_space<vmem_shared>> -> memref<128x128xf32, #tpu.memory_space<vmem_shared>>
      tpu.wait_dma2 semaphore(%run_scoped3A : memref<!tpu.dma_semaphore, #tpu.memory_space<semaphore_mem>>) src(%arg7 : memref<128x128xf32, #tpu.memory_space<vmem>>) dst(%dma_wait3A_52 : memref<128x128xf32, #tpu.memory_space<vmem_shared>>)
      tpu.yield
    }) : () -> ()
    %mul3A_17 = arith.constant 640 : i32
    %mul3A_18 = arith.muli %arg1, %mul3A_17 : i32
    %add3A_19 = arith.constant 512 : i32
    %add3A_20 = arith.addi %mul3A_18, %add3A_19 : i32
    "tpu.region"() ({
      %run_scoped3A = tpu.sem_alloc : memref<!tpu.dma_semaphore, #tpu.memory_space<semaphore_mem>>
      %dma_start3A = arith.constant 0 : i32
      %dma_start3A_47 = tpu.memref_slice %arg8[%add3A_20, %dma_start3A] : memref<10240x128xf32, #tpu.memory_space<vmem_shared>> -> memref<128x128xf32, #tpu.memory_space<vmem_shared>>
      %dma_start3A_48 = arith.constant 0 : i32
      %dma_start3A_49 = tpu.memref_slice %arg8[%add3A_20, %dma_start3A_48] : memref<10240x128xf32, #tpu.memory_space<vmem_shared>> -> memref<128x128xf32, #tpu.memory_space<vmem_shared>>
      tpu.enqueue_dma source(%arg7 : memref<128x128xf32, #tpu.memory_space<vmem>>) target(%dma_start3A_49 : memref<128x128xf32, #tpu.memory_space<vmem_shared>>) target_semaphore(%run_scoped3A : memref<!tpu.dma_semaphore, #tpu.memory_space<semaphore_mem>>)
      %dma_wait3A = arith.constant 0 : i32
      %dma_wait3A_50 = tpu.memref_slice %arg8[%add3A_20, %dma_wait3A] : memref<10240x128xf32, #tpu.memory_space<vmem_shared>> -> memref<128x128xf32, #tpu.memory_space<vmem_shared>>
      %dma_wait3A_51 = arith.constant 0 : i32
      %dma_wait3A_52 = tpu.memref_slice %arg8[%add3A_20, %dma_wait3A_51] : memref<10240x128xf32, #tpu.memory_space<vmem_shared>> -> memref<128x128xf32, #tpu.memory_space<vmem_shared>>
      tpu.wait_dma2 semaphore(%run_scoped3A : memref<!tpu.dma_semaphore, #tpu.memory_space<semaphore_mem>>) src(%arg7 : memref<128x128xf32, #tpu.memory_space<vmem>>) dst(%dma_wait3A_52 : memref<128x128xf32, #tpu.memory_space<vmem_shared>>)
      tpu.yield
    }) : () -> ()
    %barrier3A = arith.constant 0 : index
    tpu.barrier barrier_id(%barrier3A)
    "tpu.region"() ({
      %run_scoped3A = tpu.sem_alloc : memref<!tpu.dma_semaphore, #tpu.memory_space<semaphore_mem>>
      tpu.enqueue_dma source(%arg3 : memref<128x128xf32, #tpu.memory_space<hbm>>) target(%arg7 : memref<128x128xf32, #tpu.memory_space<vmem>>) target_semaphore(%run_scoped3A : memref<!tpu.dma_semaphore, #tpu.memory_space<semaphore_mem>>)
      tpu.wait_dma2 semaphore(%run_scoped3A : memref<!tpu.dma_semaphore, #tpu.memory_space<semaphore_mem>>) src(%arg3 : memref<128x128xf32, #tpu.memory_space<hbm>>) dst(%arg7 : memref<128x128xf32, #tpu.memory_space<vmem>>)
      tpu.yield
    }) : () -> ()
    %scan3A = arith.constant 0 : i32
    %scan3A_21 = arith.constant 0 : i32
    %scan3A_22 = arith.constant 80 : i32
    %scan3A_23 = arith.addi %scan3A_21, %scan3A_22 : i32
    %scan3A_24 = arith.constant 1 : i32
    scf.for %scan3A_47 = %scan3A_21 to %scan3A_23 step %scan3A_24  : i32 {
      "tpu.region"() ({
        %run_scoped3A = tpu.sem_alloc : memref<!tpu.dma_semaphore, #tpu.memory_space<semaphore_mem>>
        %dma_start3A = arith.constant 0 : i32
        %dma_start3A_48 = tpu.memref_slice %arg6[%scan3A_47, %dma_start3A] : memref<80x128xi32, #tpu.memory_space<vmem>> -> memref<1x128xi32, #tpu.memory_space<vmem>>
        %dma_start3A_49 = tpu.memref_squeeze %dma_start3A_48 : memref<1x128xi32, #tpu.memory_space<vmem>> -> memref<128xi32, #tpu.memory_space<vmem>>
        %dma_start3A_50 = arith.constant 0 : i32
        %dma_start3A_51 = arith.constant 0 : i32
        %dma_start3A_52 = tpu.memref_slice %arg8[%dma_start3A_50, %dma_start3A_51] : memref<10240x128xf32, #tpu.memory_space<vmem_shared>> -> memref<10240x128xf32, #tpu.memory_space<vmem_shared>>
        tpu.enqueue_indirect_dma source(%arg7 : memref<128x128xf32, #tpu.memory_space<vmem>>) target(%dma_start3A_52 : memref<10240x128xf32, #tpu.memory_space<vmem_shared>>) offsets(%dma_start3A_49 : memref<128xi32, #tpu.memory_space<vmem>>) semaphore(%run_scoped3A : memref<!tpu.dma_semaphore, #tpu.memory_space<semaphore_mem>>) {add = true}
        %dma_wait3A = arith.constant 0 : i32
        %dma_wait3A_53 = tpu.memref_slice %arg6[%scan3A_47, %dma_wait3A] : memref<80x128xi32, #tpu.memory_space<vmem>> -> memref<1x128xi32, #tpu.memory_space<vmem>>
        %dma_wait3A_54 = tpu.memref_squeeze %dma_wait3A_53 : memref<1x128xi32, #tpu.memory_space<vmem>> -> memref<128xi32, #tpu.memory_space<vmem>>
        %dma_wait3A_55 = arith.constant 0 : i32
        %dma_wait3A_56 = arith.constant 0 : i32
        %dma_wait3A_57 = tpu.memref_slice %arg8[%dma_wait3A_55, %dma_wait3A_56] : memref<10240x128xf32, #tpu.memory_space<vmem_shared>> -> memref<10240x128xf32, #tpu.memory_space<vmem_shared>>
        tpu.wait_indirect_dma semaphore(%run_scoped3A : memref<!tpu.dma_semaphore, #tpu.memory_space<semaphore_mem>>) src(%arg7 : memref<128x128xf32, #tpu.memory_space<vmem>>) dst(%dma_wait3A_57 : memref<10240x128xf32, #tpu.memory_space<vmem_shared>>)
        tpu.yield
      }) : () -> ()
    }
    %scan3A_25 = arith.constant 80 : i32
    %barrier3A_26 = arith.constant 0 : index
    tpu.barrier barrier_id(%barrier3A_26)
    %mul3A_27 = arith.constant 640 : i32
    %mul3A_28 = arith.muli %arg1, %mul3A_27 : i32
    %add3A_29 = arith.constant 0 : i32
    %add3A_30 = arith.addi %mul3A_28, %add3A_29 : i32
    "tpu.region"() ({
      %run_scoped3A = tpu.sem_alloc : memref<!tpu.dma_semaphore, #tpu.memory_space<semaphore_mem>>
      %dma_start3A = arith.constant 0 : i32
      %dma_start3A_47 = tpu.memref_slice %arg8[%add3A_30, %dma_start3A] : memref<10240x128xf32, #tpu.memory_space<vmem_shared>> -> memref<128x128xf32, #tpu.memory_space<vmem_shared>>
      %dma_start3A_48 = arith.constant 0 : i32
      %dma_start3A_49 = tpu.memref_slice %arg8[%add3A_30, %dma_start3A_48] : memref<10240x128xf32, #tpu.memory_space<vmem_shared>> -> memref<128x128xf32, #tpu.memory_space<vmem_shared>>
      tpu.enqueue_dma source(%dma_start3A_49 : memref<128x128xf32, #tpu.memory_space<vmem_shared>>) target(%arg7 : memref<128x128xf32, #tpu.memory_space<vmem>>) target_semaphore(%run_scoped3A : memref<!tpu.dma_semaphore, #tpu.memory_space<semaphore_mem>>)
      %dma_wait3A = arith.constant 0 : i32
      %dma_wait3A_50 = tpu.memref_slice %arg8[%add3A_30, %dma_wait3A] : memref<10240x128xf32, #tpu.memory_space<vmem_shared>> -> memref<128x128xf32, #tpu.memory_space<vmem_shared>>
      %dma_wait3A_51 = arith.constant 0 : i32
      %dma_wait3A_52 = tpu.memref_slice %arg8[%add3A_30, %dma_wait3A_51] : memref<10240x128xf32, #tpu.memory_space<vmem_shared>> -> memref<128x128xf32, #tpu.memory_space<vmem_shared>>
      tpu.wait_dma2 semaphore(%run_scoped3A : memref<!tpu.dma_semaphore, #tpu.memory_space<semaphore_mem>>) src(%dma_wait3A_52 : memref<128x128xf32, #tpu.memory_space<vmem_shared>>) dst(%arg7 : memref<128x128xf32, #tpu.memory_space<vmem>>)
      tpu.yield
    }) : () -> ()
    "tpu.region"() ({
      %run_scoped3A = tpu.sem_alloc : memref<!tpu.dma_semaphore, #tpu.memory_space<semaphore_mem>>
      %dma_start3A = arith.constant 0 : i32
      %dma_start3A_47 = tpu.memref_slice %arg5[%arg0, %add3A_30, %dma_start3A] : memref<2x10240x128xf32, #tpu.memory_space<hbm>> -> memref<1x128x128xf32, #tpu.memory_space<hbm>>
      %dma_start3A_48 = tpu.memref_squeeze %dma_start3A_47 : memref<1x128x128xf32, #tpu.memory_space<hbm>> -> memref<128x128xf32, #tpu.memory_space<hbm>>
      %dma_start3A_49 = arith.constant 0 : i32
      %dma_start3A_50 = tpu.memref_slice %arg5[%arg0, %add3A_30, %dma_start3A_49] : memref<2x10240x128xf32, #tpu.memory_space<hbm>> -> memref<1x128x128xf32, #tpu.memory_space<hbm>>
      %dma_start3A_51 = tpu.memref_squeeze %dma_start3A_50 : memref<1x128x128xf32, #tpu.memory_space<hbm>> -> memref<128x128xf32, #tpu.memory_space<hbm>>
      tpu.enqueue_dma source(%arg7 : memref<128x128xf32, #tpu.memory_space<vmem>>) target(%dma_start3A_51 : memref<128x128xf32, #tpu.memory_space<hbm>>) target_semaphore(%run_scoped3A : memref<!tpu.dma_semaphore, #tpu.memory_space<semaphore_mem>>)
      %dma_wait3A = arith.constant 0 : i32
      %dma_wait3A_52 = tpu.memref_slice %arg5[%arg0, %add3A_30, %dma_wait3A] : memref<2x10240x128xf32, #tpu.memory_space<hbm>> -> memref<1x128x128xf32, #tpu.memory_space<hbm>>
      %dma_wait3A_53 = tpu.memref_squeeze %dma_wait3A_52 : memref<1x128x128xf32, #tpu.memory_space<hbm>> -> memref<128x128xf32, #tpu.memory_space<hbm>>
      %dma_wait3A_54 = arith.constant 0 : i32
      %dma_wait3A_55 = tpu.memref_slice %arg5[%arg0, %add3A_30, %dma_wait3A_54] : memref<2x10240x128xf32, #tpu.memory_space<hbm>> -> memref<1x128x128xf32, #tpu.memory_space<hbm>>
      %dma_wait3A_56 = tpu.memref_squeeze %dma_wait3A_55 : memref<1x128x128xf32, #tpu.memory_space<hbm>> -> memref<128x128xf32, #tpu.memory_space<hbm>>
      tpu.wait_dma2 semaphore(%run_scoped3A : memref<!tpu.dma_semaphore, #tpu.memory_space<semaphore_mem>>) src(%arg7 : memref<128x128xf32, #tpu.memory_space<vmem>>) dst(%dma_wait3A_56 : memref<128x128xf32, #tpu.memory_space<hbm>>)
      tpu.yield
    }) : () -> ()
    %mul3A_31 = arith.constant 640 : i32
    %mul3A_32 = arith.muli %arg1, %mul3A_31 : i32
    %add3A_33 = arith.constant 128 : i32
    %add3A_34 = arith.addi %mul3A_32, %add3A_33 : i32
    "tpu.region"() ({
      %run_scoped3A = tpu.sem_alloc : memref<!tpu.dma_semaphore, #tpu.memory_space<semaphore_mem>>
      %dma_start3A = arith.constant 0 : i32
      %dma_start3A_47 = tpu.memref_slice %arg8[%add3A_34, %dma_start3A] : memref<10240x128xf32, #tpu.memory_space<vmem_shared>> -> memref<128x128xf32, #tpu.memory_space<vmem_shared>>
      %dma_start3A_48 = arith.constant 0 : i32
      %dma_start3A_49 = tpu.memref_slice %arg8[%add3A_34, %dma_start3A_48] : memref<10240x128xf32, #tpu.memory_space<vmem_shared>> -> memref<128x128xf32, #tpu.memory_space<vmem_shared>>
      tpu.enqueue_dma source(%dma_start3A_49 : memref<128x128xf32, #tpu.memory_space<vmem_shared>>) target(%arg7 : memref<128x128xf32, #tpu.memory_space<vmem>>) target_semaphore(%run_scoped3A : memref<!tpu.dma_semaphore, #tpu.memory_space<semaphore_mem>>)
      %dma_wait3A = arith.constant 0 : i32
      %dma_wait3A_50 = tpu.memref_slice %arg8[%add3A_34, %dma_wait3A] : memref<10240x128xf32, #tpu.memory_space<vmem_shared>> -> memref<128x128xf32, #tpu.memory_space<vmem_shared>>
      %dma_wait3A_51 = arith.constant 0 : i32
      %dma_wait3A_52 = tpu.memref_slice %arg8[%add3A_34, %dma_wait3A_51] : memref<10240x128xf32, #tpu.memory_space<vmem_shared>> -> memref<128x128xf32, #tpu.memory_space<vmem_shared>>
      tpu.wait_dma2 semaphore(%run_scoped3A : memref<!tpu.dma_semaphore, #tpu.memory_space<semaphore_mem>>) src(%dma_wait3A_52 : memref<128x128xf32, #tpu.memory_space<vmem_shared>>) dst(%arg7 : memref<128x128xf32, #tpu.memory_space<vmem>>)
      tpu.yield
    }) : () -> ()
    "tpu.region"() ({
      %run_scoped3A = tpu.sem_alloc : memref<!tpu.dma_semaphore, #tpu.memory_space<semaphore_mem>>
      %dma_start3A = arith.constant 0 : i32
      %dma_start3A_47 = tpu.memref_slice %arg5[%arg0, %add3A_34, %dma_start3A] : memref<2x10240x128xf32, #tpu.memory_space<hbm>> -> memref<1x128x128xf32, #tpu.memory_space<hbm>>
      %dma_start3A_48 = tpu.memref_squeeze %dma_start3A_47 : memref<1x128x128xf32, #tpu.memory_space<hbm>> -> memref<128x128xf32, #tpu.memory_space<hbm>>
      %dma_start3A_49 = arith.constant 0 : i32
      %dma_start3A_50 = tpu.memref_slice %arg5[%arg0, %add3A_34, %dma_start3A_49] : memref<2x10240x128xf32, #tpu.memory_space<hbm>> -> memref<1x128x128xf32, #tpu.memory_space<hbm>>
      %dma_start3A_51 = tpu.memref_squeeze %dma_start3A_50 : memref<1x128x128xf32, #tpu.memory_space<hbm>> -> memref<128x128xf32, #tpu.memory_space<hbm>>
      tpu.enqueue_dma source(%arg7 : memref<128x128xf32, #tpu.memory_space<vmem>>) target(%dma_start3A_51 : memref<128x128xf32, #tpu.memory_space<hbm>>) target_semaphore(%run_scoped3A : memref<!tpu.dma_semaphore, #tpu.memory_space<semaphore_mem>>)
      %dma_wait3A = arith.constant 0 : i32
      %dma_wait3A_52 = tpu.memref_slice %arg5[%arg0, %add3A_34, %dma_wait3A] : memref<2x10240x128xf32, #tpu.memory_space<hbm>> -> memref<1x128x128xf32, #tpu.memory_space<hbm>>
      %dma_wait3A_53 = tpu.memref_squeeze %dma_wait3A_52 : memref<1x128x128xf32, #tpu.memory_space<hbm>> -> memref<128x128xf32, #tpu.memory_space<hbm>>
      %dma_wait3A_54 = arith.constant 0 : i32
      %dma_wait3A_55 = tpu.memref_slice %arg5[%arg0, %add3A_34, %dma_wait3A_54] : memref<2x10240x128xf32, #tpu.memory_space<hbm>> -> memref<1x128x128xf32, #tpu.memory_space<hbm>>
      %dma_wait3A_56 = tpu.memref_squeeze %dma_wait3A_55 : memref<1x128x128xf32, #tpu.memory_space<hbm>> -> memref<128x128xf32, #tpu.memory_space<hbm>>
      tpu.wait_dma2 semaphore(%run_scoped3A : memref<!tpu.dma_semaphore, #tpu.memory_space<semaphore_mem>>) src(%arg7 : memref<128x128xf32, #tpu.memory_space<vmem>>) dst(%dma_wait3A_56 : memref<128x128xf32, #tpu.memory_space<hbm>>)
      tpu.yield
    }) : () -> ()
    %mul3A_35 = arith.constant 640 : i32
    %mul3A_36 = arith.muli %arg1, %mul3A_35 : i32
    %add3A_37 = arith.constant 256 : i32
    %add3A_38 = arith.addi %mul3A_36, %add3A_37 : i32
    "tpu.region"() ({
      %run_scoped3A = tpu.sem_alloc : memref<!tpu.dma_semaphore, #tpu.memory_space<semaphore_mem>>
      %dma_start3A = arith.constant 0 : i32
      %dma_start3A_47 = tpu.memref_slice %arg8[%add3A_38, %dma_start3A] : memref<10240x128xf32, #tpu.memory_space<vmem_shared>> -> memref<128x128xf32, #tpu.memory_space<vmem_shared>>
      %dma_start3A_48 = arith.constant 0 : i32
      %dma_start3A_49 = tpu.memref_slice %arg8[%add3A_38, %dma_start3A_48] : memref<10240x128xf32, #tpu.memory_space<vmem_shared>> -> memref<128x128xf32, #tpu.memory_space<vmem_shared>>
      tpu.enqueue_dma source(%dma_start3A_49 : memref<128x128xf32, #tpu.memory_space<vmem_shared>>) target(%arg7 : memref<128x128xf32, #tpu.memory_space<vmem>>) target_semaphore(%run_scoped3A : memref<!tpu.dma_semaphore, #tpu.memory_space<semaphore_mem>>)
      %dma_wait3A = arith.constant 0 : i32
      %dma_wait3A_50 = tpu.memref_slice %arg8[%add3A_38, %dma_wait3A] : memref<10240x128xf32, #tpu.memory_space<vmem_shared>> -> memref<128x128xf32, #tpu.memory_space<vmem_shared>>
      %dma_wait3A_51 = arith.constant 0 : i32
      %dma_wait3A_52 = tpu.memref_slice %arg8[%add3A_38, %dma_wait3A_51] : memref<10240x128xf32, #tpu.memory_space<vmem_shared>> -> memref<128x128xf32, #tpu.memory_space<vmem_shared>>
      tpu.wait_dma2 semaphore(%run_scoped3A : memref<!tpu.dma_semaphore, #tpu.memory_space<semaphore_mem>>) src(%dma_wait3A_52 : memref<128x128xf32, #tpu.memory_space<vmem_shared>>) dst(%arg7 : memref<128x128xf32, #tpu.memory_space<vmem>>)
      tpu.yield
    }) : () -> ()
    "tpu.region"() ({
      %run_scoped3A = tpu.sem_alloc : memref<!tpu.dma_semaphore, #tpu.memory_space<semaphore_mem>>
      %dma_start3A = arith.constant 0 : i32
      %dma_start3A_47 = tpu.memref_slice %arg5[%arg0, %add3A_38, %dma_start3A] : memref<2x10240x128xf32, #tpu.memory_space<hbm>> -> memref<1x128x128xf32, #tpu.memory_space<hbm>>
      %dma_start3A_48 = tpu.memref_squeeze %dma_start3A_47 : memref<1x128x128xf32, #tpu.memory_space<hbm>> -> memref<128x128xf32, #tpu.memory_space<hbm>>
      %dma_start3A_49 = arith.constant 0 : i32
      %dma_start3A_50 = tpu.memref_slice %arg5[%arg0, %add3A_38, %dma_start3A_49] : memref<2x10240x128xf32, #tpu.memory_space<hbm>> -> memref<1x128x128xf32, #tpu.memory_space<hbm>>
      %dma_start3A_51 = tpu.memref_squeeze %dma_start3A_50 : memref<1x128x128xf32, #tpu.memory_space<hbm>> -> memref<128x128xf32, #tpu.memory_space<hbm>>
      tpu.enqueue_dma source(%arg7 : memref<128x128xf32, #tpu.memory_space<vmem>>) target(%dma_start3A_51 : memref<128x128xf32, #tpu.memory_space<hbm>>) target_semaphore(%run_scoped3A : memref<!tpu.dma_semaphore, #tpu.memory_space<semaphore_mem>>)
      %dma_wait3A = arith.constant 0 : i32
      %dma_wait3A_52 = tpu.memref_slice %arg5[%arg0, %add3A_38, %dma_wait3A] : memref<2x10240x128xf32, #tpu.memory_space<hbm>> -> memref<1x128x128xf32, #tpu.memory_space<hbm>>
      %dma_wait3A_53 = tpu.memref_squeeze %dma_wait3A_52 : memref<1x128x128xf32, #tpu.memory_space<hbm>> -> memref<128x128xf32, #tpu.memory_space<hbm>>
      %dma_wait3A_54 = arith.constant 0 : i32
      %dma_wait3A_55 = tpu.memref_slice %arg5[%arg0, %add3A_38, %dma_wait3A_54] : memref<2x10240x128xf32, #tpu.memory_space<hbm>> -> memref<1x128x128xf32, #tpu.memory_space<hbm>>
      %dma_wait3A_56 = tpu.memref_squeeze %dma_wait3A_55 : memref<1x128x128xf32, #tpu.memory_space<hbm>> -> memref<128x128xf32, #tpu.memory_space<hbm>>
      tpu.wait_dma2 semaphore(%run_scoped3A : memref<!tpu.dma_semaphore, #tpu.memory_space<semaphore_mem>>) src(%arg7 : memref<128x128xf32, #tpu.memory_space<vmem>>) dst(%dma_wait3A_56 : memref<128x128xf32, #tpu.memory_space<hbm>>)
      tpu.yield
    }) : () -> ()
    %mul3A_39 = arith.constant 640 : i32
    %mul3A_40 = arith.muli %arg1, %mul3A_39 : i32
    %add3A_41 = arith.constant 384 : i32
    %add3A_42 = arith.addi %mul3A_40, %add3A_41 : i32
    "tpu.region"() ({
      %run_scoped3A = tpu.sem_alloc : memref<!tpu.dma_semaphore, #tpu.memory_space<semaphore_mem>>
      %dma_start3A = arith.constant 0 : i32
      %dma_start3A_47 = tpu.memref_slice %arg8[%add3A_42, %dma_start3A] : memref<10240x128xf32, #tpu.memory_space<vmem_shared>> -> memref<128x128xf32, #tpu.memory_space<vmem_shared>>
      %dma_start3A_48 = arith.constant 0 : i32
      %dma_start3A_49 = tpu.memref_slice %arg8[%add3A_42, %dma_start3A_48] : memref<10240x128xf32, #tpu.memory_space<vmem_shared>> -> memref<128x128xf32, #tpu.memory_space<vmem_shared>>
      tpu.enqueue_dma source(%dma_start3A_49 : memref<128x128xf32, #tpu.memory_space<vmem_shared>>) target(%arg7 : memref<128x128xf32, #tpu.memory_space<vmem>>) target_semaphore(%run_scoped3A : memref<!tpu.dma_semaphore, #tpu.memory_space<semaphore_mem>>)
      %dma_wait3A = arith.constant 0 : i32
      %dma_wait3A_50 = tpu.memref_slice %arg8[%add3A_42, %dma_wait3A] : memref<10240x128xf32, #tpu.memory_space<vmem_shared>> -> memref<128x128xf32, #tpu.memory_space<vmem_shared>>
      %dma_wait3A_51 = arith.constant 0 : i32
      %dma_wait3A_52 = tpu.memref_slice %arg8[%add3A_42, %dma_wait3A_51] : memref<10240x128xf32, #tpu.memory_space<vmem_shared>> -> memref<128x128xf32, #tpu.memory_space<vmem_shared>>
      tpu.wait_dma2 semaphore(%run_scoped3A : memref<!tpu.dma_semaphore, #tpu.memory_space<semaphore_mem>>) src(%dma_wait3A_52 : memref<128x128xf32, #tpu.memory_space<vmem_shared>>) dst(%arg7 : memref<128x128xf32, #tpu.memory_space<vmem>>)
      tpu.yield
    }) : () -> ()
    "tpu.region"() ({
      %run_scoped3A = tpu.sem_alloc : memref<!tpu.dma_semaphore, #tpu.memory_space<semaphore_mem>>
      %dma_start3A = arith.constant 0 : i32
      %dma_start3A_47 = tpu.memref_slice %arg5[%arg0, %add3A_42, %dma_start3A] : memref<2x10240x128xf32, #tpu.memory_space<hbm>> -> memref<1x128x128xf32, #tpu.memory_space<hbm>>
      %dma_start3A_48 = tpu.memref_squeeze %dma_start3A_47 : memref<1x128x128xf32, #tpu.memory_space<hbm>> -> memref<128x128xf32, #tpu.memory_space<hbm>>
      %dma_start3A_49 = arith.constant 0 : i32
      %dma_start3A_50 = tpu.memref_slice %arg5[%arg0, %add3A_42, %dma_start3A_49] : memref<2x10240x128xf32, #tpu.memory_space<hbm>> -> memref<1x128x128xf32, #tpu.memory_space<hbm>>
      %dma_start3A_51 = tpu.memref_squeeze %dma_start3A_50 : memref<1x128x128xf32, #tpu.memory_space<hbm>> -> memref<128x128xf32, #tpu.memory_space<hbm>>
      tpu.enqueue_dma source(%arg7 : memref<128x128xf32, #tpu.memory_space<vmem>>) target(%dma_start3A_51 : memref<128x128xf32, #tpu.memory_space<hbm>>) target_semaphore(%run_scoped3A : memref<!tpu.dma_semaphore, #tpu.memory_space<semaphore_mem>>)
      %dma_wait3A = arith.constant 0 : i32
      %dma_wait3A_52 = tpu.memref_slice %arg5[%arg0, %add3A_42, %dma_wait3A] : memref<2x10240x128xf32, #tpu.memory_space<hbm>> -> memref<1x128x128xf32, #tpu.memory_space<hbm>>
      %dma_wait3A_53 = tpu.memref_squeeze %dma_wait3A_52 : memref<1x128x128xf32, #tpu.memory_space<hbm>> -> memref<128x128xf32, #tpu.memory_space<hbm>>
      %dma_wait3A_54 = arith.constant 0 : i32
      %dma_wait3A_55 = tpu.memref_slice %arg5[%arg0, %add3A_42, %dma_wait3A_54] : memref<2x10240x128xf32, #tpu.memory_space<hbm>> -> memref<1x128x128xf32, #tpu.memory_space<hbm>>
      %dma_wait3A_56 = tpu.memref_squeeze %dma_wait3A_55 : memref<1x128x128xf32, #tpu.memory_space<hbm>> -> memref<128x128xf32, #tpu.memory_space<hbm>>
      tpu.wait_dma2 semaphore(%run_scoped3A : memref<!tpu.dma_semaphore, #tpu.memory_space<semaphore_mem>>) src(%arg7 : memref<128x128xf32, #tpu.memory_space<vmem>>) dst(%dma_wait3A_56 : memref<128x128xf32, #tpu.memory_space<hbm>>)
      tpu.yield
    }) : () -> ()
    %mul3A_43 = arith.constant 640 : i32
    %mul3A_44 = arith.muli %arg1, %mul3A_43 : i32
    %add3A_45 = arith.constant 512 : i32
    %add3A_46 = arith.addi %mul3A_44, %add3A_45 : i32
    "tpu.region"() ({
      %run_scoped3A = tpu.sem_alloc : memref<!tpu.dma_semaphore, #tpu.memory_space<semaphore_mem>>
      %dma_start3A = arith.constant 0 : i32
      %dma_start3A_47 = tpu.memref_slice %arg8[%add3A_46, %dma_start3A] : memref<10240x128xf32, #tpu.memory_space<vmem_shared>> -> memref<128x128xf32, #tpu.memory_space<vmem_shared>>
      %dma_start3A_48 = arith.constant 0 : i32
      %dma_start3A_49 = tpu.memref_slice %arg8[%add3A_46, %dma_start3A_48] : memref<10240x128xf32, #tpu.memory_space<vmem_shared>> -> memref<128x128xf32, #tpu.memory_space<vmem_shared>>
      tpu.enqueue_dma source(%dma_start3A_49 : memref<128x128xf32, #tpu.memory_space<vmem_shared>>) target(%arg7 : memref<128x128xf32, #tpu.memory_space<vmem>>) target_semaphore(%run_scoped3A : memref<!tpu.dma_semaphore, #tpu.memory_space<semaphore_mem>>)
      %dma_wait3A = arith.constant 0 : i32
      %dma_wait3A_50 = tpu.memref_slice %arg8[%add3A_46, %dma_wait3A] : memref<10240x128xf32, #tpu.memory_space<vmem_shared>> -> memref<128x128xf32, #tpu.memory_space<vmem_shared>>
      %dma_wait3A_51 = arith.constant 0 : i32
      %dma_wait3A_52 = tpu.memref_slice %arg8[%add3A_46, %dma_wait3A_51] : memref<10240x128xf32, #tpu.memory_space<vmem_shared>> -> memref<128x128xf32, #tpu.memory_space<vmem_shared>>
      tpu.wait_dma2 semaphore(%run_scoped3A : memref<!tpu.dma_semaphore, #tpu.memory_space<semaphore_mem>>) src(%dma_wait3A_52 : memref<128x128xf32, #tpu.memory_space<vmem_shared>>) dst(%arg7 : memref<128x128xf32, #tpu.memory_space<vmem>>)
      tpu.yield
    }) : () -> ()
    "tpu.region"() ({
      %run_scoped3A = tpu.sem_alloc : memref<!tpu.dma_semaphore, #tpu.memory_space<semaphore_mem>>
      %dma_start3A = arith.constant 0 : i32
      %dma_start3A_47 = tpu.memref_slice %arg5[%arg0, %add3A_46, %dma_start3A] : memref<2x10240x128xf32, #tpu.memory_space<hbm>> -> memref<1x128x128xf32, #tpu.memory_space<hbm>>
      %dma_start3A_48 = tpu.memref_squeeze %dma_start3A_47 : memref<1x128x128xf32, #tpu.memory_space<hbm>> -> memref<128x128xf32, #tpu.memory_space<hbm>>
      %dma_start3A_49 = arith.constant 0 : i32
      %dma_start3A_50 = tpu.memref_slice %arg5[%arg0, %add3A_46, %dma_start3A_49] : memref<2x10240x128xf32, #tpu.memory_space<hbm>> -> memref<1x128x128xf32, #tpu.memory_space<hbm>>
      %dma_start3A_51 = tpu.memref_squeeze %dma_start3A_50 : memref<1x128x128xf32, #tpu.memory_space<hbm>> -> memref<128x128xf32, #tpu.memory_space<hbm>>
      tpu.enqueue_dma source(%arg7 : memref<128x128xf32, #tpu.memory_space<vmem>>) target(%dma_start3A_51 : memref<128x128xf32, #tpu.memory_space<hbm>>) target_semaphore(%run_scoped3A : memref<!tpu.dma_semaphore, #tpu.memory_space<semaphore_mem>>)
      %dma_wait3A = arith.constant 0 : i32
      %dma_wait3A_52 = tpu.memref_slice %arg5[%arg0, %add3A_46, %dma_wait3A] : memref<2x10240x128xf32, #tpu.memory_space<hbm>> -> memref<1x128x128xf32, #tpu.memory_space<hbm>>
      %dma_wait3A_53 = tpu.memref_squeeze %dma_wait3A_52 : memref<1x128x128xf32, #tpu.memory_space<hbm>> -> memref<128x128xf32, #tpu.memory_space<hbm>>
      %dma_wait3A_54 = arith.constant 0 : i32
      %dma_wait3A_55 = tpu.memref_slice %arg5[%arg0, %add3A_46, %dma_wait3A_54] : memref<2x10240x128xf32, #tpu.memory_space<hbm>> -> memref<1x128x128xf32, #tpu.memory_space<hbm>>
      %dma_wait3A_56 = tpu.memref_squeeze %dma_wait3A_55 : memref<1x128x128xf32, #tpu.memory_space<hbm>> -> memref<128x128xf32, #tpu.memory_space<hbm>>
      tpu.wait_dma2 semaphore(%run_scoped3A : memref<!tpu.dma_semaphore, #tpu.memory_space<semaphore_mem>>) src(%arg7 : memref<128x128xf32, #tpu.memory_space<vmem>>) dst(%dma_wait3A_56 : memref<128x128xf32, #tpu.memory_space<hbm>>)
      tpu.yield
    }) : () -> ()
    return
  }
}

#map = affine_map<(d0, d1) -> (0, 0)>
#map1 = affine_map<(d0, d1) -> (0, 0, 0)>
module attributes {stable_mosaic.version = 14 : i64} {
  func.func @_sc_propagate(%arg0: i32, %arg1: i32, %arg2: memref<10240x128xf32, #tpu.memory_space<hbm>>, %arg3: memref<32x80x128xi32, #tpu.memory_space<hbm>>, %arg4: memref<32x80x128xi32, #tpu.memory_space<hbm>>, %arg5: memref<128x128xf32, #tpu.memory_space<hbm>>, %arg6: memref<2x10240x128xf32, #tpu.memory_space<hbm>>, %arg7: memref<80x128xi32, #tpu.memory_space<vmem>>, %arg8: memref<2x128xi32, #tpu.memory_space<vmem>>, %arg9: memref<128x128xf32, #tpu.memory_space<vmem>>, %arg10: memref<128x128xf32, #tpu.memory_space<vmem>>, %arg11: memref<!tpu.dma_semaphore, #tpu.memory_space<semaphore_mem>>, %arg12: memref<!tpu.dma_semaphore, #tpu.memory_space<semaphore_mem>>, %arg13: memref<!tpu.dma_semaphore, #tpu.memory_space<semaphore_mem>>, %arg14: memref<!tpu.dma_semaphore, #tpu.memory_space<semaphore_mem>>, %arg15: memref<10240x128xf32, #tpu.memory_space<vmem_shared>>) attributes {dimension_semantics = [#tpu.dimension_semantics<core_parallel>, #tpu.dimension_semantics<subcore_parallel>], iteration_bounds = array<i64: 2, 16>, scalar_prefetch = 0 : i64, scratch_operands = 9 : i64, tpu.core_type = #tpu.core_type<sc_vector_subcore>, window_params = [{transform_indices = #map}, {transform_indices = #map1}, {transform_indices = #map1}, {transform_indices = #map}, {transform_indices = #map1}]} {
    %mul3A = arith.constant 16 : i32
    %mul3A_0 = arith.muli %arg0, %mul3A : i32
    %add3A = arith.addi %mul3A_0, %arg1 : i32
    "tpu.region"() ({
      %run_scoped3A = tpu.sem_alloc : memref<!tpu.dma_semaphore, #tpu.memory_space<semaphore_mem>>
      %dma_start3A_129 = arith.constant 0 : i32
      %dma_start3A_130 = arith.constant 0 : i32
      %dma_start3A_131 = tpu.memref_slice %arg3[%add3A, %dma_start3A_129, %dma_start3A_130] : memref<32x80x128xi32, #tpu.memory_space<hbm>> -> memref<1x80x128xi32, #tpu.memory_space<hbm>>
      %dma_start3A_132 = tpu.memref_squeeze %dma_start3A_131 : memref<1x80x128xi32, #tpu.memory_space<hbm>> -> memref<80x128xi32, #tpu.memory_space<hbm>>
      %dma_start3A_133 = arith.constant 0 : i32
      %dma_start3A_134 = arith.constant 0 : i32
      %dma_start3A_135 = tpu.memref_slice %arg3[%add3A, %dma_start3A_133, %dma_start3A_134] : memref<32x80x128xi32, #tpu.memory_space<hbm>> -> memref<1x80x128xi32, #tpu.memory_space<hbm>>
      %dma_start3A_136 = tpu.memref_squeeze %dma_start3A_135 : memref<1x80x128xi32, #tpu.memory_space<hbm>> -> memref<80x128xi32, #tpu.memory_space<hbm>>
      tpu.enqueue_dma source(%dma_start3A_136 : memref<80x128xi32, #tpu.memory_space<hbm>>) target(%arg7 : memref<80x128xi32, #tpu.memory_space<vmem>>) target_semaphore(%run_scoped3A : memref<!tpu.dma_semaphore, #tpu.memory_space<semaphore_mem>>)
      %dma_wait3A_137 = arith.constant 0 : i32
      %dma_wait3A_138 = arith.constant 0 : i32
      %dma_wait3A_139 = tpu.memref_slice %arg3[%add3A, %dma_wait3A_137, %dma_wait3A_138] : memref<32x80x128xi32, #tpu.memory_space<hbm>> -> memref<1x80x128xi32, #tpu.memory_space<hbm>>
      %dma_wait3A_140 = tpu.memref_squeeze %dma_wait3A_139 : memref<1x80x128xi32, #tpu.memory_space<hbm>> -> memref<80x128xi32, #tpu.memory_space<hbm>>
      %dma_wait3A_141 = arith.constant 0 : i32
      %dma_wait3A_142 = arith.constant 0 : i32
      %dma_wait3A_143 = tpu.memref_slice %arg3[%add3A, %dma_wait3A_141, %dma_wait3A_142] : memref<32x80x128xi32, #tpu.memory_space<hbm>> -> memref<1x80x128xi32, #tpu.memory_space<hbm>>
      %dma_wait3A_144 = tpu.memref_squeeze %dma_wait3A_143 : memref<1x80x128xi32, #tpu.memory_space<hbm>> -> memref<80x128xi32, #tpu.memory_space<hbm>>
      tpu.wait_dma2 semaphore(%run_scoped3A : memref<!tpu.dma_semaphore, #tpu.memory_space<semaphore_mem>>) src(%dma_wait3A_144 : memref<80x128xi32, #tpu.memory_space<hbm>>) dst(%arg7 : memref<80x128xi32, #tpu.memory_space<vmem>>)
      tpu.yield
    }) : () -> ()
    "tpu.region"() ({
      %run_scoped3A = tpu.sem_alloc : memref<!tpu.dma_semaphore, #tpu.memory_space<semaphore_mem>>
      %dma_start3A_129 = arith.constant 0 : i32
      %dma_start3A_130 = arith.constant 0 : i32
      %dma_start3A_131 = tpu.memref_slice %arg5[%dma_start3A_129, %dma_start3A_130] : memref<128x128xf32, #tpu.memory_space<hbm>> -> memref<128x128xf32, #tpu.memory_space<hbm>>
      %dma_start3A_132 = arith.constant 0 : i32
      %dma_start3A_133 = arith.constant 0 : i32
      %dma_start3A_134 = tpu.memref_slice %arg5[%dma_start3A_132, %dma_start3A_133] : memref<128x128xf32, #tpu.memory_space<hbm>> -> memref<128x128xf32, #tpu.memory_space<hbm>>
      tpu.enqueue_dma source(%dma_start3A_134 : memref<128x128xf32, #tpu.memory_space<hbm>>) target(%arg9 : memref<128x128xf32, #tpu.memory_space<vmem>>) target_semaphore(%run_scoped3A : memref<!tpu.dma_semaphore, #tpu.memory_space<semaphore_mem>>)
      %dma_wait3A_135 = arith.constant 0 : i32
      %dma_wait3A_136 = arith.constant 0 : i32
      %dma_wait3A_137 = tpu.memref_slice %arg5[%dma_wait3A_135, %dma_wait3A_136] : memref<128x128xf32, #tpu.memory_space<hbm>> -> memref<128x128xf32, #tpu.memory_space<hbm>>
      %dma_wait3A_138 = arith.constant 0 : i32
      %dma_wait3A_139 = arith.constant 0 : i32
      %dma_wait3A_140 = tpu.memref_slice %arg5[%dma_wait3A_138, %dma_wait3A_139] : memref<128x128xf32, #tpu.memory_space<hbm>> -> memref<128x128xf32, #tpu.memory_space<hbm>>
      tpu.wait_dma2 semaphore(%run_scoped3A : memref<!tpu.dma_semaphore, #tpu.memory_space<semaphore_mem>>) src(%dma_wait3A_140 : memref<128x128xf32, #tpu.memory_space<hbm>>) dst(%arg9 : memref<128x128xf32, #tpu.memory_space<vmem>>)
      tpu.yield
    }) : () -> ()
    "tpu.region"() ({
      %run_scoped3A = tpu.sem_alloc : memref<!tpu.dma_semaphore, #tpu.memory_space<semaphore_mem>>
      %dma_start3A_129 = arith.constant 0 : i32
      %dma_start3A_130 = arith.constant 0 : i32
      %dma_start3A_131 = tpu.memref_slice %arg5[%dma_start3A_129, %dma_start3A_130] : memref<128x128xf32, #tpu.memory_space<hbm>> -> memref<128x128xf32, #tpu.memory_space<hbm>>
      %dma_start3A_132 = arith.constant 0 : i32
      %dma_start3A_133 = arith.constant 0 : i32
      %dma_start3A_134 = tpu.memref_slice %arg5[%dma_start3A_132, %dma_start3A_133] : memref<128x128xf32, #tpu.memory_space<hbm>> -> memref<128x128xf32, #tpu.memory_space<hbm>>
      tpu.enqueue_dma source(%dma_start3A_134 : memref<128x128xf32, #tpu.memory_space<hbm>>) target(%arg10 : memref<128x128xf32, #tpu.memory_space<vmem>>) target_semaphore(%run_scoped3A : memref<!tpu.dma_semaphore, #tpu.memory_space<semaphore_mem>>)
      %dma_wait3A_135 = arith.constant 0 : i32
      %dma_wait3A_136 = arith.constant 0 : i32
      %dma_wait3A_137 = tpu.memref_slice %arg5[%dma_wait3A_135, %dma_wait3A_136] : memref<128x128xf32, #tpu.memory_space<hbm>> -> memref<128x128xf32, #tpu.memory_space<hbm>>
      %dma_wait3A_138 = arith.constant 0 : i32
      %dma_wait3A_139 = arith.constant 0 : i32
      %dma_wait3A_140 = tpu.memref_slice %arg5[%dma_wait3A_138, %dma_wait3A_139] : memref<128x128xf32, #tpu.memory_space<hbm>> -> memref<128x128xf32, #tpu.memory_space<hbm>>
      tpu.wait_dma2 semaphore(%run_scoped3A : memref<!tpu.dma_semaphore, #tpu.memory_space<semaphore_mem>>) src(%dma_wait3A_140 : memref<128x128xf32, #tpu.memory_space<hbm>>) dst(%arg10 : memref<128x128xf32, #tpu.memory_space<vmem>>)
      tpu.yield
    }) : () -> ()
    %mul3A_1 = arith.constant 640 : i32
    %mul3A_2 = arith.muli %arg1, %mul3A_1 : i32
    %add3A_3 = arith.constant 0 : i32
    %add3A_4 = arith.addi %mul3A_2, %add3A_3 : i32
    "tpu.region"() ({
      %run_scoped3A = tpu.sem_alloc : memref<!tpu.dma_semaphore, #tpu.memory_space<semaphore_mem>>
      %dma_start3A_129 = arith.constant 0 : i32
      %dma_start3A_130 = tpu.memref_slice %arg15[%add3A_4, %dma_start3A_129] : memref<10240x128xf32, #tpu.memory_space<vmem_shared>> -> memref<128x128xf32, #tpu.memory_space<vmem_shared>>
      %dma_start3A_131 = arith.constant 0 : i32
      %dma_start3A_132 = tpu.memref_slice %arg15[%add3A_4, %dma_start3A_131] : memref<10240x128xf32, #tpu.memory_space<vmem_shared>> -> memref<128x128xf32, #tpu.memory_space<vmem_shared>>
      tpu.enqueue_dma source(%arg9 : memref<128x128xf32, #tpu.memory_space<vmem>>) target(%dma_start3A_132 : memref<128x128xf32, #tpu.memory_space<vmem_shared>>) target_semaphore(%run_scoped3A : memref<!tpu.dma_semaphore, #tpu.memory_space<semaphore_mem>>)
      %dma_wait3A_133 = arith.constant 0 : i32
      %dma_wait3A_134 = tpu.memref_slice %arg15[%add3A_4, %dma_wait3A_133] : memref<10240x128xf32, #tpu.memory_space<vmem_shared>> -> memref<128x128xf32, #tpu.memory_space<vmem_shared>>
      %dma_wait3A_135 = arith.constant 0 : i32
      %dma_wait3A_136 = tpu.memref_slice %arg15[%add3A_4, %dma_wait3A_135] : memref<10240x128xf32, #tpu.memory_space<vmem_shared>> -> memref<128x128xf32, #tpu.memory_space<vmem_shared>>
      tpu.wait_dma2 semaphore(%run_scoped3A : memref<!tpu.dma_semaphore, #tpu.memory_space<semaphore_mem>>) src(%arg9 : memref<128x128xf32, #tpu.memory_space<vmem>>) dst(%dma_wait3A_136 : memref<128x128xf32, #tpu.memory_space<vmem_shared>>)
      tpu.yield
    }) : () -> ()
    %mul3A_5 = arith.constant 640 : i32
    %mul3A_6 = arith.muli %arg1, %mul3A_5 : i32
    %add3A_7 = arith.constant 128 : i32
    %add3A_8 = arith.addi %mul3A_6, %add3A_7 : i32
    "tpu.region"() ({
      %run_scoped3A = tpu.sem_alloc : memref<!tpu.dma_semaphore, #tpu.memory_space<semaphore_mem>>
      %dma_start3A_129 = arith.constant 0 : i32
      %dma_start3A_130 = tpu.memref_slice %arg15[%add3A_8, %dma_start3A_129] : memref<10240x128xf32, #tpu.memory_space<vmem_shared>> -> memref<128x128xf32, #tpu.memory_space<vmem_shared>>
      %dma_start3A_131 = arith.constant 0 : i32
      %dma_start3A_132 = tpu.memref_slice %arg15[%add3A_8, %dma_start3A_131] : memref<10240x128xf32, #tpu.memory_space<vmem_shared>> -> memref<128x128xf32, #tpu.memory_space<vmem_shared>>
      tpu.enqueue_dma source(%arg10 : memref<128x128xf32, #tpu.memory_space<vmem>>) target(%dma_start3A_132 : memref<128x128xf32, #tpu.memory_space<vmem_shared>>) target_semaphore(%run_scoped3A : memref<!tpu.dma_semaphore, #tpu.memory_space<semaphore_mem>>)
      %dma_wait3A_133 = arith.constant 0 : i32
      %dma_wait3A_134 = tpu.memref_slice %arg15[%add3A_8, %dma_wait3A_133] : memref<10240x128xf32, #tpu.memory_space<vmem_shared>> -> memref<128x128xf32, #tpu.memory_space<vmem_shared>>
      %dma_wait3A_135 = arith.constant 0 : i32
      %dma_wait3A_136 = tpu.memref_slice %arg15[%add3A_8, %dma_wait3A_135] : memref<10240x128xf32, #tpu.memory_space<vmem_shared>> -> memref<128x128xf32, #tpu.memory_space<vmem_shared>>
      tpu.wait_dma2 semaphore(%run_scoped3A : memref<!tpu.dma_semaphore, #tpu.memory_space<semaphore_mem>>) src(%arg10 : memref<128x128xf32, #tpu.memory_space<vmem>>) dst(%dma_wait3A_136 : memref<128x128xf32, #tpu.memory_space<vmem_shared>>)
      tpu.yield
    }) : () -> ()
    %mul3A_9 = arith.constant 640 : i32
    %mul3A_10 = arith.muli %arg1, %mul3A_9 : i32
    %add3A_11 = arith.constant 256 : i32
    %add3A_12 = arith.addi %mul3A_10, %add3A_11 : i32
    "tpu.region"() ({
      %run_scoped3A = tpu.sem_alloc : memref<!tpu.dma_semaphore, #tpu.memory_space<semaphore_mem>>
      %dma_start3A_129 = arith.constant 0 : i32
      %dma_start3A_130 = tpu.memref_slice %arg15[%add3A_12, %dma_start3A_129] : memref<10240x128xf32, #tpu.memory_space<vmem_shared>> -> memref<128x128xf32, #tpu.memory_space<vmem_shared>>
      %dma_start3A_131 = arith.constant 0 : i32
      %dma_start3A_132 = tpu.memref_slice %arg15[%add3A_12, %dma_start3A_131] : memref<10240x128xf32, #tpu.memory_space<vmem_shared>> -> memref<128x128xf32, #tpu.memory_space<vmem_shared>>
      tpu.enqueue_dma source(%arg9 : memref<128x128xf32, #tpu.memory_space<vmem>>) target(%dma_start3A_132 : memref<128x128xf32, #tpu.memory_space<vmem_shared>>) target_semaphore(%run_scoped3A : memref<!tpu.dma_semaphore, #tpu.memory_space<semaphore_mem>>)
      %dma_wait3A_133 = arith.constant 0 : i32
      %dma_wait3A_134 = tpu.memref_slice %arg15[%add3A_12, %dma_wait3A_133] : memref<10240x128xf32, #tpu.memory_space<vmem_shared>> -> memref<128x128xf32, #tpu.memory_space<vmem_shared>>
      %dma_wait3A_135 = arith.constant 0 : i32
      %dma_wait3A_136 = tpu.memref_slice %arg15[%add3A_12, %dma_wait3A_135] : memref<10240x128xf32, #tpu.memory_space<vmem_shared>> -> memref<128x128xf32, #tpu.memory_space<vmem_shared>>
      tpu.wait_dma2 semaphore(%run_scoped3A : memref<!tpu.dma_semaphore, #tpu.memory_space<semaphore_mem>>) src(%arg9 : memref<128x128xf32, #tpu.memory_space<vmem>>) dst(%dma_wait3A_136 : memref<128x128xf32, #tpu.memory_space<vmem_shared>>)
      tpu.yield
    }) : () -> ()
    %mul3A_13 = arith.constant 640 : i32
    %mul3A_14 = arith.muli %arg1, %mul3A_13 : i32
    %add3A_15 = arith.constant 384 : i32
    %add3A_16 = arith.addi %mul3A_14, %add3A_15 : i32
    "tpu.region"() ({
      %run_scoped3A = tpu.sem_alloc : memref<!tpu.dma_semaphore, #tpu.memory_space<semaphore_mem>>
      %dma_start3A_129 = arith.constant 0 : i32
      %dma_start3A_130 = tpu.memref_slice %arg15[%add3A_16, %dma_start3A_129] : memref<10240x128xf32, #tpu.memory_space<vmem_shared>> -> memref<128x128xf32, #tpu.memory_space<vmem_shared>>
      %dma_start3A_131 = arith.constant 0 : i32
      %dma_start3A_132 = tpu.memref_slice %arg15[%add3A_16, %dma_start3A_131] : memref<10240x128xf32, #tpu.memory_space<vmem_shared>> -> memref<128x128xf32, #tpu.memory_space<vmem_shared>>
      tpu.enqueue_dma source(%arg10 : memref<128x128xf32, #tpu.memory_space<vmem>>) target(%dma_start3A_132 : memref<128x128xf32, #tpu.memory_space<vmem_shared>>) target_semaphore(%run_scoped3A : memref<!tpu.dma_semaphore, #tpu.memory_space<semaphore_mem>>)
      %dma_wait3A_133 = arith.constant 0 : i32
      %dma_wait3A_134 = tpu.memref_slice %arg15[%add3A_16, %dma_wait3A_133] : memref<10240x128xf32, #tpu.memory_space<vmem_shared>> -> memref<128x128xf32, #tpu.memory_space<vmem_shared>>
      %dma_wait3A_135 = arith.constant 0 : i32
      %dma_wait3A_136 = tpu.memref_slice %arg15[%add3A_16, %dma_wait3A_135] : memref<10240x128xf32, #tpu.memory_space<vmem_shared>> -> memref<128x128xf32, #tpu.memory_space<vmem_shared>>
      tpu.wait_dma2 semaphore(%run_scoped3A : memref<!tpu.dma_semaphore, #tpu.memory_space<semaphore_mem>>) src(%arg10 : memref<128x128xf32, #tpu.memory_space<vmem>>) dst(%dma_wait3A_136 : memref<128x128xf32, #tpu.memory_space<vmem_shared>>)
      tpu.yield
    }) : () -> ()
    %mul3A_17 = arith.constant 640 : i32
    %mul3A_18 = arith.muli %arg1, %mul3A_17 : i32
    %add3A_19 = arith.constant 512 : i32
    %add3A_20 = arith.addi %mul3A_18, %add3A_19 : i32
    "tpu.region"() ({
      %run_scoped3A = tpu.sem_alloc : memref<!tpu.dma_semaphore, #tpu.memory_space<semaphore_mem>>
      %dma_start3A_129 = arith.constant 0 : i32
      %dma_start3A_130 = tpu.memref_slice %arg15[%add3A_20, %dma_start3A_129] : memref<10240x128xf32, #tpu.memory_space<vmem_shared>> -> memref<128x128xf32, #tpu.memory_space<vmem_shared>>
      %dma_start3A_131 = arith.constant 0 : i32
      %dma_start3A_132 = tpu.memref_slice %arg15[%add3A_20, %dma_start3A_131] : memref<10240x128xf32, #tpu.memory_space<vmem_shared>> -> memref<128x128xf32, #tpu.memory_space<vmem_shared>>
      tpu.enqueue_dma source(%arg9 : memref<128x128xf32, #tpu.memory_space<vmem>>) target(%dma_start3A_132 : memref<128x128xf32, #tpu.memory_space<vmem_shared>>) target_semaphore(%run_scoped3A : memref<!tpu.dma_semaphore, #tpu.memory_space<semaphore_mem>>)
      %dma_wait3A_133 = arith.constant 0 : i32
      %dma_wait3A_134 = tpu.memref_slice %arg15[%add3A_20, %dma_wait3A_133] : memref<10240x128xf32, #tpu.memory_space<vmem_shared>> -> memref<128x128xf32, #tpu.memory_space<vmem_shared>>
      %dma_wait3A_135 = arith.constant 0 : i32
      %dma_wait3A_136 = tpu.memref_slice %arg15[%add3A_20, %dma_wait3A_135] : memref<10240x128xf32, #tpu.memory_space<vmem_shared>> -> memref<128x128xf32, #tpu.memory_space<vmem_shared>>
      tpu.wait_dma2 semaphore(%run_scoped3A : memref<!tpu.dma_semaphore, #tpu.memory_space<semaphore_mem>>) src(%arg9 : memref<128x128xf32, #tpu.memory_space<vmem>>) dst(%dma_wait3A_136 : memref<128x128xf32, #tpu.memory_space<vmem_shared>>)
      tpu.yield
    }) : () -> ()
    %barrier3A = arith.constant 0 : index
    tpu.barrier barrier_id(%barrier3A)
    %dma_start3A = arith.constant 0 : i32
    %dma_start3A_21 = arith.constant 0 : i32
    %dma_start3A_22 = arith.constant 0 : i32
    %dma_start3A_23 = tpu.memref_slice %arg8[%dma_start3A_21, %dma_start3A_22] : memref<2x128xi32, #tpu.memory_space<vmem>> -> memref<1x128xi32, #tpu.memory_space<vmem>>
    %dma_start3A_24 = tpu.memref_squeeze %dma_start3A_23 : memref<1x128xi32, #tpu.memory_space<vmem>> -> memref<128xi32, #tpu.memory_space<vmem>>
    %dma_start3A_25 = arith.constant 0 : i32
    %dma_start3A_26 = tpu.memref_slice %arg4[%add3A, %dma_start3A, %dma_start3A_25] : memref<32x80x128xi32, #tpu.memory_space<hbm>> -> memref<1x1x128xi32, #tpu.memory_space<hbm>>
    %dma_start3A_27 = tpu.memref_squeeze %dma_start3A_26 : memref<1x1x128xi32, #tpu.memory_space<hbm>> -> memref<128xi32, #tpu.memory_space<hbm>>
    %dma_start3A_28 = arith.constant 0 : i32
    %dma_start3A_29 = tpu.memref_slice %arg8[%dma_start3A_21, %dma_start3A_28] : memref<2x128xi32, #tpu.memory_space<vmem>> -> memref<1x128xi32, #tpu.memory_space<vmem>>
    %dma_start3A_30 = tpu.memref_squeeze %dma_start3A_29 : memref<1x128xi32, #tpu.memory_space<vmem>> -> memref<128xi32, #tpu.memory_space<vmem>>
    %dma_start3A_31 = arith.constant 0 : i32
    %dma_start3A_32 = tpu.memref_slice %arg4[%add3A, %dma_start3A, %dma_start3A_31] : memref<32x80x128xi32, #tpu.memory_space<hbm>> -> memref<1x1x128xi32, #tpu.memory_space<hbm>>
    %dma_start3A_33 = tpu.memref_squeeze %dma_start3A_32 : memref<1x1x128xi32, #tpu.memory_space<hbm>> -> memref<128xi32, #tpu.memory_space<hbm>>
    tpu.enqueue_dma source(%dma_start3A_33 : memref<128xi32, #tpu.memory_space<hbm>>) target(%dma_start3A_30 : memref<128xi32, #tpu.memory_space<vmem>>) target_semaphore(%arg13 : memref<!tpu.dma_semaphore, #tpu.memory_space<semaphore_mem>>)
    %dma_start3A_34 = arith.constant 0 : i32
    %dma_start3A_35 = arith.constant 0 : i32
    %dma_start3A_36 = tpu.memref_slice %arg7[%dma_start3A_34, %dma_start3A_35] : memref<80x128xi32, #tpu.memory_space<vmem>> -> memref<1x128xi32, #tpu.memory_space<vmem>>
    %dma_start3A_37 = tpu.memref_squeeze %dma_start3A_36 : memref<1x128xi32, #tpu.memory_space<vmem>> -> memref<128xi32, #tpu.memory_space<vmem>>
    %dma_start3A_38 = arith.constant 0 : i32
    %dma_start3A_39 = arith.constant 0 : i32
    %dma_start3A_40 = tpu.memref_slice %arg2[%dma_start3A_38, %dma_start3A_39] : memref<10240x128xf32, #tpu.memory_space<hbm>> -> memref<10240x128xf32, #tpu.memory_space<hbm>>
    tpu.enqueue_indirect_dma source(%dma_start3A_40 : memref<10240x128xf32, #tpu.memory_space<hbm>>) target(%arg9 : memref<128x128xf32, #tpu.memory_space<vmem>>) offsets(%dma_start3A_37 : memref<128xi32, #tpu.memory_space<vmem>>) semaphore(%arg11 : memref<!tpu.dma_semaphore, #tpu.memory_space<semaphore_mem>>)
    %dma_start3A_41 = arith.constant 1 : i32
    %dma_start3A_42 = arith.constant 1 : i32
    %dma_start3A_43 = arith.constant 0 : i32
    %dma_start3A_44 = tpu.memref_slice %arg8[%dma_start3A_42, %dma_start3A_43] : memref<2x128xi32, #tpu.memory_space<vmem>> -> memref<1x128xi32, #tpu.memory_space<vmem>>
    %dma_start3A_45 = tpu.memref_squeeze %dma_start3A_44 : memref<1x128xi32, #tpu.memory_space<vmem>> -> memref<128xi32, #tpu.memory_space<vmem>>
    %dma_start3A_46 = arith.constant 0 : i32
    %dma_start3A_47 = tpu.memref_slice %arg4[%add3A, %dma_start3A_41, %dma_start3A_46] : memref<32x80x128xi32, #tpu.memory_space<hbm>> -> memref<1x1x128xi32, #tpu.memory_space<hbm>>
    %dma_start3A_48 = tpu.memref_squeeze %dma_start3A_47 : memref<1x1x128xi32, #tpu.memory_space<hbm>> -> memref<128xi32, #tpu.memory_space<hbm>>
    %dma_start3A_49 = arith.constant 0 : i32
    %dma_start3A_50 = tpu.memref_slice %arg8[%dma_start3A_42, %dma_start3A_49] : memref<2x128xi32, #tpu.memory_space<vmem>> -> memref<1x128xi32, #tpu.memory_space<vmem>>
    %dma_start3A_51 = tpu.memref_squeeze %dma_start3A_50 : memref<1x128xi32, #tpu.memory_space<vmem>> -> memref<128xi32, #tpu.memory_space<vmem>>
    %dma_start3A_52 = arith.constant 0 : i32
    %dma_start3A_53 = tpu.memref_slice %arg4[%add3A, %dma_start3A_41, %dma_start3A_52] : memref<32x80x128xi32, #tpu.memory_space<hbm>> -> memref<1x1x128xi32, #tpu.memory_space<hbm>>
    %dma_start3A_54 = tpu.memref_squeeze %dma_start3A_53 : memref<1x1x128xi32, #tpu.memory_space<hbm>> -> memref<128xi32, #tpu.memory_space<hbm>>
    tpu.enqueue_dma source(%dma_start3A_54 : memref<128xi32, #tpu.memory_space<hbm>>) target(%dma_start3A_51 : memref<128xi32, #tpu.memory_space<vmem>>) target_semaphore(%arg14 : memref<!tpu.dma_semaphore, #tpu.memory_space<semaphore_mem>>)
    %dma_start3A_55 = arith.constant 1 : i32
    %dma_start3A_56 = arith.constant 0 : i32
    %dma_start3A_57 = tpu.memref_slice %arg7[%dma_start3A_55, %dma_start3A_56] : memref<80x128xi32, #tpu.memory_space<vmem>> -> memref<1x128xi32, #tpu.memory_space<vmem>>
    %dma_start3A_58 = tpu.memref_squeeze %dma_start3A_57 : memref<1x128xi32, #tpu.memory_space<vmem>> -> memref<128xi32, #tpu.memory_space<vmem>>
    %dma_start3A_59 = arith.constant 0 : i32
    %dma_start3A_60 = arith.constant 0 : i32
    %dma_start3A_61 = tpu.memref_slice %arg2[%dma_start3A_59, %dma_start3A_60] : memref<10240x128xf32, #tpu.memory_space<hbm>> -> memref<10240x128xf32, #tpu.memory_space<hbm>>
    tpu.enqueue_indirect_dma source(%dma_start3A_61 : memref<10240x128xf32, #tpu.memory_space<hbm>>) target(%arg10 : memref<128x128xf32, #tpu.memory_space<vmem>>) offsets(%dma_start3A_58 : memref<128xi32, #tpu.memory_space<vmem>>) semaphore(%arg12 : memref<!tpu.dma_semaphore, #tpu.memory_space<semaphore_mem>>)
    %scan3A = arith.constant 0 : i32
    %scan3A_62 = arith.constant 0 : i32
    %scan3A_63 = arith.constant 40 : i32
    %scan3A_64 = arith.addi %scan3A_62, %scan3A_63 : i32
    %scan3A_65 = arith.constant 1 : i32
    scf.for %scan3A_129 = %scan3A_62 to %scan3A_64 step %scan3A_65  : i32 {
      %mul3A_130 = arith.constant 2 : i32
      %mul3A_131 = arith.muli %mul3A_130, %scan3A_129 : i32
      %add3A_132 = arith.constant 0 : i32
      %add3A_133 = arith.addi %add3A_132, %mul3A_131 : i32
      %add3A_134 = arith.constant 0 : i32
      %add3A_135 = arith.addi %add3A_133, %add3A_134 : i32
      %add3A_136 = arith.constant 2 : i32
      %add3A_137 = arith.addi %add3A_135, %add3A_136 : i32
      %min3A = arith.constant 79 : i32
      %min3A_138 = arith.minsi %add3A_137, %min3A : i32
      %dma_wait3A_139 = arith.constant 0 : i32
      %dma_wait3A_140 = tpu.memref_slice %arg7[%add3A_135, %dma_wait3A_139] : memref<80x128xi32, #tpu.memory_space<vmem>> -> memref<1x128xi32, #tpu.memory_space<vmem>>
      %dma_wait3A_141 = tpu.memref_squeeze %dma_wait3A_140 : memref<1x128xi32, #tpu.memory_space<vmem>> -> memref<128xi32, #tpu.memory_space<vmem>>
      %dma_wait3A_142 = arith.constant 0 : i32
      %dma_wait3A_143 = arith.constant 0 : i32
      %dma_wait3A_144 = tpu.memref_slice %arg2[%dma_wait3A_142, %dma_wait3A_143] : memref<10240x128xf32, #tpu.memory_space<hbm>> -> memref<10240x128xf32, #tpu.memory_space<hbm>>
      tpu.wait_indirect_dma semaphore(%arg11 : memref<!tpu.dma_semaphore, #tpu.memory_space<semaphore_mem>>) src(%dma_wait3A_144 : memref<10240x128xf32, #tpu.memory_space<hbm>>) dst(%arg9 : memref<128x128xf32, #tpu.memory_space<vmem>>)
      %dma_wait3A_145 = arith.constant 0 : i32
      %dma_wait3A_146 = arith.constant 0 : i32
      %dma_wait3A_147 = tpu.memref_slice %arg8[%dma_wait3A_145, %dma_wait3A_146] : memref<2x128xi32, #tpu.memory_space<vmem>> -> memref<1x128xi32, #tpu.memory_space<vmem>>
      %dma_wait3A_148 = tpu.memref_squeeze %dma_wait3A_147 : memref<1x128xi32, #tpu.memory_space<vmem>> -> memref<128xi32, #tpu.memory_space<vmem>>
      %dma_wait3A_149 = arith.constant 0 : i32
      %dma_wait3A_150 = tpu.memref_slice %arg4[%add3A, %add3A_135, %dma_wait3A_149] : memref<32x80x128xi32, #tpu.memory_space<hbm>> -> memref<1x1x128xi32, #tpu.memory_space<hbm>>
      %dma_wait3A_151 = tpu.memref_squeeze %dma_wait3A_150 : memref<1x1x128xi32, #tpu.memory_space<hbm>> -> memref<128xi32, #tpu.memory_space<hbm>>
      %dma_wait3A_152 = arith.constant 0 : i32
      %dma_wait3A_153 = tpu.memref_slice %arg8[%dma_wait3A_145, %dma_wait3A_152] : memref<2x128xi32, #tpu.memory_space<vmem>> -> memref<1x128xi32, #tpu.memory_space<vmem>>
      %dma_wait3A_154 = tpu.memref_squeeze %dma_wait3A_153 : memref<1x128xi32, #tpu.memory_space<vmem>> -> memref<128xi32, #tpu.memory_space<vmem>>
      %dma_wait3A_155 = arith.constant 0 : i32
      %dma_wait3A_156 = tpu.memref_slice %arg4[%add3A, %add3A_135, %dma_wait3A_155] : memref<32x80x128xi32, #tpu.memory_space<hbm>> -> memref<1x1x128xi32, #tpu.memory_space<hbm>>
      %dma_wait3A_157 = tpu.memref_squeeze %dma_wait3A_156 : memref<1x1x128xi32, #tpu.memory_space<hbm>> -> memref<128xi32, #tpu.memory_space<hbm>>
      tpu.wait_dma2 semaphore(%arg13 : memref<!tpu.dma_semaphore, #tpu.memory_space<semaphore_mem>>) src(%dma_wait3A_157 : memref<128xi32, #tpu.memory_space<hbm>>) dst(%dma_wait3A_154 : memref<128xi32, #tpu.memory_space<vmem>>)
      %run_scoped3A = arith.constant 0 : i32
      "tpu.region"() ({
        %run_scoped3A_226 = tpu.sem_alloc : memref<!tpu.dma_semaphore, #tpu.memory_space<semaphore_mem>>
        %dma_start3A_227 = arith.constant 0 : i32
        %dma_start3A_228 = tpu.memref_slice %arg8[%run_scoped3A, %dma_start3A_227] : memref<2x128xi32, #tpu.memory_space<vmem>> -> memref<1x128xi32, #tpu.memory_space<vmem>>
        %dma_start3A_229 = tpu.memref_squeeze %dma_start3A_228 : memref<1x128xi32, #tpu.memory_space<vmem>> -> memref<128xi32, #tpu.memory_space<vmem>>
        %dma_start3A_230 = arith.constant 0 : i32
        %dma_start3A_231 = arith.constant 0 : i32
        %dma_start3A_232 = tpu.memref_slice %arg15[%dma_start3A_230, %dma_start3A_231] : memref<10240x128xf32, #tpu.memory_space<vmem_shared>> -> memref<10240x128xf32, #tpu.memory_space<vmem_shared>>
        tpu.enqueue_indirect_dma source(%arg9 : memref<128x128xf32, #tpu.memory_space<vmem>>) target(%dma_start3A_232 : memref<10240x128xf32, #tpu.memory_space<vmem_shared>>) offsets(%dma_start3A_229 : memref<128xi32, #tpu.memory_space<vmem>>) semaphore(%run_scoped3A_226 : memref<!tpu.dma_semaphore, #tpu.memory_space<semaphore_mem>>) {add = true}
        %dma_wait3A_233 = arith.constant 0 : i32
        %dma_wait3A_234 = tpu.memref_slice %arg8[%run_scoped3A, %dma_wait3A_233] : memref<2x128xi32, #tpu.memory_space<vmem>> -> memref<1x128xi32, #tpu.memory_space<vmem>>
        %dma_wait3A_235 = tpu.memref_squeeze %dma_wait3A_234 : memref<1x128xi32, #tpu.memory_space<vmem>> -> memref<128xi32, #tpu.memory_space<vmem>>
        %dma_wait3A_236 = arith.constant 0 : i32
        %dma_wait3A_237 = arith.constant 0 : i32
        %dma_wait3A_238 = tpu.memref_slice %arg15[%dma_wait3A_236, %dma_wait3A_237] : memref<10240x128xf32, #tpu.memory_space<vmem_shared>> -> memref<10240x128xf32, #tpu.memory_space<vmem_shared>>
        tpu.wait_indirect_dma semaphore(%run_scoped3A_226 : memref<!tpu.dma_semaphore, #tpu.memory_space<semaphore_mem>>) src(%arg9 : memref<128x128xf32, #tpu.memory_space<vmem>>) dst(%dma_wait3A_238 : memref<10240x128xf32, #tpu.memory_space<vmem_shared>>)
        tpu.yield
      }) : () -> ()
      %dma_start3A_158 = arith.constant 0 : i32
      %dma_start3A_159 = arith.constant 0 : i32
      %dma_start3A_160 = tpu.memref_slice %arg8[%dma_start3A_158, %dma_start3A_159] : memref<2x128xi32, #tpu.memory_space<vmem>> -> memref<1x128xi32, #tpu.memory_space<vmem>>
      %dma_start3A_161 = tpu.memref_squeeze %dma_start3A_160 : memref<1x128xi32, #tpu.memory_space<vmem>> -> memref<128xi32, #tpu.memory_space<vmem>>
      %dma_start3A_162 = arith.constant 0 : i32
      %dma_start3A_163 = tpu.memref_slice %arg4[%add3A, %min3A_138, %dma_start3A_162] : memref<32x80x128xi32, #tpu.memory_space<hbm>> -> memref<1x1x128xi32, #tpu.memory_space<hbm>>
      %dma_start3A_164 = tpu.memref_squeeze %dma_start3A_163 : memref<1x1x128xi32, #tpu.memory_space<hbm>> -> memref<128xi32, #tpu.memory_space<hbm>>
      %dma_start3A_165 = arith.constant 0 : i32
      %dma_start3A_166 = tpu.memref_slice %arg8[%dma_start3A_158, %dma_start3A_165] : memref<2x128xi32, #tpu.memory_space<vmem>> -> memref<1x128xi32, #tpu.memory_space<vmem>>
      %dma_start3A_167 = tpu.memref_squeeze %dma_start3A_166 : memref<1x128xi32, #tpu.memory_space<vmem>> -> memref<128xi32, #tpu.memory_space<vmem>>
      %dma_start3A_168 = arith.constant 0 : i32
      %dma_start3A_169 = tpu.memref_slice %arg4[%add3A, %min3A_138, %dma_start3A_168] : memref<32x80x128xi32, #tpu.memory_space<hbm>> -> memref<1x1x128xi32, #tpu.memory_space<hbm>>
      %dma_start3A_170 = tpu.memref_squeeze %dma_start3A_169 : memref<1x1x128xi32, #tpu.memory_space<hbm>> -> memref<128xi32, #tpu.memory_space<hbm>>
      tpu.enqueue_dma source(%dma_start3A_170 : memref<128xi32, #tpu.memory_space<hbm>>) target(%dma_start3A_167 : memref<128xi32, #tpu.memory_space<vmem>>) target_semaphore(%arg13 : memref<!tpu.dma_semaphore, #tpu.memory_space<semaphore_mem>>)
      %dma_start3A_171 = arith.constant 0 : i32
      %dma_start3A_172 = tpu.memref_slice %arg7[%min3A_138, %dma_start3A_171] : memref<80x128xi32, #tpu.memory_space<vmem>> -> memref<1x128xi32, #tpu.memory_space<vmem>>
      %dma_start3A_173 = tpu.memref_squeeze %dma_start3A_172 : memref<1x128xi32, #tpu.memory_space<vmem>> -> memref<128xi32, #tpu.memory_space<vmem>>
      %dma_start3A_174 = arith.constant 0 : i32
      %dma_start3A_175 = arith.constant 0 : i32
      %dma_start3A_176 = tpu.memref_slice %arg2[%dma_start3A_174, %dma_start3A_175] : memref<10240x128xf32, #tpu.memory_space<hbm>> -> memref<10240x128xf32, #tpu.memory_space<hbm>>
      tpu.enqueue_indirect_dma source(%dma_start3A_176 : memref<10240x128xf32, #tpu.memory_space<hbm>>) target(%arg9 : memref<128x128xf32, #tpu.memory_space<vmem>>) offsets(%dma_start3A_173 : memref<128xi32, #tpu.memory_space<vmem>>) semaphore(%arg11 : memref<!tpu.dma_semaphore, #tpu.memory_space<semaphore_mem>>)
      %mul3A_177 = arith.constant 2 : i32
      %mul3A_178 = arith.muli %mul3A_177, %scan3A_129 : i32
      %add3A_179 = arith.constant 0 : i32
      %add3A_180 = arith.addi %add3A_179, %mul3A_178 : i32
      %add3A_181 = arith.constant 1 : i32
      %add3A_182 = arith.addi %add3A_180, %add3A_181 : i32
      %add3A_183 = arith.constant 2 : i32
      %add3A_184 = arith.addi %add3A_182, %add3A_183 : i32
      %min3A_185 = arith.constant 79 : i32
      %min3A_186 = arith.minsi %add3A_184, %min3A_185 : i32
      %dma_wait3A_187 = arith.constant 0 : i32
      %dma_wait3A_188 = tpu.memref_slice %arg7[%add3A_182, %dma_wait3A_187] : memref<80x128xi32, #tpu.memory_space<vmem>> -> memref<1x128xi32, #tpu.memory_space<vmem>>
      %dma_wait3A_189 = tpu.memref_squeeze %dma_wait3A_188 : memref<1x128xi32, #tpu.memory_space<vmem>> -> memref<128xi32, #tpu.memory_space<vmem>>
      %dma_wait3A_190 = arith.constant 0 : i32
      %dma_wait3A_191 = arith.constant 0 : i32
      %dma_wait3A_192 = tpu.memref_slice %arg2[%dma_wait3A_190, %dma_wait3A_191] : memref<10240x128xf32, #tpu.memory_space<hbm>> -> memref<10240x128xf32, #tpu.memory_space<hbm>>
      tpu.wait_indirect_dma semaphore(%arg12 : memref<!tpu.dma_semaphore, #tpu.memory_space<semaphore_mem>>) src(%dma_wait3A_192 : memref<10240x128xf32, #tpu.memory_space<hbm>>) dst(%arg10 : memref<128x128xf32, #tpu.memory_space<vmem>>)
      %dma_wait3A_193 = arith.constant 1 : i32
      %dma_wait3A_194 = arith.constant 0 : i32
      %dma_wait3A_195 = tpu.memref_slice %arg8[%dma_wait3A_193, %dma_wait3A_194] : memref<2x128xi32, #tpu.memory_space<vmem>> -> memref<1x128xi32, #tpu.memory_space<vmem>>
      %dma_wait3A_196 = tpu.memref_squeeze %dma_wait3A_195 : memref<1x128xi32, #tpu.memory_space<vmem>> -> memref<128xi32, #tpu.memory_space<vmem>>
      %dma_wait3A_197 = arith.constant 0 : i32
      %dma_wait3A_198 = tpu.memref_slice %arg4[%add3A, %add3A_182, %dma_wait3A_197] : memref<32x80x128xi32, #tpu.memory_space<hbm>> -> memref<1x1x128xi32, #tpu.memory_space<hbm>>
      %dma_wait3A_199 = tpu.memref_squeeze %dma_wait3A_198 : memref<1x1x128xi32, #tpu.memory_space<hbm>> -> memref<128xi32, #tpu.memory_space<hbm>>
      %dma_wait3A_200 = arith.constant 0 : i32
      %dma_wait3A_201 = tpu.memref_slice %arg8[%dma_wait3A_193, %dma_wait3A_200] : memref<2x128xi32, #tpu.memory_space<vmem>> -> memref<1x128xi32, #tpu.memory_space<vmem>>
      %dma_wait3A_202 = tpu.memref_squeeze %dma_wait3A_201 : memref<1x128xi32, #tpu.memory_space<vmem>> -> memref<128xi32, #tpu.memory_space<vmem>>
      %dma_wait3A_203 = arith.constant 0 : i32
      %dma_wait3A_204 = tpu.memref_slice %arg4[%add3A, %add3A_182, %dma_wait3A_203] : memref<32x80x128xi32, #tpu.memory_space<hbm>> -> memref<1x1x128xi32, #tpu.memory_space<hbm>>
      %dma_wait3A_205 = tpu.memref_squeeze %dma_wait3A_204 : memref<1x1x128xi32, #tpu.memory_space<hbm>> -> memref<128xi32, #tpu.memory_space<hbm>>
      tpu.wait_dma2 semaphore(%arg14 : memref<!tpu.dma_semaphore, #tpu.memory_space<semaphore_mem>>) src(%dma_wait3A_205 : memref<128xi32, #tpu.memory_space<hbm>>) dst(%dma_wait3A_202 : memref<128xi32, #tpu.memory_space<vmem>>)
      %run_scoped3A_206 = arith.constant 1 : i32
      "tpu.region"() ({
        %run_scoped3A_226 = tpu.sem_alloc : memref<!tpu.dma_semaphore, #tpu.memory_space<semaphore_mem>>
        %dma_start3A_227 = arith.constant 0 : i32
        %dma_start3A_228 = tpu.memref_slice %arg8[%run_scoped3A_206, %dma_start3A_227] : memref<2x128xi32, #tpu.memory_space<vmem>> -> memref<1x128xi32, #tpu.memory_space<vmem>>
        %dma_start3A_229 = tpu.memref_squeeze %dma_start3A_228 : memref<1x128xi32, #tpu.memory_space<vmem>> -> memref<128xi32, #tpu.memory_space<vmem>>
        %dma_start3A_230 = arith.constant 0 : i32
        %dma_start3A_231 = arith.constant 0 : i32
        %dma_start3A_232 = tpu.memref_slice %arg15[%dma_start3A_230, %dma_start3A_231] : memref<10240x128xf32, #tpu.memory_space<vmem_shared>> -> memref<10240x128xf32, #tpu.memory_space<vmem_shared>>
        tpu.enqueue_indirect_dma source(%arg10 : memref<128x128xf32, #tpu.memory_space<vmem>>) target(%dma_start3A_232 : memref<10240x128xf32, #tpu.memory_space<vmem_shared>>) offsets(%dma_start3A_229 : memref<128xi32, #tpu.memory_space<vmem>>) semaphore(%run_scoped3A_226 : memref<!tpu.dma_semaphore, #tpu.memory_space<semaphore_mem>>) {add = true}
        %dma_wait3A_233 = arith.constant 0 : i32
        %dma_wait3A_234 = tpu.memref_slice %arg8[%run_scoped3A_206, %dma_wait3A_233] : memref<2x128xi32, #tpu.memory_space<vmem>> -> memref<1x128xi32, #tpu.memory_space<vmem>>
        %dma_wait3A_235 = tpu.memref_squeeze %dma_wait3A_234 : memref<1x128xi32, #tpu.memory_space<vmem>> -> memref<128xi32, #tpu.memory_space<vmem>>
        %dma_wait3A_236 = arith.constant 0 : i32
        %dma_wait3A_237 = arith.constant 0 : i32
        %dma_wait3A_238 = tpu.memref_slice %arg15[%dma_wait3A_236, %dma_wait3A_237] : memref<10240x128xf32, #tpu.memory_space<vmem_shared>> -> memref<10240x128xf32, #tpu.memory_space<vmem_shared>>
        tpu.wait_indirect_dma semaphore(%run_scoped3A_226 : memref<!tpu.dma_semaphore, #tpu.memory_space<semaphore_mem>>) src(%arg10 : memref<128x128xf32, #tpu.memory_space<vmem>>) dst(%dma_wait3A_238 : memref<10240x128xf32, #tpu.memory_space<vmem_shared>>)
        tpu.yield
      }) : () -> ()
      %dma_start3A_207 = arith.constant 1 : i32
      %dma_start3A_208 = arith.constant 0 : i32
      %dma_start3A_209 = tpu.memref_slice %arg8[%dma_start3A_207, %dma_start3A_208] : memref<2x128xi32, #tpu.memory_space<vmem>> -> memref<1x128xi32, #tpu.memory_space<vmem>>
      %dma_start3A_210 = tpu.memref_squeeze %dma_start3A_209 : memref<1x128xi32, #tpu.memory_space<vmem>> -> memref<128xi32, #tpu.memory_space<vmem>>
      %dma_start3A_211 = arith.constant 0 : i32
      %dma_start3A_212 = tpu.memref_slice %arg4[%add3A, %min3A_186, %dma_start3A_211] : memref<32x80x128xi32, #tpu.memory_space<hbm>> -> memref<1x1x128xi32, #tpu.memory_space<hbm>>
      %dma_start3A_213 = tpu.memref_squeeze %dma_start3A_212 : memref<1x1x128xi32, #tpu.memory_space<hbm>> -> memref<128xi32, #tpu.memory_space<hbm>>
      %dma_start3A_214 = arith.constant 0 : i32
      %dma_start3A_215 = tpu.memref_slice %arg8[%dma_start3A_207, %dma_start3A_214] : memref<2x128xi32, #tpu.memory_space<vmem>> -> memref<1x128xi32, #tpu.memory_space<vmem>>
      %dma_start3A_216 = tpu.memref_squeeze %dma_start3A_215 : memref<1x128xi32, #tpu.memory_space<vmem>> -> memref<128xi32, #tpu.memory_space<vmem>>
      %dma_start3A_217 = arith.constant 0 : i32
      %dma_start3A_218 = tpu.memref_slice %arg4[%add3A, %min3A_186, %dma_start3A_217] : memref<32x80x128xi32, #tpu.memory_space<hbm>> -> memref<1x1x128xi32, #tpu.memory_space<hbm>>
      %dma_start3A_219 = tpu.memref_squeeze %dma_start3A_218 : memref<1x1x128xi32, #tpu.memory_space<hbm>> -> memref<128xi32, #tpu.memory_space<hbm>>
      tpu.enqueue_dma source(%dma_start3A_219 : memref<128xi32, #tpu.memory_space<hbm>>) target(%dma_start3A_216 : memref<128xi32, #tpu.memory_space<vmem>>) target_semaphore(%arg14 : memref<!tpu.dma_semaphore, #tpu.memory_space<semaphore_mem>>)
      %dma_start3A_220 = arith.constant 0 : i32
      %dma_start3A_221 = tpu.memref_slice %arg7[%min3A_186, %dma_start3A_220] : memref<80x128xi32, #tpu.memory_space<vmem>> -> memref<1x128xi32, #tpu.memory_space<vmem>>
      %dma_start3A_222 = tpu.memref_squeeze %dma_start3A_221 : memref<1x128xi32, #tpu.memory_space<vmem>> -> memref<128xi32, #tpu.memory_space<vmem>>
      %dma_start3A_223 = arith.constant 0 : i32
      %dma_start3A_224 = arith.constant 0 : i32
      %dma_start3A_225 = tpu.memref_slice %arg2[%dma_start3A_223, %dma_start3A_224] : memref<10240x128xf32, #tpu.memory_space<hbm>> -> memref<10240x128xf32, #tpu.memory_space<hbm>>
      tpu.enqueue_indirect_dma source(%dma_start3A_225 : memref<10240x128xf32, #tpu.memory_space<hbm>>) target(%arg10 : memref<128x128xf32, #tpu.memory_space<vmem>>) offsets(%dma_start3A_222 : memref<128xi32, #tpu.memory_space<vmem>>) semaphore(%arg12 : memref<!tpu.dma_semaphore, #tpu.memory_space<semaphore_mem>>)
    }
    %scan3A_66 = arith.constant 40 : i32
    %dma_wait3A = arith.constant 79 : i32
    %dma_wait3A_67 = arith.constant 0 : i32
    %dma_wait3A_68 = tpu.memref_slice %arg7[%dma_wait3A, %dma_wait3A_67] : memref<80x128xi32, #tpu.memory_space<vmem>> -> memref<1x128xi32, #tpu.memory_space<vmem>>
    %dma_wait3A_69 = tpu.memref_squeeze %dma_wait3A_68 : memref<1x128xi32, #tpu.memory_space<vmem>> -> memref<128xi32, #tpu.memory_space<vmem>>
    %dma_wait3A_70 = arith.constant 0 : i32
    %dma_wait3A_71 = arith.constant 0 : i32
    %dma_wait3A_72 = tpu.memref_slice %arg2[%dma_wait3A_70, %dma_wait3A_71] : memref<10240x128xf32, #tpu.memory_space<hbm>> -> memref<10240x128xf32, #tpu.memory_space<hbm>>
    tpu.wait_indirect_dma semaphore(%arg11 : memref<!tpu.dma_semaphore, #tpu.memory_space<semaphore_mem>>) src(%dma_wait3A_72 : memref<10240x128xf32, #tpu.memory_space<hbm>>) dst(%arg9 : memref<128x128xf32, #tpu.memory_space<vmem>>)
    %dma_wait3A_73 = arith.constant 79 : i32
    %dma_wait3A_74 = arith.constant 0 : i32
    %dma_wait3A_75 = arith.constant 0 : i32
    %dma_wait3A_76 = tpu.memref_slice %arg8[%dma_wait3A_74, %dma_wait3A_75] : memref<2x128xi32, #tpu.memory_space<vmem>> -> memref<1x128xi32, #tpu.memory_space<vmem>>
    %dma_wait3A_77 = tpu.memref_squeeze %dma_wait3A_76 : memref<1x128xi32, #tpu.memory_space<vmem>> -> memref<128xi32, #tpu.memory_space<vmem>>
    %dma_wait3A_78 = arith.constant 0 : i32
    %dma_wait3A_79 = tpu.memref_slice %arg4[%add3A, %dma_wait3A_73, %dma_wait3A_78] : memref<32x80x128xi32, #tpu.memory_space<hbm>> -> memref<1x1x128xi32, #tpu.memory_space<hbm>>
    %dma_wait3A_80 = tpu.memref_squeeze %dma_wait3A_79 : memref<1x1x128xi32, #tpu.memory_space<hbm>> -> memref<128xi32, #tpu.memory_space<hbm>>
    %dma_wait3A_81 = arith.constant 0 : i32
    %dma_wait3A_82 = tpu.memref_slice %arg8[%dma_wait3A_74, %dma_wait3A_81] : memref<2x128xi32, #tpu.memory_space<vmem>> -> memref<1x128xi32, #tpu.memory_space<vmem>>
    %dma_wait3A_83 = tpu.memref_squeeze %dma_wait3A_82 : memref<1x128xi32, #tpu.memory_space<vmem>> -> memref<128xi32, #tpu.memory_space<vmem>>
    %dma_wait3A_84 = arith.constant 0 : i32
    %dma_wait3A_85 = tpu.memref_slice %arg4[%add3A, %dma_wait3A_73, %dma_wait3A_84] : memref<32x80x128xi32, #tpu.memory_space<hbm>> -> memref<1x1x128xi32, #tpu.memory_space<hbm>>
    %dma_wait3A_86 = tpu.memref_squeeze %dma_wait3A_85 : memref<1x1x128xi32, #tpu.memory_space<hbm>> -> memref<128xi32, #tpu.memory_space<hbm>>
    tpu.wait_dma2 semaphore(%arg13 : memref<!tpu.dma_semaphore, #tpu.memory_space<semaphore_mem>>) src(%dma_wait3A_86 : memref<128xi32, #tpu.memory_space<hbm>>) dst(%dma_wait3A_83 : memref<128xi32, #tpu.memory_space<vmem>>)
    %dma_wait3A_87 = arith.constant 79 : i32
    %dma_wait3A_88 = arith.constant 0 : i32
    %dma_wait3A_89 = tpu.memref_slice %arg7[%dma_wait3A_87, %dma_wait3A_88] : memref<80x128xi32, #tpu.memory_space<vmem>> -> memref<1x128xi32, #tpu.memory_space<vmem>>
    %dma_wait3A_90 = tpu.memref_squeeze %dma_wait3A_89 : memref<1x128xi32, #tpu.memory_space<vmem>> -> memref<128xi32, #tpu.memory_space<vmem>>
    %dma_wait3A_91 = arith.constant 0 : i32
    %dma_wait3A_92 = arith.constant 0 : i32
    %dma_wait3A_93 = tpu.memref_slice %arg2[%dma_wait3A_91, %dma_wait3A_92] : memref<10240x128xf32, #tpu.memory_space<hbm>> -> memref<10240x128xf32, #tpu.memory_space<hbm>>
    tpu.wait_indirect_dma semaphore(%arg12 : memref<!tpu.dma_semaphore, #tpu.memory_space<semaphore_mem>>) src(%dma_wait3A_93 : memref<10240x128xf32, #tpu.memory_space<hbm>>) dst(%arg10 : memref<128x128xf32, #tpu.memory_space<vmem>>)
    %dma_wait3A_94 = arith.constant 79 : i32
    %dma_wait3A_95 = arith.constant 1 : i32
    %dma_wait3A_96 = arith.constant 0 : i32
    %dma_wait3A_97 = tpu.memref_slice %arg8[%dma_wait3A_95, %dma_wait3A_96] : memref<2x128xi32, #tpu.memory_space<vmem>> -> memref<1x128xi32, #tpu.memory_space<vmem>>
    %dma_wait3A_98 = tpu.memref_squeeze %dma_wait3A_97 : memref<1x128xi32, #tpu.memory_space<vmem>> -> memref<128xi32, #tpu.memory_space<vmem>>
    %dma_wait3A_99 = arith.constant 0 : i32
    %dma_wait3A_100 = tpu.memref_slice %arg4[%add3A, %dma_wait3A_94, %dma_wait3A_99] : memref<32x80x128xi32, #tpu.memory_space<hbm>> -> memref<1x1x128xi32, #tpu.memory_space<hbm>>
    %dma_wait3A_101 = tpu.memref_squeeze %dma_wait3A_100 : memref<1x1x128xi32, #tpu.memory_space<hbm>> -> memref<128xi32, #tpu.memory_space<hbm>>
    %dma_wait3A_102 = arith.constant 0 : i32
    %dma_wait3A_103 = tpu.memref_slice %arg8[%dma_wait3A_95, %dma_wait3A_102] : memref<2x128xi32, #tpu.memory_space<vmem>> -> memref<1x128xi32, #tpu.memory_space<vmem>>
    %dma_wait3A_104 = tpu.memref_squeeze %dma_wait3A_103 : memref<1x128xi32, #tpu.memory_space<vmem>> -> memref<128xi32, #tpu.memory_space<vmem>>
    %dma_wait3A_105 = arith.constant 0 : i32
    %dma_wait3A_106 = tpu.memref_slice %arg4[%add3A, %dma_wait3A_94, %dma_wait3A_105] : memref<32x80x128xi32, #tpu.memory_space<hbm>> -> memref<1x1x128xi32, #tpu.memory_space<hbm>>
    %dma_wait3A_107 = tpu.memref_squeeze %dma_wait3A_106 : memref<1x1x128xi32, #tpu.memory_space<hbm>> -> memref<128xi32, #tpu.memory_space<hbm>>
    tpu.wait_dma2 semaphore(%arg14 : memref<!tpu.dma_semaphore, #tpu.memory_space<semaphore_mem>>) src(%dma_wait3A_107 : memref<128xi32, #tpu.memory_space<hbm>>) dst(%dma_wait3A_104 : memref<128xi32, #tpu.memory_space<vmem>>)
    %barrier3A_108 = arith.constant 0 : index
    tpu.barrier barrier_id(%barrier3A_108)
    %mul3A_109 = arith.constant 640 : i32
    %mul3A_110 = arith.muli %arg1, %mul3A_109 : i32
    %add3A_111 = arith.constant 0 : i32
    %add3A_112 = arith.addi %mul3A_110, %add3A_111 : i32
    "tpu.region"() ({
      %run_scoped3A = tpu.sem_alloc : memref<!tpu.dma_semaphore, #tpu.memory_space<semaphore_mem>>
      %dma_start3A_129 = arith.constant 0 : i32
      %dma_start3A_130 = tpu.memref_slice %arg15[%add3A_112, %dma_start3A_129] : memref<10240x128xf32, #tpu.memory_space<vmem_shared>> -> memref<128x128xf32, #tpu.memory_space<vmem_shared>>
      %dma_start3A_131 = arith.constant 0 : i32
      %dma_start3A_132 = tpu.memref_slice %arg15[%add3A_112, %dma_start3A_131] : memref<10240x128xf32, #tpu.memory_space<vmem_shared>> -> memref<128x128xf32, #tpu.memory_space<vmem_shared>>
      tpu.enqueue_dma source(%dma_start3A_132 : memref<128x128xf32, #tpu.memory_space<vmem_shared>>) target(%arg9 : memref<128x128xf32, #tpu.memory_space<vmem>>) target_semaphore(%run_scoped3A : memref<!tpu.dma_semaphore, #tpu.memory_space<semaphore_mem>>)
      %dma_wait3A_133 = arith.constant 0 : i32
      %dma_wait3A_134 = tpu.memref_slice %arg15[%add3A_112, %dma_wait3A_133] : memref<10240x128xf32, #tpu.memory_space<vmem_shared>> -> memref<128x128xf32, #tpu.memory_space<vmem_shared>>
      %dma_wait3A_135 = arith.constant 0 : i32
      %dma_wait3A_136 = tpu.memref_slice %arg15[%add3A_112, %dma_wait3A_135] : memref<10240x128xf32, #tpu.memory_space<vmem_shared>> -> memref<128x128xf32, #tpu.memory_space<vmem_shared>>
      tpu.wait_dma2 semaphore(%run_scoped3A : memref<!tpu.dma_semaphore, #tpu.memory_space<semaphore_mem>>) src(%dma_wait3A_136 : memref<128x128xf32, #tpu.memory_space<vmem_shared>>) dst(%arg9 : memref<128x128xf32, #tpu.memory_space<vmem>>)
      tpu.yield
    }) : () -> ()
    "tpu.region"() ({
      %run_scoped3A = tpu.sem_alloc : memref<!tpu.dma_semaphore, #tpu.memory_space<semaphore_mem>>
      %dma_start3A_129 = arith.constant 0 : i32
      %dma_start3A_130 = tpu.memref_slice %arg6[%arg0, %add3A_112, %dma_start3A_129] : memref<2x10240x128xf32, #tpu.memory_space<hbm>> -> memref<1x128x128xf32, #tpu.memory_space<hbm>>
      %dma_start3A_131 = tpu.memref_squeeze %dma_start3A_130 : memref<1x128x128xf32, #tpu.memory_space<hbm>> -> memref<128x128xf32, #tpu.memory_space<hbm>>
      %dma_start3A_132 = arith.constant 0 : i32
      %dma_start3A_133 = tpu.memref_slice %arg6[%arg0, %add3A_112, %dma_start3A_132] : memref<2x10240x128xf32, #tpu.memory_space<hbm>> -> memref<1x128x128xf32, #tpu.memory_space<hbm>>
      %dma_start3A_134 = tpu.memref_squeeze %dma_start3A_133 : memref<1x128x128xf32, #tpu.memory_space<hbm>> -> memref<128x128xf32, #tpu.memory_space<hbm>>
      tpu.enqueue_dma source(%arg9 : memref<128x128xf32, #tpu.memory_space<vmem>>) target(%dma_start3A_134 : memref<128x128xf32, #tpu.memory_space<hbm>>) target_semaphore(%run_scoped3A : memref<!tpu.dma_semaphore, #tpu.memory_space<semaphore_mem>>)
      %dma_wait3A_135 = arith.constant 0 : i32
      %dma_wait3A_136 = tpu.memref_slice %arg6[%arg0, %add3A_112, %dma_wait3A_135] : memref<2x10240x128xf32, #tpu.memory_space<hbm>> -> memref<1x128x128xf32, #tpu.memory_space<hbm>>
      %dma_wait3A_137 = tpu.memref_squeeze %dma_wait3A_136 : memref<1x128x128xf32, #tpu.memory_space<hbm>> -> memref<128x128xf32, #tpu.memory_space<hbm>>
      %dma_wait3A_138 = arith.constant 0 : i32
      %dma_wait3A_139 = tpu.memref_slice %arg6[%arg0, %add3A_112, %dma_wait3A_138] : memref<2x10240x128xf32, #tpu.memory_space<hbm>> -> memref<1x128x128xf32, #tpu.memory_space<hbm>>
      %dma_wait3A_140 = tpu.memref_squeeze %dma_wait3A_139 : memref<1x128x128xf32, #tpu.memory_space<hbm>> -> memref<128x128xf32, #tpu.memory_space<hbm>>
      tpu.wait_dma2 semaphore(%run_scoped3A : memref<!tpu.dma_semaphore, #tpu.memory_space<semaphore_mem>>) src(%arg9 : memref<128x128xf32, #tpu.memory_space<vmem>>) dst(%dma_wait3A_140 : memref<128x128xf32, #tpu.memory_space<hbm>>)
      tpu.yield
    }) : () -> ()
    %mul3A_113 = arith.constant 640 : i32
    %mul3A_114 = arith.muli %arg1, %mul3A_113 : i32
    %add3A_115 = arith.constant 128 : i32
    %add3A_116 = arith.addi %mul3A_114, %add3A_115 : i32
    "tpu.region"() ({
      %run_scoped3A = tpu.sem_alloc : memref<!tpu.dma_semaphore, #tpu.memory_space<semaphore_mem>>
      %dma_start3A_129 = arith.constant 0 : i32
      %dma_start3A_130 = tpu.memref_slice %arg15[%add3A_116, %dma_start3A_129] : memref<10240x128xf32, #tpu.memory_space<vmem_shared>> -> memref<128x128xf32, #tpu.memory_space<vmem_shared>>
      %dma_start3A_131 = arith.constant 0 : i32
      %dma_start3A_132 = tpu.memref_slice %arg15[%add3A_116, %dma_start3A_131] : memref<10240x128xf32, #tpu.memory_space<vmem_shared>> -> memref<128x128xf32, #tpu.memory_space<vmem_shared>>
      tpu.enqueue_dma source(%dma_start3A_132 : memref<128x128xf32, #tpu.memory_space<vmem_shared>>) target(%arg10 : memref<128x128xf32, #tpu.memory_space<vmem>>) target_semaphore(%run_scoped3A : memref<!tpu.dma_semaphore, #tpu.memory_space<semaphore_mem>>)
      %dma_wait3A_133 = arith.constant 0 : i32
      %dma_wait3A_134 = tpu.memref_slice %arg15[%add3A_116, %dma_wait3A_133] : memref<10240x128xf32, #tpu.memory_space<vmem_shared>> -> memref<128x128xf32, #tpu.memory_space<vmem_shared>>
      %dma_wait3A_135 = arith.constant 0 : i32
      %dma_wait3A_136 = tpu.memref_slice %arg15[%add3A_116, %dma_wait3A_135] : memref<10240x128xf32, #tpu.memory_space<vmem_shared>> -> memref<128x128xf32, #tpu.memory_space<vmem_shared>>
      tpu.wait_dma2 semaphore(%run_scoped3A : memref<!tpu.dma_semaphore, #tpu.memory_space<semaphore_mem>>) src(%dma_wait3A_136 : memref<128x128xf32, #tpu.memory_space<vmem_shared>>) dst(%arg10 : memref<128x128xf32, #tpu.memory_space<vmem>>)
      tpu.yield
    }) : () -> ()
    "tpu.region"() ({
      %run_scoped3A = tpu.sem_alloc : memref<!tpu.dma_semaphore, #tpu.memory_space<semaphore_mem>>
      %dma_start3A_129 = arith.constant 0 : i32
      %dma_start3A_130 = tpu.memref_slice %arg6[%arg0, %add3A_116, %dma_start3A_129] : memref<2x10240x128xf32, #tpu.memory_space<hbm>> -> memref<1x128x128xf32, #tpu.memory_space<hbm>>
      %dma_start3A_131 = tpu.memref_squeeze %dma_start3A_130 : memref<1x128x128xf32, #tpu.memory_space<hbm>> -> memref<128x128xf32, #tpu.memory_space<hbm>>
      %dma_start3A_132 = arith.constant 0 : i32
      %dma_start3A_133 = tpu.memref_slice %arg6[%arg0, %add3A_116, %dma_start3A_132] : memref<2x10240x128xf32, #tpu.memory_space<hbm>> -> memref<1x128x128xf32, #tpu.memory_space<hbm>>
      %dma_start3A_134 = tpu.memref_squeeze %dma_start3A_133 : memref<1x128x128xf32, #tpu.memory_space<hbm>> -> memref<128x128xf32, #tpu.memory_space<hbm>>
      tpu.enqueue_dma source(%arg10 : memref<128x128xf32, #tpu.memory_space<vmem>>) target(%dma_start3A_134 : memref<128x128xf32, #tpu.memory_space<hbm>>) target_semaphore(%run_scoped3A : memref<!tpu.dma_semaphore, #tpu.memory_space<semaphore_mem>>)
      %dma_wait3A_135 = arith.constant 0 : i32
      %dma_wait3A_136 = tpu.memref_slice %arg6[%arg0, %add3A_116, %dma_wait3A_135] : memref<2x10240x128xf32, #tpu.memory_space<hbm>> -> memref<1x128x128xf32, #tpu.memory_space<hbm>>
      %dma_wait3A_137 = tpu.memref_squeeze %dma_wait3A_136 : memref<1x128x128xf32, #tpu.memory_space<hbm>> -> memref<128x128xf32, #tpu.memory_space<hbm>>
      %dma_wait3A_138 = arith.constant 0 : i32
      %dma_wait3A_139 = tpu.memref_slice %arg6[%arg0, %add3A_116, %dma_wait3A_138] : memref<2x10240x128xf32, #tpu.memory_space<hbm>> -> memref<1x128x128xf32, #tpu.memory_space<hbm>>
      %dma_wait3A_140 = tpu.memref_squeeze %dma_wait3A_139 : memref<1x128x128xf32, #tpu.memory_space<hbm>> -> memref<128x128xf32, #tpu.memory_space<hbm>>
      tpu.wait_dma2 semaphore(%run_scoped3A : memref<!tpu.dma_semaphore, #tpu.memory_space<semaphore_mem>>) src(%arg10 : memref<128x128xf32, #tpu.memory_space<vmem>>) dst(%dma_wait3A_140 : memref<128x128xf32, #tpu.memory_space<hbm>>)
      tpu.yield
    }) : () -> ()
    %mul3A_117 = arith.constant 640 : i32
    %mul3A_118 = arith.muli %arg1, %mul3A_117 : i32
    %add3A_119 = arith.constant 256 : i32
    %add3A_120 = arith.addi %mul3A_118, %add3A_119 : i32
    "tpu.region"() ({
      %run_scoped3A = tpu.sem_alloc : memref<!tpu.dma_semaphore, #tpu.memory_space<semaphore_mem>>
      %dma_start3A_129 = arith.constant 0 : i32
      %dma_start3A_130 = tpu.memref_slice %arg15[%add3A_120, %dma_start3A_129] : memref<10240x128xf32, #tpu.memory_space<vmem_shared>> -> memref<128x128xf32, #tpu.memory_space<vmem_shared>>
      %dma_start3A_131 = arith.constant 0 : i32
      %dma_start3A_132 = tpu.memref_slice %arg15[%add3A_120, %dma_start3A_131] : memref<10240x128xf32, #tpu.memory_space<vmem_shared>> -> memref<128x128xf32, #tpu.memory_space<vmem_shared>>
      tpu.enqueue_dma source(%dma_start3A_132 : memref<128x128xf32, #tpu.memory_space<vmem_shared>>) target(%arg9 : memref<128x128xf32, #tpu.memory_space<vmem>>) target_semaphore(%run_scoped3A : memref<!tpu.dma_semaphore, #tpu.memory_space<semaphore_mem>>)
      %dma_wait3A_133 = arith.constant 0 : i32
      %dma_wait3A_134 = tpu.memref_slice %arg15[%add3A_120, %dma_wait3A_133] : memref<10240x128xf32, #tpu.memory_space<vmem_shared>> -> memref<128x128xf32, #tpu.memory_space<vmem_shared>>
      %dma_wait3A_135 = arith.constant 0 : i32
      %dma_wait3A_136 = tpu.memref_slice %arg15[%add3A_120, %dma_wait3A_135] : memref<10240x128xf32, #tpu.memory_space<vmem_shared>> -> memref<128x128xf32, #tpu.memory_space<vmem_shared>>
      tpu.wait_dma2 semaphore(%run_scoped3A : memref<!tpu.dma_semaphore, #tpu.memory_space<semaphore_mem>>) src(%dma_wait3A_136 : memref<128x128xf32, #tpu.memory_space<vmem_shared>>) dst(%arg9 : memref<128x128xf32, #tpu.memory_space<vmem>>)
      tpu.yield
    }) : () -> ()
    "tpu.region"() ({
      %run_scoped3A = tpu.sem_alloc : memref<!tpu.dma_semaphore, #tpu.memory_space<semaphore_mem>>
      %dma_start3A_129 = arith.constant 0 : i32
      %dma_start3A_130 = tpu.memref_slice %arg6[%arg0, %add3A_120, %dma_start3A_129] : memref<2x10240x128xf32, #tpu.memory_space<hbm>> -> memref<1x128x128xf32, #tpu.memory_space<hbm>>
      %dma_start3A_131 = tpu.memref_squeeze %dma_start3A_130 : memref<1x128x128xf32, #tpu.memory_space<hbm>> -> memref<128x128xf32, #tpu.memory_space<hbm>>
      %dma_start3A_132 = arith.constant 0 : i32
      %dma_start3A_133 = tpu.memref_slice %arg6[%arg0, %add3A_120, %dma_start3A_132] : memref<2x10240x128xf32, #tpu.memory_space<hbm>> -> memref<1x128x128xf32, #tpu.memory_space<hbm>>
      %dma_start3A_134 = tpu.memref_squeeze %dma_start3A_133 : memref<1x128x128xf32, #tpu.memory_space<hbm>> -> memref<128x128xf32, #tpu.memory_space<hbm>>
      tpu.enqueue_dma source(%arg9 : memref<128x128xf32, #tpu.memory_space<vmem>>) target(%dma_start3A_134 : memref<128x128xf32, #tpu.memory_space<hbm>>) target_semaphore(%run_scoped3A : memref<!tpu.dma_semaphore, #tpu.memory_space<semaphore_mem>>)
      %dma_wait3A_135 = arith.constant 0 : i32
      %dma_wait3A_136 = tpu.memref_slice %arg6[%arg0, %add3A_120, %dma_wait3A_135] : memref<2x10240x128xf32, #tpu.memory_space<hbm>> -> memref<1x128x128xf32, #tpu.memory_space<hbm>>
      %dma_wait3A_137 = tpu.memref_squeeze %dma_wait3A_136 : memref<1x128x128xf32, #tpu.memory_space<hbm>> -> memref<128x128xf32, #tpu.memory_space<hbm>>
      %dma_wait3A_138 = arith.constant 0 : i32
      %dma_wait3A_139 = tpu.memref_slice %arg6[%arg0, %add3A_120, %dma_wait3A_138] : memref<2x10240x128xf32, #tpu.memory_space<hbm>> -> memref<1x128x128xf32, #tpu.memory_space<hbm>>
      %dma_wait3A_140 = tpu.memref_squeeze %dma_wait3A_139 : memref<1x128x128xf32, #tpu.memory_space<hbm>> -> memref<128x128xf32, #tpu.memory_space<hbm>>
      tpu.wait_dma2 semaphore(%run_scoped3A : memref<!tpu.dma_semaphore, #tpu.memory_space<semaphore_mem>>) src(%arg9 : memref<128x128xf32, #tpu.memory_space<vmem>>) dst(%dma_wait3A_140 : memref<128x128xf32, #tpu.memory_space<hbm>>)
      tpu.yield
    }) : () -> ()
    %mul3A_121 = arith.constant 640 : i32
    %mul3A_122 = arith.muli %arg1, %mul3A_121 : i32
    %add3A_123 = arith.constant 384 : i32
    %add3A_124 = arith.addi %mul3A_122, %add3A_123 : i32
    "tpu.region"() ({
      %run_scoped3A = tpu.sem_alloc : memref<!tpu.dma_semaphore, #tpu.memory_space<semaphore_mem>>
      %dma_start3A_129 = arith.constant 0 : i32
      %dma_start3A_130 = tpu.memref_slice %arg15[%add3A_124, %dma_start3A_129] : memref<10240x128xf32, #tpu.memory_space<vmem_shared>> -> memref<128x128xf32, #tpu.memory_space<vmem_shared>>
      %dma_start3A_131 = arith.constant 0 : i32
      %dma_start3A_132 = tpu.memref_slice %arg15[%add3A_124, %dma_start3A_131] : memref<10240x128xf32, #tpu.memory_space<vmem_shared>> -> memref<128x128xf32, #tpu.memory_space<vmem_shared>>
      tpu.enqueue_dma source(%dma_start3A_132 : memref<128x128xf32, #tpu.memory_space<vmem_shared>>) target(%arg10 : memref<128x128xf32, #tpu.memory_space<vmem>>) target_semaphore(%run_scoped3A : memref<!tpu.dma_semaphore, #tpu.memory_space<semaphore_mem>>)
      %dma_wait3A_133 = arith.constant 0 : i32
      %dma_wait3A_134 = tpu.memref_slice %arg15[%add3A_124, %dma_wait3A_133] : memref<10240x128xf32, #tpu.memory_space<vmem_shared>> -> memref<128x128xf32, #tpu.memory_space<vmem_shared>>
      %dma_wait3A_135 = arith.constant 0 : i32
      %dma_wait3A_136 = tpu.memref_slice %arg15[%add3A_124, %dma_wait3A_135] : memref<10240x128xf32, #tpu.memory_space<vmem_shared>> -> memref<128x128xf32, #tpu.memory_space<vmem_shared>>
      tpu.wait_dma2 semaphore(%run_scoped3A : memref<!tpu.dma_semaphore, #tpu.memory_space<semaphore_mem>>) src(%dma_wait3A_136 : memref<128x128xf32, #tpu.memory_space<vmem_shared>>) dst(%arg10 : memref<128x128xf32, #tpu.memory_space<vmem>>)
      tpu.yield
    }) : () -> ()
    "tpu.region"() ({
      %run_scoped3A = tpu.sem_alloc : memref<!tpu.dma_semaphore, #tpu.memory_space<semaphore_mem>>
      %dma_start3A_129 = arith.constant 0 : i32
      %dma_start3A_130 = tpu.memref_slice %arg6[%arg0, %add3A_124, %dma_start3A_129] : memref<2x10240x128xf32, #tpu.memory_space<hbm>> -> memref<1x128x128xf32, #tpu.memory_space<hbm>>
      %dma_start3A_131 = tpu.memref_squeeze %dma_start3A_130 : memref<1x128x128xf32, #tpu.memory_space<hbm>> -> memref<128x128xf32, #tpu.memory_space<hbm>>
      %dma_start3A_132 = arith.constant 0 : i32
      %dma_start3A_133 = tpu.memref_slice %arg6[%arg0, %add3A_124, %dma_start3A_132] : memref<2x10240x128xf32, #tpu.memory_space<hbm>> -> memref<1x128x128xf32, #tpu.memory_space<hbm>>
      %dma_start3A_134 = tpu.memref_squeeze %dma_start3A_133 : memref<1x128x128xf32, #tpu.memory_space<hbm>> -> memref<128x128xf32, #tpu.memory_space<hbm>>
      tpu.enqueue_dma source(%arg10 : memref<128x128xf32, #tpu.memory_space<vmem>>) target(%dma_start3A_134 : memref<128x128xf32, #tpu.memory_space<hbm>>) target_semaphore(%run_scoped3A : memref<!tpu.dma_semaphore, #tpu.memory_space<semaphore_mem>>)
      %dma_wait3A_135 = arith.constant 0 : i32
      %dma_wait3A_136 = tpu.memref_slice %arg6[%arg0, %add3A_124, %dma_wait3A_135] : memref<2x10240x128xf32, #tpu.memory_space<hbm>> -> memref<1x128x128xf32, #tpu.memory_space<hbm>>
      %dma_wait3A_137 = tpu.memref_squeeze %dma_wait3A_136 : memref<1x128x128xf32, #tpu.memory_space<hbm>> -> memref<128x128xf32, #tpu.memory_space<hbm>>
      %dma_wait3A_138 = arith.constant 0 : i32
      %dma_wait3A_139 = tpu.memref_slice %arg6[%arg0, %add3A_124, %dma_wait3A_138] : memref<2x10240x128xf32, #tpu.memory_space<hbm>> -> memref<1x128x128xf32, #tpu.memory_space<hbm>>
      %dma_wait3A_140 = tpu.memref_squeeze %dma_wait3A_139 : memref<1x128x128xf32, #tpu.memory_space<hbm>> -> memref<128x128xf32, #tpu.memory_space<hbm>>
      tpu.wait_dma2 semaphore(%run_scoped3A : memref<!tpu.dma_semaphore, #tpu.memory_space<semaphore_mem>>) src(%arg10 : memref<128x128xf32, #tpu.memory_space<vmem>>) dst(%dma_wait3A_140 : memref<128x128xf32, #tpu.memory_space<hbm>>)
      tpu.yield
    }) : () -> ()
    %mul3A_125 = arith.constant 640 : i32
    %mul3A_126 = arith.muli %arg1, %mul3A_125 : i32
    %add3A_127 = arith.constant 512 : i32
    %add3A_128 = arith.addi %mul3A_126, %add3A_127 : i32
    "tpu.region"() ({
      %run_scoped3A = tpu.sem_alloc : memref<!tpu.dma_semaphore, #tpu.memory_space<semaphore_mem>>
      %dma_start3A_129 = arith.constant 0 : i32
      %dma_start3A_130 = tpu.memref_slice %arg15[%add3A_128, %dma_start3A_129] : memref<10240x128xf32, #tpu.memory_space<vmem_shared>> -> memref<128x128xf32, #tpu.memory_space<vmem_shared>>
      %dma_start3A_131 = arith.constant 0 : i32
      %dma_start3A_132 = tpu.memref_slice %arg15[%add3A_128, %dma_start3A_131] : memref<10240x128xf32, #tpu.memory_space<vmem_shared>> -> memref<128x128xf32, #tpu.memory_space<vmem_shared>>
      tpu.enqueue_dma source(%dma_start3A_132 : memref<128x128xf32, #tpu.memory_space<vmem_shared>>) target(%arg9 : memref<128x128xf32, #tpu.memory_space<vmem>>) target_semaphore(%run_scoped3A : memref<!tpu.dma_semaphore, #tpu.memory_space<semaphore_mem>>)
      %dma_wait3A_133 = arith.constant 0 : i32
      %dma_wait3A_134 = tpu.memref_slice %arg15[%add3A_128, %dma_wait3A_133] : memref<10240x128xf32, #tpu.memory_space<vmem_shared>> -> memref<128x128xf32, #tpu.memory_space<vmem_shared>>
      %dma_wait3A_135 = arith.constant 0 : i32
      %dma_wait3A_136 = tpu.memref_slice %arg15[%add3A_128, %dma_wait3A_135] : memref<10240x128xf32, #tpu.memory_space<vmem_shared>> -> memref<128x128xf32, #tpu.memory_space<vmem_shared>>
      tpu.wait_dma2 semaphore(%run_scoped3A : memref<!tpu.dma_semaphore, #tpu.memory_space<semaphore_mem>>) src(%dma_wait3A_136 : memref<128x128xf32, #tpu.memory_space<vmem_shared>>) dst(%arg9 : memref<128x128xf32, #tpu.memory_space<vmem>>)
      tpu.yield
    }) : () -> ()
    "tpu.region"() ({
      %run_scoped3A = tpu.sem_alloc : memref<!tpu.dma_semaphore, #tpu.memory_space<semaphore_mem>>
      %dma_start3A_129 = arith.constant 0 : i32
      %dma_start3A_130 = tpu.memref_slice %arg6[%arg0, %add3A_128, %dma_start3A_129] : memref<2x10240x128xf32, #tpu.memory_space<hbm>> -> memref<1x128x128xf32, #tpu.memory_space<hbm>>
      %dma_start3A_131 = tpu.memref_squeeze %dma_start3A_130 : memref<1x128x128xf32, #tpu.memory_space<hbm>> -> memref<128x128xf32, #tpu.memory_space<hbm>>
      %dma_start3A_132 = arith.constant 0 : i32
      %dma_start3A_133 = tpu.memref_slice %arg6[%arg0, %add3A_128, %dma_start3A_132] : memref<2x10240x128xf32, #tpu.memory_space<hbm>> -> memref<1x128x128xf32, #tpu.memory_space<hbm>>
      %dma_start3A_134 = tpu.memref_squeeze %dma_start3A_133 : memref<1x128x128xf32, #tpu.memory_space<hbm>> -> memref<128x128xf32, #tpu.memory_space<hbm>>
      tpu.enqueue_dma source(%arg9 : memref<128x128xf32, #tpu.memory_space<vmem>>) target(%dma_start3A_134 : memref<128x128xf32, #tpu.memory_space<hbm>>) target_semaphore(%run_scoped3A : memref<!tpu.dma_semaphore, #tpu.memory_space<semaphore_mem>>)
      %dma_wait3A_135 = arith.constant 0 : i32
      %dma_wait3A_136 = tpu.memref_slice %arg6[%arg0, %add3A_128, %dma_wait3A_135] : memref<2x10240x128xf32, #tpu.memory_space<hbm>> -> memref<1x128x128xf32, #tpu.memory_space<hbm>>
      %dma_wait3A_137 = tpu.memref_squeeze %dma_wait3A_136 : memref<1x128x128xf32, #tpu.memory_space<hbm>> -> memref<128x128xf32, #tpu.memory_space<hbm>>
      %dma_wait3A_138 = arith.constant 0 : i32
      %dma_wait3A_139 = tpu.memref_slice %arg6[%arg0, %add3A_128, %dma_wait3A_138] : memref<2x10240x128xf32, #tpu.memory_space<hbm>> -> memref<1x128x128xf32, #tpu.memory_space<hbm>>
      %dma_wait3A_140 = tpu.memref_squeeze %dma_wait3A_139 : memref<1x128x128xf32, #tpu.memory_space<hbm>> -> memref<128x128xf32, #tpu.memory_space<hbm>>
      tpu.wait_dma2 semaphore(%run_scoped3A : memref<!tpu.dma_semaphore, #tpu.memory_space<semaphore_mem>>) src(%arg9 : memref<128x128xf32, #tpu.memory_space<vmem>>) dst(%dma_wait3A_140 : memref<128x128xf32, #tpu.memory_space<hbm>>)
      tpu.yield
    }) : () -> ()
    return
  }
}

#map = affine_map<(d0, d1) -> (0, 0)>
#map1 = affine_map<(d0, d1) -> (0, 0, 0)>
module attributes {stable_mosaic.version = 14 : i64} {
  func.func @_sc_propagate(%arg0: i32, %arg1: i32, %arg2: memref<10240x128xf32, #tpu.memory_space<hbm>>, %arg3: memref<32x80x128xi32, #tpu.memory_space<hbm>>, %arg4: memref<32x80x128xi32, #tpu.memory_space<hbm>>, %arg5: memref<128x128xf32, #tpu.memory_space<hbm>>, %arg6: memref<2x10240x128xf32, #tpu.memory_space<hbm>>, %arg7: memref<80x128xi32, #tpu.memory_space<vmem>>, %arg8: memref<2x128xi32, #tpu.memory_space<vmem>>, %arg9: memref<128x128xf32, #tpu.memory_space<vmem>>, %arg10: memref<128x128xf32, #tpu.memory_space<vmem>>, %arg11: memref<!tpu.dma_semaphore, #tpu.memory_space<semaphore_mem>>, %arg12: memref<!tpu.dma_semaphore, #tpu.memory_space<semaphore_mem>>, %arg13: memref<!tpu.dma_semaphore, #tpu.memory_space<semaphore_mem>>, %arg14: memref<!tpu.dma_semaphore, #tpu.memory_space<semaphore_mem>>, %arg15: memref<10240x128xf32, #tpu.memory_space<vmem_shared>>) attributes {dimension_semantics = [#tpu.dimension_semantics<core_parallel>, #tpu.dimension_semantics<subcore_parallel>], iteration_bounds = array<i64: 2, 16>, scalar_prefetch = 0 : i64, scratch_operands = 9 : i64, tpu.core_type = #tpu.core_type<sc_vector_subcore>, window_params = [{transform_indices = #map}, {transform_indices = #map1}, {transform_indices = #map1}, {transform_indices = #map}, {transform_indices = #map1}]} {
    %mul3A = arith.constant 16 : i32
    %mul3A_0 = arith.muli %arg0, %mul3A : i32
    %add3A = arith.addi %mul3A_0, %arg1 : i32
    "tpu.region"() ({
      %run_scoped3A = tpu.sem_alloc : memref<!tpu.dma_semaphore, #tpu.memory_space<semaphore_mem>>
      %dma_start3A_129 = arith.constant 0 : i32
      %dma_start3A_130 = arith.constant 0 : i32
      %dma_start3A_131 = tpu.memref_slice %arg3[%add3A, %dma_start3A_129, %dma_start3A_130] : memref<32x80x128xi32, #tpu.memory_space<hbm>> -> memref<1x80x128xi32, #tpu.memory_space<hbm>>
      %dma_start3A_132 = tpu.memref_squeeze %dma_start3A_131 : memref<1x80x128xi32, #tpu.memory_space<hbm>> -> memref<80x128xi32, #tpu.memory_space<hbm>>
      %dma_start3A_133 = arith.constant 0 : i32
      %dma_start3A_134 = arith.constant 0 : i32
      %dma_start3A_135 = tpu.memref_slice %arg3[%add3A, %dma_start3A_133, %dma_start3A_134] : memref<32x80x128xi32, #tpu.memory_space<hbm>> -> memref<1x80x128xi32, #tpu.memory_space<hbm>>
      %dma_start3A_136 = tpu.memref_squeeze %dma_start3A_135 : memref<1x80x128xi32, #tpu.memory_space<hbm>> -> memref<80x128xi32, #tpu.memory_space<hbm>>
      tpu.enqueue_dma source(%dma_start3A_136 : memref<80x128xi32, #tpu.memory_space<hbm>>) target(%arg7 : memref<80x128xi32, #tpu.memory_space<vmem>>) target_semaphore(%run_scoped3A : memref<!tpu.dma_semaphore, #tpu.memory_space<semaphore_mem>>)
      %dma_wait3A_137 = arith.constant 0 : i32
      %dma_wait3A_138 = arith.constant 0 : i32
      %dma_wait3A_139 = tpu.memref_slice %arg3[%add3A, %dma_wait3A_137, %dma_wait3A_138] : memref<32x80x128xi32, #tpu.memory_space<hbm>> -> memref<1x80x128xi32, #tpu.memory_space<hbm>>
      %dma_wait3A_140 = tpu.memref_squeeze %dma_wait3A_139 : memref<1x80x128xi32, #tpu.memory_space<hbm>> -> memref<80x128xi32, #tpu.memory_space<hbm>>
      %dma_wait3A_141 = arith.constant 0 : i32
      %dma_wait3A_142 = arith.constant 0 : i32
      %dma_wait3A_143 = tpu.memref_slice %arg3[%add3A, %dma_wait3A_141, %dma_wait3A_142] : memref<32x80x128xi32, #tpu.memory_space<hbm>> -> memref<1x80x128xi32, #tpu.memory_space<hbm>>
      %dma_wait3A_144 = tpu.memref_squeeze %dma_wait3A_143 : memref<1x80x128xi32, #tpu.memory_space<hbm>> -> memref<80x128xi32, #tpu.memory_space<hbm>>
      tpu.wait_dma2 semaphore(%run_scoped3A : memref<!tpu.dma_semaphore, #tpu.memory_space<semaphore_mem>>) src(%dma_wait3A_144 : memref<80x128xi32, #tpu.memory_space<hbm>>) dst(%arg7 : memref<80x128xi32, #tpu.memory_space<vmem>>)
      tpu.yield
    }) : () -> ()
    "tpu.region"() ({
      %run_scoped3A = tpu.sem_alloc : memref<!tpu.dma_semaphore, #tpu.memory_space<semaphore_mem>>
      %dma_start3A_129 = arith.constant 0 : i32
      %dma_start3A_130 = arith.constant 0 : i32
      %dma_start3A_131 = tpu.memref_slice %arg5[%dma_start3A_129, %dma_start3A_130] : memref<128x128xf32, #tpu.memory_space<hbm>> -> memref<128x128xf32, #tpu.memory_space<hbm>>
      %dma_start3A_132 = arith.constant 0 : i32
      %dma_start3A_133 = arith.constant 0 : i32
      %dma_start3A_134 = tpu.memref_slice %arg5[%dma_start3A_132, %dma_start3A_133] : memref<128x128xf32, #tpu.memory_space<hbm>> -> memref<128x128xf32, #tpu.memory_space<hbm>>
      tpu.enqueue_dma source(%dma_start3A_134 : memref<128x128xf32, #tpu.memory_space<hbm>>) target(%arg9 : memref<128x128xf32, #tpu.memory_space<vmem>>) target_semaphore(%run_scoped3A : memref<!tpu.dma_semaphore, #tpu.memory_space<semaphore_mem>>)
      %dma_wait3A_135 = arith.constant 0 : i32
      %dma_wait3A_136 = arith.constant 0 : i32
      %dma_wait3A_137 = tpu.memref_slice %arg5[%dma_wait3A_135, %dma_wait3A_136] : memref<128x128xf32, #tpu.memory_space<hbm>> -> memref<128x128xf32, #tpu.memory_space<hbm>>
      %dma_wait3A_138 = arith.constant 0 : i32
      %dma_wait3A_139 = arith.constant 0 : i32
      %dma_wait3A_140 = tpu.memref_slice %arg5[%dma_wait3A_138, %dma_wait3A_139] : memref<128x128xf32, #tpu.memory_space<hbm>> -> memref<128x128xf32, #tpu.memory_space<hbm>>
      tpu.wait_dma2 semaphore(%run_scoped3A : memref<!tpu.dma_semaphore, #tpu.memory_space<semaphore_mem>>) src(%dma_wait3A_140 : memref<128x128xf32, #tpu.memory_space<hbm>>) dst(%arg9 : memref<128x128xf32, #tpu.memory_space<vmem>>)
      tpu.yield
    }) : () -> ()
    "tpu.region"() ({
      %run_scoped3A = tpu.sem_alloc : memref<!tpu.dma_semaphore, #tpu.memory_space<semaphore_mem>>
      %dma_start3A_129 = arith.constant 0 : i32
      %dma_start3A_130 = arith.constant 0 : i32
      %dma_start3A_131 = tpu.memref_slice %arg5[%dma_start3A_129, %dma_start3A_130] : memref<128x128xf32, #tpu.memory_space<hbm>> -> memref<128x128xf32, #tpu.memory_space<hbm>>
      %dma_start3A_132 = arith.constant 0 : i32
      %dma_start3A_133 = arith.constant 0 : i32
      %dma_start3A_134 = tpu.memref_slice %arg5[%dma_start3A_132, %dma_start3A_133] : memref<128x128xf32, #tpu.memory_space<hbm>> -> memref<128x128xf32, #tpu.memory_space<hbm>>
      tpu.enqueue_dma source(%dma_start3A_134 : memref<128x128xf32, #tpu.memory_space<hbm>>) target(%arg10 : memref<128x128xf32, #tpu.memory_space<vmem>>) target_semaphore(%run_scoped3A : memref<!tpu.dma_semaphore, #tpu.memory_space<semaphore_mem>>)
      %dma_wait3A_135 = arith.constant 0 : i32
      %dma_wait3A_136 = arith.constant 0 : i32
      %dma_wait3A_137 = tpu.memref_slice %arg5[%dma_wait3A_135, %dma_wait3A_136] : memref<128x128xf32, #tpu.memory_space<hbm>> -> memref<128x128xf32, #tpu.memory_space<hbm>>
      %dma_wait3A_138 = arith.constant 0 : i32
      %dma_wait3A_139 = arith.constant 0 : i32
      %dma_wait3A_140 = tpu.memref_slice %arg5[%dma_wait3A_138, %dma_wait3A_139] : memref<128x128xf32, #tpu.memory_space<hbm>> -> memref<128x128xf32, #tpu.memory_space<hbm>>
      tpu.wait_dma2 semaphore(%run_scoped3A : memref<!tpu.dma_semaphore, #tpu.memory_space<semaphore_mem>>) src(%dma_wait3A_140 : memref<128x128xf32, #tpu.memory_space<hbm>>) dst(%arg10 : memref<128x128xf32, #tpu.memory_space<vmem>>)
      tpu.yield
    }) : () -> ()
    %mul3A_1 = arith.constant 640 : i32
    %mul3A_2 = arith.muli %arg1, %mul3A_1 : i32
    %add3A_3 = arith.constant 0 : i32
    %add3A_4 = arith.addi %mul3A_2, %add3A_3 : i32
    "tpu.region"() ({
      %run_scoped3A = tpu.sem_alloc : memref<!tpu.dma_semaphore, #tpu.memory_space<semaphore_mem>>
      %dma_start3A_129 = arith.constant 0 : i32
      %dma_start3A_130 = tpu.memref_slice %arg15[%add3A_4, %dma_start3A_129] : memref<10240x128xf32, #tpu.memory_space<vmem_shared>> -> memref<128x128xf32, #tpu.memory_space<vmem_shared>>
      %dma_start3A_131 = arith.constant 0 : i32
      %dma_start3A_132 = tpu.memref_slice %arg15[%add3A_4, %dma_start3A_131] : memref<10240x128xf32, #tpu.memory_space<vmem_shared>> -> memref<128x128xf32, #tpu.memory_space<vmem_shared>>
      tpu.enqueue_dma source(%arg9 : memref<128x128xf32, #tpu.memory_space<vmem>>) target(%dma_start3A_132 : memref<128x128xf32, #tpu.memory_space<vmem_shared>>) target_semaphore(%run_scoped3A : memref<!tpu.dma_semaphore, #tpu.memory_space<semaphore_mem>>)
      %dma_wait3A_133 = arith.constant 0 : i32
      %dma_wait3A_134 = tpu.memref_slice %arg15[%add3A_4, %dma_wait3A_133] : memref<10240x128xf32, #tpu.memory_space<vmem_shared>> -> memref<128x128xf32, #tpu.memory_space<vmem_shared>>
      %dma_wait3A_135 = arith.constant 0 : i32
      %dma_wait3A_136 = tpu.memref_slice %arg15[%add3A_4, %dma_wait3A_135] : memref<10240x128xf32, #tpu.memory_space<vmem_shared>> -> memref<128x128xf32, #tpu.memory_space<vmem_shared>>
      tpu.wait_dma2 semaphore(%run_scoped3A : memref<!tpu.dma_semaphore, #tpu.memory_space<semaphore_mem>>) src(%arg9 : memref<128x128xf32, #tpu.memory_space<vmem>>) dst(%dma_wait3A_136 : memref<128x128xf32, #tpu.memory_space<vmem_shared>>)
      tpu.yield
    }) : () -> ()
    %mul3A_5 = arith.constant 640 : i32
    %mul3A_6 = arith.muli %arg1, %mul3A_5 : i32
    %add3A_7 = arith.constant 128 : i32
    %add3A_8 = arith.addi %mul3A_6, %add3A_7 : i32
    "tpu.region"() ({
      %run_scoped3A = tpu.sem_alloc : memref<!tpu.dma_semaphore, #tpu.memory_space<semaphore_mem>>
      %dma_start3A_129 = arith.constant 0 : i32
      %dma_start3A_130 = tpu.memref_slice %arg15[%add3A_8, %dma_start3A_129] : memref<10240x128xf32, #tpu.memory_space<vmem_shared>> -> memref<128x128xf32, #tpu.memory_space<vmem_shared>>
      %dma_start3A_131 = arith.constant 0 : i32
      %dma_start3A_132 = tpu.memref_slice %arg15[%add3A_8, %dma_start3A_131] : memref<10240x128xf32, #tpu.memory_space<vmem_shared>> -> memref<128x128xf32, #tpu.memory_space<vmem_shared>>
      tpu.enqueue_dma source(%arg10 : memref<128x128xf32, #tpu.memory_space<vmem>>) target(%dma_start3A_132 : memref<128x128xf32, #tpu.memory_space<vmem_shared>>) target_semaphore(%run_scoped3A : memref<!tpu.dma_semaphore, #tpu.memory_space<semaphore_mem>>)
      %dma_wait3A_133 = arith.constant 0 : i32
      %dma_wait3A_134 = tpu.memref_slice %arg15[%add3A_8, %dma_wait3A_133] : memref<10240x128xf32, #tpu.memory_space<vmem_shared>> -> memref<128x128xf32, #tpu.memory_space<vmem_shared>>
      %dma_wait3A_135 = arith.constant 0 : i32
      %dma_wait3A_136 = tpu.memref_slice %arg15[%add3A_8, %dma_wait3A_135] : memref<10240x128xf32, #tpu.memory_space<vmem_shared>> -> memref<128x128xf32, #tpu.memory_space<vmem_shared>>
      tpu.wait_dma2 semaphore(%run_scoped3A : memref<!tpu.dma_semaphore, #tpu.memory_space<semaphore_mem>>) src(%arg10 : memref<128x128xf32, #tpu.memory_space<vmem>>) dst(%dma_wait3A_136 : memref<128x128xf32, #tpu.memory_space<vmem_shared>>)
      tpu.yield
    }) : () -> ()
    %mul3A_9 = arith.constant 640 : i32
    %mul3A_10 = arith.muli %arg1, %mul3A_9 : i32
    %add3A_11 = arith.constant 256 : i32
    %add3A_12 = arith.addi %mul3A_10, %add3A_11 : i32
    "tpu.region"() ({
      %run_scoped3A = tpu.sem_alloc : memref<!tpu.dma_semaphore, #tpu.memory_space<semaphore_mem>>
      %dma_start3A_129 = arith.constant 0 : i32
      %dma_start3A_130 = tpu.memref_slice %arg15[%add3A_12, %dma_start3A_129] : memref<10240x128xf32, #tpu.memory_space<vmem_shared>> -> memref<128x128xf32, #tpu.memory_space<vmem_shared>>
      %dma_start3A_131 = arith.constant 0 : i32
      %dma_start3A_132 = tpu.memref_slice %arg15[%add3A_12, %dma_start3A_131] : memref<10240x128xf32, #tpu.memory_space<vmem_shared>> -> memref<128x128xf32, #tpu.memory_space<vmem_shared>>
      tpu.enqueue_dma source(%arg9 : memref<128x128xf32, #tpu.memory_space<vmem>>) target(%dma_start3A_132 : memref<128x128xf32, #tpu.memory_space<vmem_shared>>) target_semaphore(%run_scoped3A : memref<!tpu.dma_semaphore, #tpu.memory_space<semaphore_mem>>)
      %dma_wait3A_133 = arith.constant 0 : i32
      %dma_wait3A_134 = tpu.memref_slice %arg15[%add3A_12, %dma_wait3A_133] : memref<10240x128xf32, #tpu.memory_space<vmem_shared>> -> memref<128x128xf32, #tpu.memory_space<vmem_shared>>
      %dma_wait3A_135 = arith.constant 0 : i32
      %dma_wait3A_136 = tpu.memref_slice %arg15[%add3A_12, %dma_wait3A_135] : memref<10240x128xf32, #tpu.memory_space<vmem_shared>> -> memref<128x128xf32, #tpu.memory_space<vmem_shared>>
      tpu.wait_dma2 semaphore(%run_scoped3A : memref<!tpu.dma_semaphore, #tpu.memory_space<semaphore_mem>>) src(%arg9 : memref<128x128xf32, #tpu.memory_space<vmem>>) dst(%dma_wait3A_136 : memref<128x128xf32, #tpu.memory_space<vmem_shared>>)
      tpu.yield
    }) : () -> ()
    %mul3A_13 = arith.constant 640 : i32
    %mul3A_14 = arith.muli %arg1, %mul3A_13 : i32
    %add3A_15 = arith.constant 384 : i32
    %add3A_16 = arith.addi %mul3A_14, %add3A_15 : i32
    "tpu.region"() ({
      %run_scoped3A = tpu.sem_alloc : memref<!tpu.dma_semaphore, #tpu.memory_space<semaphore_mem>>
      %dma_start3A_129 = arith.constant 0 : i32
      %dma_start3A_130 = tpu.memref_slice %arg15[%add3A_16, %dma_start3A_129] : memref<10240x128xf32, #tpu.memory_space<vmem_shared>> -> memref<128x128xf32, #tpu.memory_space<vmem_shared>>
      %dma_start3A_131 = arith.constant 0 : i32
      %dma_start3A_132 = tpu.memref_slice %arg15[%add3A_16, %dma_start3A_131] : memref<10240x128xf32, #tpu.memory_space<vmem_shared>> -> memref<128x128xf32, #tpu.memory_space<vmem_shared>>
      tpu.enqueue_dma source(%arg10 : memref<128x128xf32, #tpu.memory_space<vmem>>) target(%dma_start3A_132 : memref<128x128xf32, #tpu.memory_space<vmem_shared>>) target_semaphore(%run_scoped3A : memref<!tpu.dma_semaphore, #tpu.memory_space<semaphore_mem>>)
      %dma_wait3A_133 = arith.constant 0 : i32
      %dma_wait3A_134 = tpu.memref_slice %arg15[%add3A_16, %dma_wait3A_133] : memref<10240x128xf32, #tpu.memory_space<vmem_shared>> -> memref<128x128xf32, #tpu.memory_space<vmem_shared>>
      %dma_wait3A_135 = arith.constant 0 : i32
      %dma_wait3A_136 = tpu.memref_slice %arg15[%add3A_16, %dma_wait3A_135] : memref<10240x128xf32, #tpu.memory_space<vmem_shared>> -> memref<128x128xf32, #tpu.memory_space<vmem_shared>>
      tpu.wait_dma2 semaphore(%run_scoped3A : memref<!tpu.dma_semaphore, #tpu.memory_space<semaphore_mem>>) src(%arg10 : memref<128x128xf32, #tpu.memory_space<vmem>>) dst(%dma_wait3A_136 : memref<128x128xf32, #tpu.memory_space<vmem_shared>>)
      tpu.yield
    }) : () -> ()
    %mul3A_17 = arith.constant 640 : i32
    %mul3A_18 = arith.muli %arg1, %mul3A_17 : i32
    %add3A_19 = arith.constant 512 : i32
    %add3A_20 = arith.addi %mul3A_18, %add3A_19 : i32
    "tpu.region"() ({
      %run_scoped3A = tpu.sem_alloc : memref<!tpu.dma_semaphore, #tpu.memory_space<semaphore_mem>>
      %dma_start3A_129 = arith.constant 0 : i32
      %dma_start3A_130 = tpu.memref_slice %arg15[%add3A_20, %dma_start3A_129] : memref<10240x128xf32, #tpu.memory_space<vmem_shared>> -> memref<128x128xf32, #tpu.memory_space<vmem_shared>>
      %dma_start3A_131 = arith.constant 0 : i32
      %dma_start3A_132 = tpu.memref_slice %arg15[%add3A_20, %dma_start3A_131] : memref<10240x128xf32, #tpu.memory_space<vmem_shared>> -> memref<128x128xf32, #tpu.memory_space<vmem_shared>>
      tpu.enqueue_dma source(%arg9 : memref<128x128xf32, #tpu.memory_space<vmem>>) target(%dma_start3A_132 : memref<128x128xf32, #tpu.memory_space<vmem_shared>>) target_semaphore(%run_scoped3A : memref<!tpu.dma_semaphore, #tpu.memory_space<semaphore_mem>>)
      %dma_wait3A_133 = arith.constant 0 : i32
      %dma_wait3A_134 = tpu.memref_slice %arg15[%add3A_20, %dma_wait3A_133] : memref<10240x128xf32, #tpu.memory_space<vmem_shared>> -> memref<128x128xf32, #tpu.memory_space<vmem_shared>>
      %dma_wait3A_135 = arith.constant 0 : i32
      %dma_wait3A_136 = tpu.memref_slice %arg15[%add3A_20, %dma_wait3A_135] : memref<10240x128xf32, #tpu.memory_space<vmem_shared>> -> memref<128x128xf32, #tpu.memory_space<vmem_shared>>
      tpu.wait_dma2 semaphore(%run_scoped3A : memref<!tpu.dma_semaphore, #tpu.memory_space<semaphore_mem>>) src(%arg9 : memref<128x128xf32, #tpu.memory_space<vmem>>) dst(%dma_wait3A_136 : memref<128x128xf32, #tpu.memory_space<vmem_shared>>)
      tpu.yield
    }) : () -> ()
    %barrier3A = arith.constant 0 : index
    tpu.barrier barrier_id(%barrier3A)
    %dma_start3A = arith.constant 0 : i32
    %dma_start3A_21 = arith.constant 0 : i32
    %dma_start3A_22 = arith.constant 0 : i32
    %dma_start3A_23 = tpu.memref_slice %arg8[%dma_start3A_21, %dma_start3A_22] : memref<2x128xi32, #tpu.memory_space<vmem>> -> memref<1x128xi32, #tpu.memory_space<vmem>>
    %dma_start3A_24 = tpu.memref_squeeze %dma_start3A_23 : memref<1x128xi32, #tpu.memory_space<vmem>> -> memref<128xi32, #tpu.memory_space<vmem>>
    %dma_start3A_25 = arith.constant 0 : i32
    %dma_start3A_26 = tpu.memref_slice %arg4[%add3A, %dma_start3A, %dma_start3A_25] : memref<32x80x128xi32, #tpu.memory_space<hbm>> -> memref<1x1x128xi32, #tpu.memory_space<hbm>>
    %dma_start3A_27 = tpu.memref_squeeze %dma_start3A_26 : memref<1x1x128xi32, #tpu.memory_space<hbm>> -> memref<128xi32, #tpu.memory_space<hbm>>
    %dma_start3A_28 = arith.constant 0 : i32
    %dma_start3A_29 = tpu.memref_slice %arg8[%dma_start3A_21, %dma_start3A_28] : memref<2x128xi32, #tpu.memory_space<vmem>> -> memref<1x128xi32, #tpu.memory_space<vmem>>
    %dma_start3A_30 = tpu.memref_squeeze %dma_start3A_29 : memref<1x128xi32, #tpu.memory_space<vmem>> -> memref<128xi32, #tpu.memory_space<vmem>>
    %dma_start3A_31 = arith.constant 0 : i32
    %dma_start3A_32 = tpu.memref_slice %arg4[%add3A, %dma_start3A, %dma_start3A_31] : memref<32x80x128xi32, #tpu.memory_space<hbm>> -> memref<1x1x128xi32, #tpu.memory_space<hbm>>
    %dma_start3A_33 = tpu.memref_squeeze %dma_start3A_32 : memref<1x1x128xi32, #tpu.memory_space<hbm>> -> memref<128xi32, #tpu.memory_space<hbm>>
    tpu.enqueue_dma source(%dma_start3A_33 : memref<128xi32, #tpu.memory_space<hbm>>) target(%dma_start3A_30 : memref<128xi32, #tpu.memory_space<vmem>>) target_semaphore(%arg13 : memref<!tpu.dma_semaphore, #tpu.memory_space<semaphore_mem>>)
    %dma_start3A_34 = arith.constant 0 : i32
    %dma_start3A_35 = arith.constant 0 : i32
    %dma_start3A_36 = tpu.memref_slice %arg7[%dma_start3A_34, %dma_start3A_35] : memref<80x128xi32, #tpu.memory_space<vmem>> -> memref<1x128xi32, #tpu.memory_space<vmem>>
    %dma_start3A_37 = tpu.memref_squeeze %dma_start3A_36 : memref<1x128xi32, #tpu.memory_space<vmem>> -> memref<128xi32, #tpu.memory_space<vmem>>
    %dma_start3A_38 = arith.constant 0 : i32
    %dma_start3A_39 = arith.constant 0 : i32
    %dma_start3A_40 = tpu.memref_slice %arg2[%dma_start3A_38, %dma_start3A_39] : memref<10240x128xf32, #tpu.memory_space<hbm>> -> memref<10240x128xf32, #tpu.memory_space<hbm>>
    tpu.enqueue_indirect_dma source(%dma_start3A_40 : memref<10240x128xf32, #tpu.memory_space<hbm>>) target(%arg9 : memref<128x128xf32, #tpu.memory_space<vmem>>) offsets(%dma_start3A_37 : memref<128xi32, #tpu.memory_space<vmem>>) semaphore(%arg11 : memref<!tpu.dma_semaphore, #tpu.memory_space<semaphore_mem>>)
    %dma_start3A_41 = arith.constant 1 : i32
    %dma_start3A_42 = arith.constant 1 : i32
    %dma_start3A_43 = arith.constant 0 : i32
    %dma_start3A_44 = tpu.memref_slice %arg8[%dma_start3A_42, %dma_start3A_43] : memref<2x128xi32, #tpu.memory_space<vmem>> -> memref<1x128xi32, #tpu.memory_space<vmem>>
    %dma_start3A_45 = tpu.memref_squeeze %dma_start3A_44 : memref<1x128xi32, #tpu.memory_space<vmem>> -> memref<128xi32, #tpu.memory_space<vmem>>
    %dma_start3A_46 = arith.constant 0 : i32
    %dma_start3A_47 = tpu.memref_slice %arg4[%add3A, %dma_start3A_41, %dma_start3A_46] : memref<32x80x128xi32, #tpu.memory_space<hbm>> -> memref<1x1x128xi32, #tpu.memory_space<hbm>>
    %dma_start3A_48 = tpu.memref_squeeze %dma_start3A_47 : memref<1x1x128xi32, #tpu.memory_space<hbm>> -> memref<128xi32, #tpu.memory_space<hbm>>
    %dma_start3A_49 = arith.constant 0 : i32
    %dma_start3A_50 = tpu.memref_slice %arg8[%dma_start3A_42, %dma_start3A_49] : memref<2x128xi32, #tpu.memory_space<vmem>> -> memref<1x128xi32, #tpu.memory_space<vmem>>
    %dma_start3A_51 = tpu.memref_squeeze %dma_start3A_50 : memref<1x128xi32, #tpu.memory_space<vmem>> -> memref<128xi32, #tpu.memory_space<vmem>>
    %dma_start3A_52 = arith.constant 0 : i32
    %dma_start3A_53 = tpu.memref_slice %arg4[%add3A, %dma_start3A_41, %dma_start3A_52] : memref<32x80x128xi32, #tpu.memory_space<hbm>> -> memref<1x1x128xi32, #tpu.memory_space<hbm>>
    %dma_start3A_54 = tpu.memref_squeeze %dma_start3A_53 : memref<1x1x128xi32, #tpu.memory_space<hbm>> -> memref<128xi32, #tpu.memory_space<hbm>>
    tpu.enqueue_dma source(%dma_start3A_54 : memref<128xi32, #tpu.memory_space<hbm>>) target(%dma_start3A_51 : memref<128xi32, #tpu.memory_space<vmem>>) target_semaphore(%arg14 : memref<!tpu.dma_semaphore, #tpu.memory_space<semaphore_mem>>)
    %dma_start3A_55 = arith.constant 1 : i32
    %dma_start3A_56 = arith.constant 0 : i32
    %dma_start3A_57 = tpu.memref_slice %arg7[%dma_start3A_55, %dma_start3A_56] : memref<80x128xi32, #tpu.memory_space<vmem>> -> memref<1x128xi32, #tpu.memory_space<vmem>>
    %dma_start3A_58 = tpu.memref_squeeze %dma_start3A_57 : memref<1x128xi32, #tpu.memory_space<vmem>> -> memref<128xi32, #tpu.memory_space<vmem>>
    %dma_start3A_59 = arith.constant 0 : i32
    %dma_start3A_60 = arith.constant 0 : i32
    %dma_start3A_61 = tpu.memref_slice %arg2[%dma_start3A_59, %dma_start3A_60] : memref<10240x128xf32, #tpu.memory_space<hbm>> -> memref<10240x128xf32, #tpu.memory_space<hbm>>
    tpu.enqueue_indirect_dma source(%dma_start3A_61 : memref<10240x128xf32, #tpu.memory_space<hbm>>) target(%arg10 : memref<128x128xf32, #tpu.memory_space<vmem>>) offsets(%dma_start3A_58 : memref<128xi32, #tpu.memory_space<vmem>>) semaphore(%arg12 : memref<!tpu.dma_semaphore, #tpu.memory_space<semaphore_mem>>)
    %scan3A = arith.constant 0 : i32
    %scan3A_62 = arith.constant 0 : i32
    %scan3A_63 = arith.constant 40 : i32
    %scan3A_64 = arith.addi %scan3A_62, %scan3A_63 : i32
    %scan3A_65 = arith.constant 1 : i32
    scf.for %scan3A_129 = %scan3A_62 to %scan3A_64 step %scan3A_65  : i32 {
      %mul3A_130 = arith.constant 2 : i32
      %mul3A_131 = arith.muli %mul3A_130, %scan3A_129 : i32
      %add3A_132 = arith.constant 0 : i32
      %add3A_133 = arith.addi %add3A_132, %mul3A_131 : i32
      %add3A_134 = arith.constant 0 : i32
      %add3A_135 = arith.addi %add3A_133, %add3A_134 : i32
      %add3A_136 = arith.constant 2 : i32
      %add3A_137 = arith.addi %add3A_135, %add3A_136 : i32
      %min3A = arith.constant 79 : i32
      %min3A_138 = arith.minsi %add3A_137, %min3A : i32
      %dma_wait3A_139 = arith.constant 0 : i32
      %dma_wait3A_140 = tpu.memref_slice %arg7[%add3A_135, %dma_wait3A_139] : memref<80x128xi32, #tpu.memory_space<vmem>> -> memref<1x128xi32, #tpu.memory_space<vmem>>
      %dma_wait3A_141 = tpu.memref_squeeze %dma_wait3A_140 : memref<1x128xi32, #tpu.memory_space<vmem>> -> memref<128xi32, #tpu.memory_space<vmem>>
      %dma_wait3A_142 = arith.constant 0 : i32
      %dma_wait3A_143 = arith.constant 0 : i32
      %dma_wait3A_144 = tpu.memref_slice %arg2[%dma_wait3A_142, %dma_wait3A_143] : memref<10240x128xf32, #tpu.memory_space<hbm>> -> memref<10240x128xf32, #tpu.memory_space<hbm>>
      tpu.wait_indirect_dma semaphore(%arg11 : memref<!tpu.dma_semaphore, #tpu.memory_space<semaphore_mem>>) src(%dma_wait3A_144 : memref<10240x128xf32, #tpu.memory_space<hbm>>) dst(%arg9 : memref<128x128xf32, #tpu.memory_space<vmem>>)
      %dma_wait3A_145 = arith.constant 0 : i32
      %dma_wait3A_146 = arith.constant 0 : i32
      %dma_wait3A_147 = tpu.memref_slice %arg8[%dma_wait3A_145, %dma_wait3A_146] : memref<2x128xi32, #tpu.memory_space<vmem>> -> memref<1x128xi32, #tpu.memory_space<vmem>>
      %dma_wait3A_148 = tpu.memref_squeeze %dma_wait3A_147 : memref<1x128xi32, #tpu.memory_space<vmem>> -> memref<128xi32, #tpu.memory_space<vmem>>
      %dma_wait3A_149 = arith.constant 0 : i32
      %dma_wait3A_150 = tpu.memref_slice %arg4[%add3A, %add3A_135, %dma_wait3A_149] : memref<32x80x128xi32, #tpu.memory_space<hbm>> -> memref<1x1x128xi32, #tpu.memory_space<hbm>>
      %dma_wait3A_151 = tpu.memref_squeeze %dma_wait3A_150 : memref<1x1x128xi32, #tpu.memory_space<hbm>> -> memref<128xi32, #tpu.memory_space<hbm>>
      %dma_wait3A_152 = arith.constant 0 : i32
      %dma_wait3A_153 = tpu.memref_slice %arg8[%dma_wait3A_145, %dma_wait3A_152] : memref<2x128xi32, #tpu.memory_space<vmem>> -> memref<1x128xi32, #tpu.memory_space<vmem>>
      %dma_wait3A_154 = tpu.memref_squeeze %dma_wait3A_153 : memref<1x128xi32, #tpu.memory_space<vmem>> -> memref<128xi32, #tpu.memory_space<vmem>>
      %dma_wait3A_155 = arith.constant 0 : i32
      %dma_wait3A_156 = tpu.memref_slice %arg4[%add3A, %add3A_135, %dma_wait3A_155] : memref<32x80x128xi32, #tpu.memory_space<hbm>> -> memref<1x1x128xi32, #tpu.memory_space<hbm>>
      %dma_wait3A_157 = tpu.memref_squeeze %dma_wait3A_156 : memref<1x1x128xi32, #tpu.memory_space<hbm>> -> memref<128xi32, #tpu.memory_space<hbm>>
      tpu.wait_dma2 semaphore(%arg13 : memref<!tpu.dma_semaphore, #tpu.memory_space<semaphore_mem>>) src(%dma_wait3A_157 : memref<128xi32, #tpu.memory_space<hbm>>) dst(%dma_wait3A_154 : memref<128xi32, #tpu.memory_space<vmem>>)
      %run_scoped3A = arith.constant 0 : i32
      "tpu.region"() ({
        %run_scoped3A_226 = tpu.sem_alloc : memref<!tpu.dma_semaphore, #tpu.memory_space<semaphore_mem>>
        %dma_start3A_227 = arith.constant 0 : i32
        %dma_start3A_228 = tpu.memref_slice %arg8[%run_scoped3A, %dma_start3A_227] : memref<2x128xi32, #tpu.memory_space<vmem>> -> memref<1x128xi32, #tpu.memory_space<vmem>>
        %dma_start3A_229 = tpu.memref_squeeze %dma_start3A_228 : memref<1x128xi32, #tpu.memory_space<vmem>> -> memref<128xi32, #tpu.memory_space<vmem>>
        %dma_start3A_230 = arith.constant 0 : i32
        %dma_start3A_231 = arith.constant 0 : i32
        %dma_start3A_232 = tpu.memref_slice %arg15[%dma_start3A_230, %dma_start3A_231] : memref<10240x128xf32, #tpu.memory_space<vmem_shared>> -> memref<10240x128xf32, #tpu.memory_space<vmem_shared>>
        tpu.enqueue_indirect_dma source(%arg9 : memref<128x128xf32, #tpu.memory_space<vmem>>) target(%dma_start3A_232 : memref<10240x128xf32, #tpu.memory_space<vmem_shared>>) offsets(%dma_start3A_229 : memref<128xi32, #tpu.memory_space<vmem>>) semaphore(%run_scoped3A_226 : memref<!tpu.dma_semaphore, #tpu.memory_space<semaphore_mem>>) {add = true}
        %dma_wait3A_233 = arith.constant 0 : i32
        %dma_wait3A_234 = tpu.memref_slice %arg8[%run_scoped3A, %dma_wait3A_233] : memref<2x128xi32, #tpu.memory_space<vmem>> -> memref<1x128xi32, #tpu.memory_space<vmem>>
        %dma_wait3A_235 = tpu.memref_squeeze %dma_wait3A_234 : memref<1x128xi32, #tpu.memory_space<vmem>> -> memref<128xi32, #tpu.memory_space<vmem>>
        %dma_wait3A_236 = arith.constant 0 : i32
        %dma_wait3A_237 = arith.constant 0 : i32
        %dma_wait3A_238 = tpu.memref_slice %arg15[%dma_wait3A_236, %dma_wait3A_237] : memref<10240x128xf32, #tpu.memory_space<vmem_shared>> -> memref<10240x128xf32, #tpu.memory_space<vmem_shared>>
        tpu.wait_indirect_dma semaphore(%run_scoped3A_226 : memref<!tpu.dma_semaphore, #tpu.memory_space<semaphore_mem>>) src(%arg9 : memref<128x128xf32, #tpu.memory_space<vmem>>) dst(%dma_wait3A_238 : memref<10240x128xf32, #tpu.memory_space<vmem_shared>>)
        tpu.yield
      }) : () -> ()
      %dma_start3A_158 = arith.constant 0 : i32
      %dma_start3A_159 = arith.constant 0 : i32
      %dma_start3A_160 = tpu.memref_slice %arg8[%dma_start3A_158, %dma_start3A_159] : memref<2x128xi32, #tpu.memory_space<vmem>> -> memref<1x128xi32, #tpu.memory_space<vmem>>
      %dma_start3A_161 = tpu.memref_squeeze %dma_start3A_160 : memref<1x128xi32, #tpu.memory_space<vmem>> -> memref<128xi32, #tpu.memory_space<vmem>>
      %dma_start3A_162 = arith.constant 0 : i32
      %dma_start3A_163 = tpu.memref_slice %arg4[%add3A, %min3A_138, %dma_start3A_162] : memref<32x80x128xi32, #tpu.memory_space<hbm>> -> memref<1x1x128xi32, #tpu.memory_space<hbm>>
      %dma_start3A_164 = tpu.memref_squeeze %dma_start3A_163 : memref<1x1x128xi32, #tpu.memory_space<hbm>> -> memref<128xi32, #tpu.memory_space<hbm>>
      %dma_start3A_165 = arith.constant 0 : i32
      %dma_start3A_166 = tpu.memref_slice %arg8[%dma_start3A_158, %dma_start3A_165] : memref<2x128xi32, #tpu.memory_space<vmem>> -> memref<1x128xi32, #tpu.memory_space<vmem>>
      %dma_start3A_167 = tpu.memref_squeeze %dma_start3A_166 : memref<1x128xi32, #tpu.memory_space<vmem>> -> memref<128xi32, #tpu.memory_space<vmem>>
      %dma_start3A_168 = arith.constant 0 : i32
      %dma_start3A_169 = tpu.memref_slice %arg4[%add3A, %min3A_138, %dma_start3A_168] : memref<32x80x128xi32, #tpu.memory_space<hbm>> -> memref<1x1x128xi32, #tpu.memory_space<hbm>>
      %dma_start3A_170 = tpu.memref_squeeze %dma_start3A_169 : memref<1x1x128xi32, #tpu.memory_space<hbm>> -> memref<128xi32, #tpu.memory_space<hbm>>
      tpu.enqueue_dma source(%dma_start3A_170 : memref<128xi32, #tpu.memory_space<hbm>>) target(%dma_start3A_167 : memref<128xi32, #tpu.memory_space<vmem>>) target_semaphore(%arg13 : memref<!tpu.dma_semaphore, #tpu.memory_space<semaphore_mem>>)
      %dma_start3A_171 = arith.constant 0 : i32
      %dma_start3A_172 = tpu.memref_slice %arg7[%min3A_138, %dma_start3A_171] : memref<80x128xi32, #tpu.memory_space<vmem>> -> memref<1x128xi32, #tpu.memory_space<vmem>>
      %dma_start3A_173 = tpu.memref_squeeze %dma_start3A_172 : memref<1x128xi32, #tpu.memory_space<vmem>> -> memref<128xi32, #tpu.memory_space<vmem>>
      %dma_start3A_174 = arith.constant 0 : i32
      %dma_start3A_175 = arith.constant 0 : i32
      %dma_start3A_176 = tpu.memref_slice %arg2[%dma_start3A_174, %dma_start3A_175] : memref<10240x128xf32, #tpu.memory_space<hbm>> -> memref<10240x128xf32, #tpu.memory_space<hbm>>
      tpu.enqueue_indirect_dma source(%dma_start3A_176 : memref<10240x128xf32, #tpu.memory_space<hbm>>) target(%arg9 : memref<128x128xf32, #tpu.memory_space<vmem>>) offsets(%dma_start3A_173 : memref<128xi32, #tpu.memory_space<vmem>>) semaphore(%arg11 : memref<!tpu.dma_semaphore, #tpu.memory_space<semaphore_mem>>)
      %mul3A_177 = arith.constant 2 : i32
      %mul3A_178 = arith.muli %mul3A_177, %scan3A_129 : i32
      %add3A_179 = arith.constant 0 : i32
      %add3A_180 = arith.addi %add3A_179, %mul3A_178 : i32
      %add3A_181 = arith.constant 1 : i32
      %add3A_182 = arith.addi %add3A_180, %add3A_181 : i32
      %add3A_183 = arith.constant 2 : i32
      %add3A_184 = arith.addi %add3A_182, %add3A_183 : i32
      %min3A_185 = arith.constant 79 : i32
      %min3A_186 = arith.minsi %add3A_184, %min3A_185 : i32
      %dma_wait3A_187 = arith.constant 0 : i32
      %dma_wait3A_188 = tpu.memref_slice %arg7[%add3A_182, %dma_wait3A_187] : memref<80x128xi32, #tpu.memory_space<vmem>> -> memref<1x128xi32, #tpu.memory_space<vmem>>
      %dma_wait3A_189 = tpu.memref_squeeze %dma_wait3A_188 : memref<1x128xi32, #tpu.memory_space<vmem>> -> memref<128xi32, #tpu.memory_space<vmem>>
      %dma_wait3A_190 = arith.constant 0 : i32
      %dma_wait3A_191 = arith.constant 0 : i32
      %dma_wait3A_192 = tpu.memref_slice %arg2[%dma_wait3A_190, %dma_wait3A_191] : memref<10240x128xf32, #tpu.memory_space<hbm>> -> memref<10240x128xf32, #tpu.memory_space<hbm>>
      tpu.wait_indirect_dma semaphore(%arg12 : memref<!tpu.dma_semaphore, #tpu.memory_space<semaphore_mem>>) src(%dma_wait3A_192 : memref<10240x128xf32, #tpu.memory_space<hbm>>) dst(%arg10 : memref<128x128xf32, #tpu.memory_space<vmem>>)
      %dma_wait3A_193 = arith.constant 1 : i32
      %dma_wait3A_194 = arith.constant 0 : i32
      %dma_wait3A_195 = tpu.memref_slice %arg8[%dma_wait3A_193, %dma_wait3A_194] : memref<2x128xi32, #tpu.memory_space<vmem>> -> memref<1x128xi32, #tpu.memory_space<vmem>>
      %dma_wait3A_196 = tpu.memref_squeeze %dma_wait3A_195 : memref<1x128xi32, #tpu.memory_space<vmem>> -> memref<128xi32, #tpu.memory_space<vmem>>
      %dma_wait3A_197 = arith.constant 0 : i32
      %dma_wait3A_198 = tpu.memref_slice %arg4[%add3A, %add3A_182, %dma_wait3A_197] : memref<32x80x128xi32, #tpu.memory_space<hbm>> -> memref<1x1x128xi32, #tpu.memory_space<hbm>>
      %dma_wait3A_199 = tpu.memref_squeeze %dma_wait3A_198 : memref<1x1x128xi32, #tpu.memory_space<hbm>> -> memref<128xi32, #tpu.memory_space<hbm>>
      %dma_wait3A_200 = arith.constant 0 : i32
      %dma_wait3A_201 = tpu.memref_slice %arg8[%dma_wait3A_193, %dma_wait3A_200] : memref<2x128xi32, #tpu.memory_space<vmem>> -> memref<1x128xi32, #tpu.memory_space<vmem>>
      %dma_wait3A_202 = tpu.memref_squeeze %dma_wait3A_201 : memref<1x128xi32, #tpu.memory_space<vmem>> -> memref<128xi32, #tpu.memory_space<vmem>>
      %dma_wait3A_203 = arith.constant 0 : i32
      %dma_wait3A_204 = tpu.memref_slice %arg4[%add3A, %add3A_182, %dma_wait3A_203] : memref<32x80x128xi32, #tpu.memory_space<hbm>> -> memref<1x1x128xi32, #tpu.memory_space<hbm>>
      %dma_wait3A_205 = tpu.memref_squeeze %dma_wait3A_204 : memref<1x1x128xi32, #tpu.memory_space<hbm>> -> memref<128xi32, #tpu.memory_space<hbm>>
      tpu.wait_dma2 semaphore(%arg14 : memref<!tpu.dma_semaphore, #tpu.memory_space<semaphore_mem>>) src(%dma_wait3A_205 : memref<128xi32, #tpu.memory_space<hbm>>) dst(%dma_wait3A_202 : memref<128xi32, #tpu.memory_space<vmem>>)
      %run_scoped3A_206 = arith.constant 1 : i32
      "tpu.region"() ({
        %run_scoped3A_226 = tpu.sem_alloc : memref<!tpu.dma_semaphore, #tpu.memory_space<semaphore_mem>>
        %dma_start3A_227 = arith.constant 0 : i32
        %dma_start3A_228 = tpu.memref_slice %arg8[%run_scoped3A_206, %dma_start3A_227] : memref<2x128xi32, #tpu.memory_space<vmem>> -> memref<1x128xi32, #tpu.memory_space<vmem>>
        %dma_start3A_229 = tpu.memref_squeeze %dma_start3A_228 : memref<1x128xi32, #tpu.memory_space<vmem>> -> memref<128xi32, #tpu.memory_space<vmem>>
        %dma_start3A_230 = arith.constant 0 : i32
        %dma_start3A_231 = arith.constant 0 : i32
        %dma_start3A_232 = tpu.memref_slice %arg15[%dma_start3A_230, %dma_start3A_231] : memref<10240x128xf32, #tpu.memory_space<vmem_shared>> -> memref<10240x128xf32, #tpu.memory_space<vmem_shared>>
        tpu.enqueue_indirect_dma source(%arg10 : memref<128x128xf32, #tpu.memory_space<vmem>>) target(%dma_start3A_232 : memref<10240x128xf32, #tpu.memory_space<vmem_shared>>) offsets(%dma_start3A_229 : memref<128xi32, #tpu.memory_space<vmem>>) semaphore(%run_scoped3A_226 : memref<!tpu.dma_semaphore, #tpu.memory_space<semaphore_mem>>) {add = true}
        %dma_wait3A_233 = arith.constant 0 : i32
        %dma_wait3A_234 = tpu.memref_slice %arg8[%run_scoped3A_206, %dma_wait3A_233] : memref<2x128xi32, #tpu.memory_space<vmem>> -> memref<1x128xi32, #tpu.memory_space<vmem>>
        %dma_wait3A_235 = tpu.memref_squeeze %dma_wait3A_234 : memref<1x128xi32, #tpu.memory_space<vmem>> -> memref<128xi32, #tpu.memory_space<vmem>>
        %dma_wait3A_236 = arith.constant 0 : i32
        %dma_wait3A_237 = arith.constant 0 : i32
        %dma_wait3A_238 = tpu.memref_slice %arg15[%dma_wait3A_236, %dma_wait3A_237] : memref<10240x128xf32, #tpu.memory_space<vmem_shared>> -> memref<10240x128xf32, #tpu.memory_space<vmem_shared>>
        tpu.wait_indirect_dma semaphore(%run_scoped3A_226 : memref<!tpu.dma_semaphore, #tpu.memory_space<semaphore_mem>>) src(%arg10 : memref<128x128xf32, #tpu.memory_space<vmem>>) dst(%dma_wait3A_238 : memref<10240x128xf32, #tpu.memory_space<vmem_shared>>)
        tpu.yield
      }) : () -> ()
      %dma_start3A_207 = arith.constant 1 : i32
      %dma_start3A_208 = arith.constant 0 : i32
      %dma_start3A_209 = tpu.memref_slice %arg8[%dma_start3A_207, %dma_start3A_208] : memref<2x128xi32, #tpu.memory_space<vmem>> -> memref<1x128xi32, #tpu.memory_space<vmem>>
      %dma_start3A_210 = tpu.memref_squeeze %dma_start3A_209 : memref<1x128xi32, #tpu.memory_space<vmem>> -> memref<128xi32, #tpu.memory_space<vmem>>
      %dma_start3A_211 = arith.constant 0 : i32
      %dma_start3A_212 = tpu.memref_slice %arg4[%add3A, %min3A_186, %dma_start3A_211] : memref<32x80x128xi32, #tpu.memory_space<hbm>> -> memref<1x1x128xi32, #tpu.memory_space<hbm>>
      %dma_start3A_213 = tpu.memref_squeeze %dma_start3A_212 : memref<1x1x128xi32, #tpu.memory_space<hbm>> -> memref<128xi32, #tpu.memory_space<hbm>>
      %dma_start3A_214 = arith.constant 0 : i32
      %dma_start3A_215 = tpu.memref_slice %arg8[%dma_start3A_207, %dma_start3A_214] : memref<2x128xi32, #tpu.memory_space<vmem>> -> memref<1x128xi32, #tpu.memory_space<vmem>>
      %dma_start3A_216 = tpu.memref_squeeze %dma_start3A_215 : memref<1x128xi32, #tpu.memory_space<vmem>> -> memref<128xi32, #tpu.memory_space<vmem>>
      %dma_start3A_217 = arith.constant 0 : i32
      %dma_start3A_218 = tpu.memref_slice %arg4[%add3A, %min3A_186, %dma_start3A_217] : memref<32x80x128xi32, #tpu.memory_space<hbm>> -> memref<1x1x128xi32, #tpu.memory_space<hbm>>
      %dma_start3A_219 = tpu.memref_squeeze %dma_start3A_218 : memref<1x1x128xi32, #tpu.memory_space<hbm>> -> memref<128xi32, #tpu.memory_space<hbm>>
      tpu.enqueue_dma source(%dma_start3A_219 : memref<128xi32, #tpu.memory_space<hbm>>) target(%dma_start3A_216 : memref<128xi32, #tpu.memory_space<vmem>>) target_semaphore(%arg14 : memref<!tpu.dma_semaphore, #tpu.memory_space<semaphore_mem>>)
      %dma_start3A_220 = arith.constant 0 : i32
      %dma_start3A_221 = tpu.memref_slice %arg7[%min3A_186, %dma_start3A_220] : memref<80x128xi32, #tpu.memory_space<vmem>> -> memref<1x128xi32, #tpu.memory_space<vmem>>
      %dma_start3A_222 = tpu.memref_squeeze %dma_start3A_221 : memref<1x128xi32, #tpu.memory_space<vmem>> -> memref<128xi32, #tpu.memory_space<vmem>>
      %dma_start3A_223 = arith.constant 0 : i32
      %dma_start3A_224 = arith.constant 0 : i32
      %dma_start3A_225 = tpu.memref_slice %arg2[%dma_start3A_223, %dma_start3A_224] : memref<10240x128xf32, #tpu.memory_space<hbm>> -> memref<10240x128xf32, #tpu.memory_space<hbm>>
      tpu.enqueue_indirect_dma source(%dma_start3A_225 : memref<10240x128xf32, #tpu.memory_space<hbm>>) target(%arg10 : memref<128x128xf32, #tpu.memory_space<vmem>>) offsets(%dma_start3A_222 : memref<128xi32, #tpu.memory_space<vmem>>) semaphore(%arg12 : memref<!tpu.dma_semaphore, #tpu.memory_space<semaphore_mem>>)
    }
    %scan3A_66 = arith.constant 40 : i32
    %dma_wait3A = arith.constant 79 : i32
    %dma_wait3A_67 = arith.constant 0 : i32
    %dma_wait3A_68 = tpu.memref_slice %arg7[%dma_wait3A, %dma_wait3A_67] : memref<80x128xi32, #tpu.memory_space<vmem>> -> memref<1x128xi32, #tpu.memory_space<vmem>>
    %dma_wait3A_69 = tpu.memref_squeeze %dma_wait3A_68 : memref<1x128xi32, #tpu.memory_space<vmem>> -> memref<128xi32, #tpu.memory_space<vmem>>
    %dma_wait3A_70 = arith.constant 0 : i32
    %dma_wait3A_71 = arith.constant 0 : i32
    %dma_wait3A_72 = tpu.memref_slice %arg2[%dma_wait3A_70, %dma_wait3A_71] : memref<10240x128xf32, #tpu.memory_space<hbm>> -> memref<10240x128xf32, #tpu.memory_space<hbm>>
    tpu.wait_indirect_dma semaphore(%arg11 : memref<!tpu.dma_semaphore, #tpu.memory_space<semaphore_mem>>) src(%dma_wait3A_72 : memref<10240x128xf32, #tpu.memory_space<hbm>>) dst(%arg9 : memref<128x128xf32, #tpu.memory_space<vmem>>)
    %dma_wait3A_73 = arith.constant 79 : i32
    %dma_wait3A_74 = arith.constant 0 : i32
    %dma_wait3A_75 = arith.constant 0 : i32
    %dma_wait3A_76 = tpu.memref_slice %arg8[%dma_wait3A_74, %dma_wait3A_75] : memref<2x128xi32, #tpu.memory_space<vmem>> -> memref<1x128xi32, #tpu.memory_space<vmem>>
    %dma_wait3A_77 = tpu.memref_squeeze %dma_wait3A_76 : memref<1x128xi32, #tpu.memory_space<vmem>> -> memref<128xi32, #tpu.memory_space<vmem>>
    %dma_wait3A_78 = arith.constant 0 : i32
    %dma_wait3A_79 = tpu.memref_slice %arg4[%add3A, %dma_wait3A_73, %dma_wait3A_78] : memref<32x80x128xi32, #tpu.memory_space<hbm>> -> memref<1x1x128xi32, #tpu.memory_space<hbm>>
    %dma_wait3A_80 = tpu.memref_squeeze %dma_wait3A_79 : memref<1x1x128xi32, #tpu.memory_space<hbm>> -> memref<128xi32, #tpu.memory_space<hbm>>
    %dma_wait3A_81 = arith.constant 0 : i32
    %dma_wait3A_82 = tpu.memref_slice %arg8[%dma_wait3A_74, %dma_wait3A_81] : memref<2x128xi32, #tpu.memory_space<vmem>> -> memref<1x128xi32, #tpu.memory_space<vmem>>
    %dma_wait3A_83 = tpu.memref_squeeze %dma_wait3A_82 : memref<1x128xi32, #tpu.memory_space<vmem>> -> memref<128xi32, #tpu.memory_space<vmem>>
    %dma_wait3A_84 = arith.constant 0 : i32
    %dma_wait3A_85 = tpu.memref_slice %arg4[%add3A, %dma_wait3A_73, %dma_wait3A_84] : memref<32x80x128xi32, #tpu.memory_space<hbm>> -> memref<1x1x128xi32, #tpu.memory_space<hbm>>
    %dma_wait3A_86 = tpu.memref_squeeze %dma_wait3A_85 : memref<1x1x128xi32, #tpu.memory_space<hbm>> -> memref<128xi32, #tpu.memory_space<hbm>>
    tpu.wait_dma2 semaphore(%arg13 : memref<!tpu.dma_semaphore, #tpu.memory_space<semaphore_mem>>) src(%dma_wait3A_86 : memref<128xi32, #tpu.memory_space<hbm>>) dst(%dma_wait3A_83 : memref<128xi32, #tpu.memory_space<vmem>>)
    %dma_wait3A_87 = arith.constant 79 : i32
    %dma_wait3A_88 = arith.constant 0 : i32
    %dma_wait3A_89 = tpu.memref_slice %arg7[%dma_wait3A_87, %dma_wait3A_88] : memref<80x128xi32, #tpu.memory_space<vmem>> -> memref<1x128xi32, #tpu.memory_space<vmem>>
    %dma_wait3A_90 = tpu.memref_squeeze %dma_wait3A_89 : memref<1x128xi32, #tpu.memory_space<vmem>> -> memref<128xi32, #tpu.memory_space<vmem>>
    %dma_wait3A_91 = arith.constant 0 : i32
    %dma_wait3A_92 = arith.constant 0 : i32
    %dma_wait3A_93 = tpu.memref_slice %arg2[%dma_wait3A_91, %dma_wait3A_92] : memref<10240x128xf32, #tpu.memory_space<hbm>> -> memref<10240x128xf32, #tpu.memory_space<hbm>>
    tpu.wait_indirect_dma semaphore(%arg12 : memref<!tpu.dma_semaphore, #tpu.memory_space<semaphore_mem>>) src(%dma_wait3A_93 : memref<10240x128xf32, #tpu.memory_space<hbm>>) dst(%arg10 : memref<128x128xf32, #tpu.memory_space<vmem>>)
    %dma_wait3A_94 = arith.constant 79 : i32
    %dma_wait3A_95 = arith.constant 1 : i32
    %dma_wait3A_96 = arith.constant 0 : i32
    %dma_wait3A_97 = tpu.memref_slice %arg8[%dma_wait3A_95, %dma_wait3A_96] : memref<2x128xi32, #tpu.memory_space<vmem>> -> memref<1x128xi32, #tpu.memory_space<vmem>>
    %dma_wait3A_98 = tpu.memref_squeeze %dma_wait3A_97 : memref<1x128xi32, #tpu.memory_space<vmem>> -> memref<128xi32, #tpu.memory_space<vmem>>
    %dma_wait3A_99 = arith.constant 0 : i32
    %dma_wait3A_100 = tpu.memref_slice %arg4[%add3A, %dma_wait3A_94, %dma_wait3A_99] : memref<32x80x128xi32, #tpu.memory_space<hbm>> -> memref<1x1x128xi32, #tpu.memory_space<hbm>>
    %dma_wait3A_101 = tpu.memref_squeeze %dma_wait3A_100 : memref<1x1x128xi32, #tpu.memory_space<hbm>> -> memref<128xi32, #tpu.memory_space<hbm>>
    %dma_wait3A_102 = arith.constant 0 : i32
    %dma_wait3A_103 = tpu.memref_slice %arg8[%dma_wait3A_95, %dma_wait3A_102] : memref<2x128xi32, #tpu.memory_space<vmem>> -> memref<1x128xi32, #tpu.memory_space<vmem>>
    %dma_wait3A_104 = tpu.memref_squeeze %dma_wait3A_103 : memref<1x128xi32, #tpu.memory_space<vmem>> -> memref<128xi32, #tpu.memory_space<vmem>>
    %dma_wait3A_105 = arith.constant 0 : i32
    %dma_wait3A_106 = tpu.memref_slice %arg4[%add3A, %dma_wait3A_94, %dma_wait3A_105] : memref<32x80x128xi32, #tpu.memory_space<hbm>> -> memref<1x1x128xi32, #tpu.memory_space<hbm>>
    %dma_wait3A_107 = tpu.memref_squeeze %dma_wait3A_106 : memref<1x1x128xi32, #tpu.memory_space<hbm>> -> memref<128xi32, #tpu.memory_space<hbm>>
    tpu.wait_dma2 semaphore(%arg14 : memref<!tpu.dma_semaphore, #tpu.memory_space<semaphore_mem>>) src(%dma_wait3A_107 : memref<128xi32, #tpu.memory_space<hbm>>) dst(%dma_wait3A_104 : memref<128xi32, #tpu.memory_space<vmem>>)
    %barrier3A_108 = arith.constant 0 : index
    tpu.barrier barrier_id(%barrier3A_108)
    %mul3A_109 = arith.constant 640 : i32
    %mul3A_110 = arith.muli %arg1, %mul3A_109 : i32
    %add3A_111 = arith.constant 0 : i32
    %add3A_112 = arith.addi %mul3A_110, %add3A_111 : i32
    "tpu.region"() ({
      %run_scoped3A = tpu.sem_alloc : memref<!tpu.dma_semaphore, #tpu.memory_space<semaphore_mem>>
      %dma_start3A_129 = arith.constant 0 : i32
      %dma_start3A_130 = tpu.memref_slice %arg15[%add3A_112, %dma_start3A_129] : memref<10240x128xf32, #tpu.memory_space<vmem_shared>> -> memref<128x128xf32, #tpu.memory_space<vmem_shared>>
      %dma_start3A_131 = arith.constant 0 : i32
      %dma_start3A_132 = tpu.memref_slice %arg15[%add3A_112, %dma_start3A_131] : memref<10240x128xf32, #tpu.memory_space<vmem_shared>> -> memref<128x128xf32, #tpu.memory_space<vmem_shared>>
      tpu.enqueue_dma source(%dma_start3A_132 : memref<128x128xf32, #tpu.memory_space<vmem_shared>>) target(%arg9 : memref<128x128xf32, #tpu.memory_space<vmem>>) target_semaphore(%run_scoped3A : memref<!tpu.dma_semaphore, #tpu.memory_space<semaphore_mem>>)
      %dma_wait3A_133 = arith.constant 0 : i32
      %dma_wait3A_134 = tpu.memref_slice %arg15[%add3A_112, %dma_wait3A_133] : memref<10240x128xf32, #tpu.memory_space<vmem_shared>> -> memref<128x128xf32, #tpu.memory_space<vmem_shared>>
      %dma_wait3A_135 = arith.constant 0 : i32
      %dma_wait3A_136 = tpu.memref_slice %arg15[%add3A_112, %dma_wait3A_135] : memref<10240x128xf32, #tpu.memory_space<vmem_shared>> -> memref<128x128xf32, #tpu.memory_space<vmem_shared>>
      tpu.wait_dma2 semaphore(%run_scoped3A : memref<!tpu.dma_semaphore, #tpu.memory_space<semaphore_mem>>) src(%dma_wait3A_136 : memref<128x128xf32, #tpu.memory_space<vmem_shared>>) dst(%arg9 : memref<128x128xf32, #tpu.memory_space<vmem>>)
      tpu.yield
    }) : () -> ()
    "tpu.region"() ({
      %run_scoped3A = tpu.sem_alloc : memref<!tpu.dma_semaphore, #tpu.memory_space<semaphore_mem>>
      %dma_start3A_129 = arith.constant 0 : i32
      %dma_start3A_130 = tpu.memref_slice %arg6[%arg0, %add3A_112, %dma_start3A_129] : memref<2x10240x128xf32, #tpu.memory_space<hbm>> -> memref<1x128x128xf32, #tpu.memory_space<hbm>>
      %dma_start3A_131 = tpu.memref_squeeze %dma_start3A_130 : memref<1x128x128xf32, #tpu.memory_space<hbm>> -> memref<128x128xf32, #tpu.memory_space<hbm>>
      %dma_start3A_132 = arith.constant 0 : i32
      %dma_start3A_133 = tpu.memref_slice %arg6[%arg0, %add3A_112, %dma_start3A_132] : memref<2x10240x128xf32, #tpu.memory_space<hbm>> -> memref<1x128x128xf32, #tpu.memory_space<hbm>>
      %dma_start3A_134 = tpu.memref_squeeze %dma_start3A_133 : memref<1x128x128xf32, #tpu.memory_space<hbm>> -> memref<128x128xf32, #tpu.memory_space<hbm>>
      tpu.enqueue_dma source(%arg9 : memref<128x128xf32, #tpu.memory_space<vmem>>) target(%dma_start3A_134 : memref<128x128xf32, #tpu.memory_space<hbm>>) target_semaphore(%run_scoped3A : memref<!tpu.dma_semaphore, #tpu.memory_space<semaphore_mem>>)
      %dma_wait3A_135 = arith.constant 0 : i32
      %dma_wait3A_136 = tpu.memref_slice %arg6[%arg0, %add3A_112, %dma_wait3A_135] : memref<2x10240x128xf32, #tpu.memory_space<hbm>> -> memref<1x128x128xf32, #tpu.memory_space<hbm>>
      %dma_wait3A_137 = tpu.memref_squeeze %dma_wait3A_136 : memref<1x128x128xf32, #tpu.memory_space<hbm>> -> memref<128x128xf32, #tpu.memory_space<hbm>>
      %dma_wait3A_138 = arith.constant 0 : i32
      %dma_wait3A_139 = tpu.memref_slice %arg6[%arg0, %add3A_112, %dma_wait3A_138] : memref<2x10240x128xf32, #tpu.memory_space<hbm>> -> memref<1x128x128xf32, #tpu.memory_space<hbm>>
      %dma_wait3A_140 = tpu.memref_squeeze %dma_wait3A_139 : memref<1x128x128xf32, #tpu.memory_space<hbm>> -> memref<128x128xf32, #tpu.memory_space<hbm>>
      tpu.wait_dma2 semaphore(%run_scoped3A : memref<!tpu.dma_semaphore, #tpu.memory_space<semaphore_mem>>) src(%arg9 : memref<128x128xf32, #tpu.memory_space<vmem>>) dst(%dma_wait3A_140 : memref<128x128xf32, #tpu.memory_space<hbm>>)
      tpu.yield
    }) : () -> ()
    %mul3A_113 = arith.constant 640 : i32
    %mul3A_114 = arith.muli %arg1, %mul3A_113 : i32
    %add3A_115 = arith.constant 128 : i32
    %add3A_116 = arith.addi %mul3A_114, %add3A_115 : i32
    "tpu.region"() ({
      %run_scoped3A = tpu.sem_alloc : memref<!tpu.dma_semaphore, #tpu.memory_space<semaphore_mem>>
      %dma_start3A_129 = arith.constant 0 : i32
      %dma_start3A_130 = tpu.memref_slice %arg15[%add3A_116, %dma_start3A_129] : memref<10240x128xf32, #tpu.memory_space<vmem_shared>> -> memref<128x128xf32, #tpu.memory_space<vmem_shared>>
      %dma_start3A_131 = arith.constant 0 : i32
      %dma_start3A_132 = tpu.memref_slice %arg15[%add3A_116, %dma_start3A_131] : memref<10240x128xf32, #tpu.memory_space<vmem_shared>> -> memref<128x128xf32, #tpu.memory_space<vmem_shared>>
      tpu.enqueue_dma source(%dma_start3A_132 : memref<128x128xf32, #tpu.memory_space<vmem_shared>>) target(%arg10 : memref<128x128xf32, #tpu.memory_space<vmem>>) target_semaphore(%run_scoped3A : memref<!tpu.dma_semaphore, #tpu.memory_space<semaphore_mem>>)
      %dma_wait3A_133 = arith.constant 0 : i32
      %dma_wait3A_134 = tpu.memref_slice %arg15[%add3A_116, %dma_wait3A_133] : memref<10240x128xf32, #tpu.memory_space<vmem_shared>> -> memref<128x128xf32, #tpu.memory_space<vmem_shared>>
      %dma_wait3A_135 = arith.constant 0 : i32
      %dma_wait3A_136 = tpu.memref_slice %arg15[%add3A_116, %dma_wait3A_135] : memref<10240x128xf32, #tpu.memory_space<vmem_shared>> -> memref<128x128xf32, #tpu.memory_space<vmem_shared>>
      tpu.wait_dma2 semaphore(%run_scoped3A : memref<!tpu.dma_semaphore, #tpu.memory_space<semaphore_mem>>) src(%dma_wait3A_136 : memref<128x128xf32, #tpu.memory_space<vmem_shared>>) dst(%arg10 : memref<128x128xf32, #tpu.memory_space<vmem>>)
      tpu.yield
    }) : () -> ()
    "tpu.region"() ({
      %run_scoped3A = tpu.sem_alloc : memref<!tpu.dma_semaphore, #tpu.memory_space<semaphore_mem>>
      %dma_start3A_129 = arith.constant 0 : i32
      %dma_start3A_130 = tpu.memref_slice %arg6[%arg0, %add3A_116, %dma_start3A_129] : memref<2x10240x128xf32, #tpu.memory_space<hbm>> -> memref<1x128x128xf32, #tpu.memory_space<hbm>>
      %dma_start3A_131 = tpu.memref_squeeze %dma_start3A_130 : memref<1x128x128xf32, #tpu.memory_space<hbm>> -> memref<128x128xf32, #tpu.memory_space<hbm>>
      %dma_start3A_132 = arith.constant 0 : i32
      %dma_start3A_133 = tpu.memref_slice %arg6[%arg0, %add3A_116, %dma_start3A_132] : memref<2x10240x128xf32, #tpu.memory_space<hbm>> -> memref<1x128x128xf32, #tpu.memory_space<hbm>>
      %dma_start3A_134 = tpu.memref_squeeze %dma_start3A_133 : memref<1x128x128xf32, #tpu.memory_space<hbm>> -> memref<128x128xf32, #tpu.memory_space<hbm>>
      tpu.enqueue_dma source(%arg10 : memref<128x128xf32, #tpu.memory_space<vmem>>) target(%dma_start3A_134 : memref<128x128xf32, #tpu.memory_space<hbm>>) target_semaphore(%run_scoped3A : memref<!tpu.dma_semaphore, #tpu.memory_space<semaphore_mem>>)
      %dma_wait3A_135 = arith.constant 0 : i32
      %dma_wait3A_136 = tpu.memref_slice %arg6[%arg0, %add3A_116, %dma_wait3A_135] : memref<2x10240x128xf32, #tpu.memory_space<hbm>> -> memref<1x128x128xf32, #tpu.memory_space<hbm>>
      %dma_wait3A_137 = tpu.memref_squeeze %dma_wait3A_136 : memref<1x128x128xf32, #tpu.memory_space<hbm>> -> memref<128x128xf32, #tpu.memory_space<hbm>>
      %dma_wait3A_138 = arith.constant 0 : i32
      %dma_wait3A_139 = tpu.memref_slice %arg6[%arg0, %add3A_116, %dma_wait3A_138] : memref<2x10240x128xf32, #tpu.memory_space<hbm>> -> memref<1x128x128xf32, #tpu.memory_space<hbm>>
      %dma_wait3A_140 = tpu.memref_squeeze %dma_wait3A_139 : memref<1x128x128xf32, #tpu.memory_space<hbm>> -> memref<128x128xf32, #tpu.memory_space<hbm>>
      tpu.wait_dma2 semaphore(%run_scoped3A : memref<!tpu.dma_semaphore, #tpu.memory_space<semaphore_mem>>) src(%arg10 : memref<128x128xf32, #tpu.memory_space<vmem>>) dst(%dma_wait3A_140 : memref<128x128xf32, #tpu.memory_space<hbm>>)
      tpu.yield
    }) : () -> ()
    %mul3A_117 = arith.constant 640 : i32
    %mul3A_118 = arith.muli %arg1, %mul3A_117 : i32
    %add3A_119 = arith.constant 256 : i32
    %add3A_120 = arith.addi %mul3A_118, %add3A_119 : i32
    "tpu.region"() ({
      %run_scoped3A = tpu.sem_alloc : memref<!tpu.dma_semaphore, #tpu.memory_space<semaphore_mem>>
      %dma_start3A_129 = arith.constant 0 : i32
      %dma_start3A_130 = tpu.memref_slice %arg15[%add3A_120, %dma_start3A_129] : memref<10240x128xf32, #tpu.memory_space<vmem_shared>> -> memref<128x128xf32, #tpu.memory_space<vmem_shared>>
      %dma_start3A_131 = arith.constant 0 : i32
      %dma_start3A_132 = tpu.memref_slice %arg15[%add3A_120, %dma_start3A_131] : memref<10240x128xf32, #tpu.memory_space<vmem_shared>> -> memref<128x128xf32, #tpu.memory_space<vmem_shared>>
      tpu.enqueue_dma source(%dma_start3A_132 : memref<128x128xf32, #tpu.memory_space<vmem_shared>>) target(%arg9 : memref<128x128xf32, #tpu.memory_space<vmem>>) target_semaphore(%run_scoped3A : memref<!tpu.dma_semaphore, #tpu.memory_space<semaphore_mem>>)
      %dma_wait3A_133 = arith.constant 0 : i32
      %dma_wait3A_134 = tpu.memref_slice %arg15[%add3A_120, %dma_wait3A_133] : memref<10240x128xf32, #tpu.memory_space<vmem_shared>> -> memref<128x128xf32, #tpu.memory_space<vmem_shared>>
      %dma_wait3A_135 = arith.constant 0 : i32
      %dma_wait3A_136 = tpu.memref_slice %arg15[%add3A_120, %dma_wait3A_135] : memref<10240x128xf32, #tpu.memory_space<vmem_shared>> -> memref<128x128xf32, #tpu.memory_space<vmem_shared>>
      tpu.wait_dma2 semaphore(%run_scoped3A : memref<!tpu.dma_semaphore, #tpu.memory_space<semaphore_mem>>) src(%dma_wait3A_136 : memref<128x128xf32, #tpu.memory_space<vmem_shared>>) dst(%arg9 : memref<128x128xf32, #tpu.memory_space<vmem>>)
      tpu.yield
    }) : () -> ()
    "tpu.region"() ({
      %run_scoped3A = tpu.sem_alloc : memref<!tpu.dma_semaphore, #tpu.memory_space<semaphore_mem>>
      %dma_start3A_129 = arith.constant 0 : i32
      %dma_start3A_130 = tpu.memref_slice %arg6[%arg0, %add3A_120, %dma_start3A_129] : memref<2x10240x128xf32, #tpu.memory_space<hbm>> -> memref<1x128x128xf32, #tpu.memory_space<hbm>>
      %dma_start3A_131 = tpu.memref_squeeze %dma_start3A_130 : memref<1x128x128xf32, #tpu.memory_space<hbm>> -> memref<128x128xf32, #tpu.memory_space<hbm>>
      %dma_start3A_132 = arith.constant 0 : i32
      %dma_start3A_133 = tpu.memref_slice %arg6[%arg0, %add3A_120, %dma_start3A_132] : memref<2x10240x128xf32, #tpu.memory_space<hbm>> -> memref<1x128x128xf32, #tpu.memory_space<hbm>>
      %dma_start3A_134 = tpu.memref_squeeze %dma_start3A_133 : memref<1x128x128xf32, #tpu.memory_space<hbm>> -> memref<128x128xf32, #tpu.memory_space<hbm>>
      tpu.enqueue_dma source(%arg9 : memref<128x128xf32, #tpu.memory_space<vmem>>) target(%dma_start3A_134 : memref<128x128xf32, #tpu.memory_space<hbm>>) target_semaphore(%run_scoped3A : memref<!tpu.dma_semaphore, #tpu.memory_space<semaphore_mem>>)
      %dma_wait3A_135 = arith.constant 0 : i32
      %dma_wait3A_136 = tpu.memref_slice %arg6[%arg0, %add3A_120, %dma_wait3A_135] : memref<2x10240x128xf32, #tpu.memory_space<hbm>> -> memref<1x128x128xf32, #tpu.memory_space<hbm>>
      %dma_wait3A_137 = tpu.memref_squeeze %dma_wait3A_136 : memref<1x128x128xf32, #tpu.memory_space<hbm>> -> memref<128x128xf32, #tpu.memory_space<hbm>>
      %dma_wait3A_138 = arith.constant 0 : i32
      %dma_wait3A_139 = tpu.memref_slice %arg6[%arg0, %add3A_120, %dma_wait3A_138] : memref<2x10240x128xf32, #tpu.memory_space<hbm>> -> memref<1x128x128xf32, #tpu.memory_space<hbm>>
      %dma_wait3A_140 = tpu.memref_squeeze %dma_wait3A_139 : memref<1x128x128xf32, #tpu.memory_space<hbm>> -> memref<128x128xf32, #tpu.memory_space<hbm>>
      tpu.wait_dma2 semaphore(%run_scoped3A : memref<!tpu.dma_semaphore, #tpu.memory_space<semaphore_mem>>) src(%arg9 : memref<128x128xf32, #tpu.memory_space<vmem>>) dst(%dma_wait3A_140 : memref<128x128xf32, #tpu.memory_space<hbm>>)
      tpu.yield
    }) : () -> ()
    %mul3A_121 = arith.constant 640 : i32
    %mul3A_122 = arith.muli %arg1, %mul3A_121 : i32
    %add3A_123 = arith.constant 384 : i32
    %add3A_124 = arith.addi %mul3A_122, %add3A_123 : i32
    "tpu.region"() ({
      %run_scoped3A = tpu.sem_alloc : memref<!tpu.dma_semaphore, #tpu.memory_space<semaphore_mem>>
      %dma_start3A_129 = arith.constant 0 : i32
      %dma_start3A_130 = tpu.memref_slice %arg15[%add3A_124, %dma_start3A_129] : memref<10240x128xf32, #tpu.memory_space<vmem_shared>> -> memref<128x128xf32, #tpu.memory_space<vmem_shared>>
      %dma_start3A_131 = arith.constant 0 : i32
      %dma_start3A_132 = tpu.memref_slice %arg15[%add3A_124, %dma_start3A_131] : memref<10240x128xf32, #tpu.memory_space<vmem_shared>> -> memref<128x128xf32, #tpu.memory_space<vmem_shared>>
      tpu.enqueue_dma source(%dma_start3A_132 : memref<128x128xf32, #tpu.memory_space<vmem_shared>>) target(%arg10 : memref<128x128xf32, #tpu.memory_space<vmem>>) target_semaphore(%run_scoped3A : memref<!tpu.dma_semaphore, #tpu.memory_space<semaphore_mem>>)
      %dma_wait3A_133 = arith.constant 0 : i32
      %dma_wait3A_134 = tpu.memref_slice %arg15[%add3A_124, %dma_wait3A_133] : memref<10240x128xf32, #tpu.memory_space<vmem_shared>> -> memref<128x128xf32, #tpu.memory_space<vmem_shared>>
      %dma_wait3A_135 = arith.constant 0 : i32
      %dma_wait3A_136 = tpu.memref_slice %arg15[%add3A_124, %dma_wait3A_135] : memref<10240x128xf32, #tpu.memory_space<vmem_shared>> -> memref<128x128xf32, #tpu.memory_space<vmem_shared>>
      tpu.wait_dma2 semaphore(%run_scoped3A : memref<!tpu.dma_semaphore, #tpu.memory_space<semaphore_mem>>) src(%dma_wait3A_136 : memref<128x128xf32, #tpu.memory_space<vmem_shared>>) dst(%arg10 : memref<128x128xf32, #tpu.memory_space<vmem>>)
      tpu.yield
    }) : () -> ()
    "tpu.region"() ({
      %run_scoped3A = tpu.sem_alloc : memref<!tpu.dma_semaphore, #tpu.memory_space<semaphore_mem>>
      %dma_start3A_129 = arith.constant 0 : i32
      %dma_start3A_130 = tpu.memref_slice %arg6[%arg0, %add3A_124, %dma_start3A_129] : memref<2x10240x128xf32, #tpu.memory_space<hbm>> -> memref<1x128x128xf32, #tpu.memory_space<hbm>>
      %dma_start3A_131 = tpu.memref_squeeze %dma_start3A_130 : memref<1x128x128xf32, #tpu.memory_space<hbm>> -> memref<128x128xf32, #tpu.memory_space<hbm>>
      %dma_start3A_132 = arith.constant 0 : i32
      %dma_start3A_133 = tpu.memref_slice %arg6[%arg0, %add3A_124, %dma_start3A_132] : memref<2x10240x128xf32, #tpu.memory_space<hbm>> -> memref<1x128x128xf32, #tpu.memory_space<hbm>>
      %dma_start3A_134 = tpu.memref_squeeze %dma_start3A_133 : memref<1x128x128xf32, #tpu.memory_space<hbm>> -> memref<128x128xf32, #tpu.memory_space<hbm>>
      tpu.enqueue_dma source(%arg10 : memref<128x128xf32, #tpu.memory_space<vmem>>) target(%dma_start3A_134 : memref<128x128xf32, #tpu.memory_space<hbm>>) target_semaphore(%run_scoped3A : memref<!tpu.dma_semaphore, #tpu.memory_space<semaphore_mem>>)
      %dma_wait3A_135 = arith.constant 0 : i32
      %dma_wait3A_136 = tpu.memref_slice %arg6[%arg0, %add3A_124, %dma_wait3A_135] : memref<2x10240x128xf32, #tpu.memory_space<hbm>> -> memref<1x128x128xf32, #tpu.memory_space<hbm>>
      %dma_wait3A_137 = tpu.memref_squeeze %dma_wait3A_136 : memref<1x128x128xf32, #tpu.memory_space<hbm>> -> memref<128x128xf32, #tpu.memory_space<hbm>>
      %dma_wait3A_138 = arith.constant 0 : i32
      %dma_wait3A_139 = tpu.memref_slice %arg6[%arg0, %add3A_124, %dma_wait3A_138] : memref<2x10240x128xf32, #tpu.memory_space<hbm>> -> memref<1x128x128xf32, #tpu.memory_space<hbm>>
      %dma_wait3A_140 = tpu.memref_squeeze %dma_wait3A_139 : memref<1x128x128xf32, #tpu.memory_space<hbm>> -> memref<128x128xf32, #tpu.memory_space<hbm>>
      tpu.wait_dma2 semaphore(%run_scoped3A : memref<!tpu.dma_semaphore, #tpu.memory_space<semaphore_mem>>) src(%arg10 : memref<128x128xf32, #tpu.memory_space<vmem>>) dst(%dma_wait3A_140 : memref<128x128xf32, #tpu.memory_space<hbm>>)
      tpu.yield
    }) : () -> ()
    %mul3A_125 = arith.constant 640 : i32
    %mul3A_126 = arith.muli %arg1, %mul3A_125 : i32
    %add3A_127 = arith.constant 512 : i32
    %add3A_128 = arith.addi %mul3A_126, %add3A_127 : i32
    "tpu.region"() ({
      %run_scoped3A = tpu.sem_alloc : memref<!tpu.dma_semaphore, #tpu.memory_space<semaphore_mem>>
      %dma_start3A_129 = arith.constant 0 : i32
      %dma_start3A_130 = tpu.memref_slice %arg15[%add3A_128, %dma_start3A_129] : memref<10240x128xf32, #tpu.memory_space<vmem_shared>> -> memref<128x128xf32, #tpu.memory_space<vmem_shared>>
      %dma_start3A_131 = arith.constant 0 : i32
      %dma_start3A_132 = tpu.memref_slice %arg15[%add3A_128, %dma_start3A_131] : memref<10240x128xf32, #tpu.memory_space<vmem_shared>> -> memref<128x128xf32, #tpu.memory_space<vmem_shared>>
      tpu.enqueue_dma source(%dma_start3A_132 : memref<128x128xf32, #tpu.memory_space<vmem_shared>>) target(%arg9 : memref<128x128xf32, #tpu.memory_space<vmem>>) target_semaphore(%run_scoped3A : memref<!tpu.dma_semaphore, #tpu.memory_space<semaphore_mem>>)
      %dma_wait3A_133 = arith.constant 0 : i32
      %dma_wait3A_134 = tpu.memref_slice %arg15[%add3A_128, %dma_wait3A_133] : memref<10240x128xf32, #tpu.memory_space<vmem_shared>> -> memref<128x128xf32, #tpu.memory_space<vmem_shared>>
      %dma_wait3A_135 = arith.constant 0 : i32
      %dma_wait3A_136 = tpu.memref_slice %arg15[%add3A_128, %dma_wait3A_135] : memref<10240x128xf32, #tpu.memory_space<vmem_shared>> -> memref<128x128xf32, #tpu.memory_space<vmem_shared>>
      tpu.wait_dma2 semaphore(%run_scoped3A : memref<!tpu.dma_semaphore, #tpu.memory_space<semaphore_mem>>) src(%dma_wait3A_136 : memref<128x128xf32, #tpu.memory_space<vmem_shared>>) dst(%arg9 : memref<128x128xf32, #tpu.memory_space<vmem>>)
      tpu.yield
    }) : () -> ()
    "tpu.region"() ({
      %run_scoped3A = tpu.sem_alloc : memref<!tpu.dma_semaphore, #tpu.memory_space<semaphore_mem>>
      %dma_start3A_129 = arith.constant 0 : i32
      %dma_start3A_130 = tpu.memref_slice %arg6[%arg0, %add3A_128, %dma_start3A_129] : memref<2x10240x128xf32, #tpu.memory_space<hbm>> -> memref<1x128x128xf32, #tpu.memory_space<hbm>>
      %dma_start3A_131 = tpu.memref_squeeze %dma_start3A_130 : memref<1x128x128xf32, #tpu.memory_space<hbm>> -> memref<128x128xf32, #tpu.memory_space<hbm>>
      %dma_start3A_132 = arith.constant 0 : i32
      %dma_start3A_133 = tpu.memref_slice %arg6[%arg0, %add3A_128, %dma_start3A_132] : memref<2x10240x128xf32, #tpu.memory_space<hbm>> -> memref<1x128x128xf32, #tpu.memory_space<hbm>>
      %dma_start3A_134 = tpu.memref_squeeze %dma_start3A_133 : memref<1x128x128xf32, #tpu.memory_space<hbm>> -> memref<128x128xf32, #tpu.memory_space<hbm>>
      tpu.enqueue_dma source(%arg9 : memref<128x128xf32, #tpu.memory_space<vmem>>) target(%dma_start3A_134 : memref<128x128xf32, #tpu.memory_space<hbm>>) target_semaphore(%run_scoped3A : memref<!tpu.dma_semaphore, #tpu.memory_space<semaphore_mem>>)
      %dma_wait3A_135 = arith.constant 0 : i32
      %dma_wait3A_136 = tpu.memref_slice %arg6[%arg0, %add3A_128, %dma_wait3A_135] : memref<2x10240x128xf32, #tpu.memory_space<hbm>> -> memref<1x128x128xf32, #tpu.memory_space<hbm>>
      %dma_wait3A_137 = tpu.memref_squeeze %dma_wait3A_136 : memref<1x128x128xf32, #tpu.memory_space<hbm>> -> memref<128x128xf32, #tpu.memory_space<hbm>>
      %dma_wait3A_138 = arith.constant 0 : i32
      %dma_wait3A_139 = tpu.memref_slice %arg6[%arg0, %add3A_128, %dma_wait3A_138] : memref<2x10240x128xf32, #tpu.memory_space<hbm>> -> memref<1x128x128xf32, #tpu.memory_space<hbm>>
      %dma_wait3A_140 = tpu.memref_squeeze %dma_wait3A_139 : memref<1x128x128xf32, #tpu.memory_space<hbm>> -> memref<128x128xf32, #tpu.memory_space<hbm>>
      tpu.wait_dma2 semaphore(%run_scoped3A : memref<!tpu.dma_semaphore, #tpu.memory_space<semaphore_mem>>) src(%arg9 : memref<128x128xf32, #tpu.memory_space<vmem>>) dst(%dma_wait3A_140 : memref<128x128xf32, #tpu.memory_space<hbm>>)
      tpu.yield
    }) : () -> ()
    return
  }
}

module attributes {stable_mosaic.version = 14 : i64} {
  func.func @_tc_y1_body(%arg0: i32, %arg1: memref<2x640x128xf32, #tpu.memory_space<vmem>>, %arg2: memref<640x128xf32, #tpu.memory_space<vmem>>, %arg3: memref<640x128xf32, #tpu.memory_space<vmem>>) attributes {dimension_semantics = [#tpu.dimension_semantics<arbitrary>], iteration_bounds = array<i64: 16>, scalar_prefetch = 0 : i64, scratch_operands = 0 : i64, tpu.core_type = #tpu.core_type<tc>, window_params = [{transform_indices = @transform_0, window_bounds = array<i64: 2, 640, 128>}, {transform_indices = @transform_1, window_bounds = array<i64: 640, 128>}, {transform_indices = @transform_2, window_bounds = array<i64: 640, 128>}]} {
    %get3A = arith.constant 0 : index
    %get3A_0 = arith.constant 0 : index
    %get3A_1 = vector.load %arg2[%get3A, %get3A_0] : memref<640x128xf32, #tpu.memory_space<vmem>>, vector<640x128xf32>
    %get3A_2 = arith.constant 0 : index
    %get3A_3 = arith.constant 0 : index
    %get3A_4 = arith.constant 0 : index
    %get3A_5 = vector.load %arg1[%get3A_2, %get3A_3, %get3A_4] : memref<2x640x128xf32, #tpu.memory_space<vmem>>, vector<1x640x1xf32>
    %get3A_6 = vector.shape_cast %get3A_5 : vector<1x640x1xf32> to vector<640x1xf32>
    %get3A_7 = arith.constant 1 : index
    %get3A_8 = arith.constant 0 : index
    %get3A_9 = arith.constant 0 : index
    %get3A_10 = vector.load %arg1[%get3A_7, %get3A_8, %get3A_9] : memref<2x640x128xf32, #tpu.memory_space<vmem>>, vector<1x640x1xf32>
    %get3A_11 = vector.shape_cast %get3A_10 : vector<1x640x1xf32> to vector<640x1xf32>
    %add3A = arith.addf %get3A_6, %get3A_11 : vector<640x1xf32>
    %max3A = arith.constant 1.000000e+00 : f32
    %max3A_12 = vector.broadcast %max3A : f32 to vector<640x1xf32>
    %max3A_13 = arith.maximumf %add3A, %max3A_12 : vector<640x1xf32>
    %rsqrt3A = math.rsqrt %max3A_13 : vector<640x1xf32>
    %mul3A = vector.broadcast %rsqrt3A : vector<640x1xf32> to vector<640x128xf32>
    %mul3A_14 = arith.mulf %get3A_1, %mul3A : vector<640x128xf32>
    %swap3A = arith.constant 0 : index
    %swap3A_15 = arith.constant 0 : index
    %swap3A_16 = vector.load %arg3[%swap3A, %swap3A_15] : memref<640x128xf32, #tpu.memory_space<vmem>>, vector<640x128xf32>
    tpu.vector_store %arg3[%swap3A, %swap3A_15], %mul3A_14 {strides = array<i32>} : memref<640x128xf32, #tpu.memory_space<vmem>>, vector<640x128xf32>,
    return
  }
  func.func @transform_0(%arg0: i32) -> (i32, i32, i32) {
    %c0_i32 = arith.constant 0 : i32
    %c0_i32_0 = arith.constant 0 : i32
    %c0_i32_1 = arith.constant 0 : i32
    return %c0_i32, %arg0, %c0_i32_0 : i32, i32, i32
  }
  func.func @transform_1(%arg0: i32) -> (i32, i32) {
    %c0_i32 = arith.constant 0 : i32
    %c0_i32_0 = arith.constant 0 : i32
    return %arg0, %c0_i32 : i32, i32
  }
  func.func @transform_2(%arg0: i32) -> (i32, i32) {
    %c0_i32 = arith.constant 0 : i32
    %c0_i32_0 = arith.constant 0 : i32
    return %arg0, %c0_i32 : i32, i32
  }
}

module attributes {stable_mosaic.version = 14 : i64} {
  func.func @_tc_tx1_body(%arg0: i32, %arg1: memref<1x1xf32, #tpu.memory_space<smem>>, %arg2: memref<2x640x128xf32, #tpu.memory_space<vmem>>, %arg3: memref<640x128xf32, #tpu.memory_space<vmem>>, %arg4: memref<2x640x128xf32, #tpu.memory_space<vmem>>, %arg5: memref<640x128xf32, #tpu.memory_space<vmem>>, %arg6: memref<640x128xf32, #tpu.memory_space<vmem>>) attributes {dimension_semantics = [#tpu.dimension_semantics<arbitrary>], iteration_bounds = array<i64: 16>, scalar_prefetch = 0 : i64, scratch_operands = 0 : i64, tpu.core_type = #tpu.core_type<tc>, window_params = [{transform_indices = @transform_0, window_bounds = array<i64: 1, 1>}, {transform_indices = @transform_1, window_bounds = array<i64: 2, 640, 128>}, {transform_indices = @transform_2, window_bounds = array<i64: 640, 128>}, {transform_indices = @transform_3, window_bounds = array<i64: 2, 640, 128>}, {transform_indices = @transform_4, window_bounds = array<i64: 640, 128>}, {transform_indices = @transform_5, window_bounds = array<i64: 640, 128>}]} {
    %get3A = arith.constant 0 : index
    %get3A_0 = arith.constant 0 : index
    %get3A_1 = memref.load %arg1[%get3A, %get3A_0] : memref<1x1xf32, #tpu.memory_space<smem>>
    %get3A_2 = arith.constant 0 : index
    %get3A_3 = arith.constant 0 : index
    %get3A_4 = arith.constant 0 : index
    %get3A_5 = vector.load %arg2[%get3A_2, %get3A_3, %get3A_4] : memref<2x640x128xf32, #tpu.memory_space<vmem>>, vector<1x640x1xf32>
    %get3A_6 = vector.shape_cast %get3A_5 : vector<1x640x1xf32> to vector<640x1xf32>
    %get3A_7 = arith.constant 1 : index
    %get3A_8 = arith.constant 0 : index
    %get3A_9 = arith.constant 0 : index
    %get3A_10 = vector.load %arg2[%get3A_7, %get3A_8, %get3A_9] : memref<2x640x128xf32, #tpu.memory_space<vmem>>, vector<1x640x1xf32>
    %get3A_11 = vector.shape_cast %get3A_10 : vector<1x640x1xf32> to vector<640x1xf32>
    %add3A = arith.addf %get3A_6, %get3A_11 : vector<640x1xf32>
    %max3A = arith.constant 1.000000e+00 : f32
    %max3A_12 = vector.broadcast %max3A : f32 to vector<640x1xf32>
    %max3A_13 = arith.maximumf %add3A, %max3A_12 : vector<640x1xf32>
    %rsqrt3A = math.rsqrt %max3A_13 : vector<640x1xf32>
    %get3A_14 = arith.constant 0 : index
    %get3A_15 = arith.constant 0 : index
    %get3A_16 = arith.constant 0 : index
    %get3A_17 = vector.load %arg4[%get3A_14, %get3A_15, %get3A_16] : memref<2x640x128xf32, #tpu.memory_space<vmem>>, vector<1x640x128xf32>
    %get3A_18 = vector.shape_cast %get3A_17 : vector<1x640x128xf32> to vector<640x128xf32>
    %get3A_19 = arith.constant 1 : index
    %get3A_20 = arith.constant 0 : index
    %get3A_21 = arith.constant 0 : index
    %get3A_22 = vector.load %arg4[%get3A_19, %get3A_20, %get3A_21] : memref<2x640x128xf32, #tpu.memory_space<vmem>>, vector<1x640x128xf32>
    %get3A_23 = vector.shape_cast %get3A_22 : vector<1x640x128xf32> to vector<640x128xf32>
    %add3A_24 = arith.addf %get3A_18, %get3A_23 : vector<640x128xf32>
    %mul3A = vector.broadcast %rsqrt3A : vector<640x1xf32> to vector<640x128xf32>
    %mul3A_25 = arith.mulf %add3A_24, %mul3A : vector<640x128xf32>
    %sub3A = arith.constant 1.000000e+00 : f32
    %sub3A_26 = arith.subf %get3A_1, %sub3A : f32
    %get3A_27 = arith.constant 0 : index
    %get3A_28 = arith.constant 0 : index
    %get3A_29 = vector.load %arg3[%get3A_27, %get3A_28] : memref<640x128xf32, #tpu.memory_space<vmem>>, vector<640x128xf32>
    %mul3A_30 = vector.broadcast %sub3A_26 : f32 to vector<640x128xf32>
    %mul3A_31 = arith.mulf %mul3A_30, %get3A_29 : vector<640x128xf32>
    %mul3A_32 = vector.broadcast %get3A_1 : f32 to vector<640x128xf32>
    %mul3A_33 = arith.mulf %mul3A_32, %mul3A_25 : vector<640x128xf32>
    %sub3A_34 = arith.subf %mul3A_31, %mul3A_33 : vector<640x128xf32>
    %swap3A = arith.constant 0 : index
    %swap3A_35 = arith.constant 0 : index
    %swap3A_36 = vector.load %arg5[%swap3A, %swap3A_35] : memref<640x128xf32, #tpu.memory_space<vmem>>, vector<640x128xf32>
    tpu.vector_store %arg5[%swap3A, %swap3A_35], %sub3A_34 {strides = array<i32>} : memref<640x128xf32, #tpu.memory_space<vmem>>, vector<640x128xf32>,
    %mul3A_37 = vector.broadcast %rsqrt3A : vector<640x1xf32> to vector<640x128xf32>
    %mul3A_38 = arith.mulf %sub3A_34, %mul3A_37 : vector<640x128xf32>
    %swap3A_39 = arith.constant 0 : index
    %swap3A_40 = arith.constant 0 : index
    %swap3A_41 = vector.load %arg6[%swap3A_39, %swap3A_40] : memref<640x128xf32, #tpu.memory_space<vmem>>, vector<640x128xf32>
    tpu.vector_store %arg6[%swap3A_39, %swap3A_40], %mul3A_38 {strides = array<i32>} : memref<640x128xf32, #tpu.memory_space<vmem>>, vector<640x128xf32>,
    return
  }
  func.func @transform_0(%arg0: i32) -> (i32, i32) {
    %c0_i32 = arith.constant 0 : i32
    %c0_i32_0 = arith.constant 0 : i32
    %c0_i32_1 = arith.constant 0 : i32
    return %c0_i32, %c0_i32_0 : i32, i32
  }
  func.func @transform_1(%arg0: i32) -> (i32, i32, i32) {
    %c0_i32 = arith.constant 0 : i32
    %c0_i32_0 = arith.constant 0 : i32
    %c0_i32_1 = arith.constant 0 : i32
    return %c0_i32, %arg0, %c0_i32_0 : i32, i32, i32
  }
  func.func @transform_2(%arg0: i32) -> (i32, i32) {
    %c0_i32 = arith.constant 0 : i32
    %c0_i32_0 = arith.constant 0 : i32
    return %arg0, %c0_i32 : i32, i32
  }
  func.func @transform_3(%arg0: i32) -> (i32, i32, i32) {
    %c0_i32 = arith.constant 0 : i32
    %c0_i32_0 = arith.constant 0 : i32
    %c0_i32_1 = arith.constant 0 : i32
    return %c0_i32, %arg0, %c0_i32_0 : i32, i32, i32
  }
  func.func @transform_4(%arg0: i32) -> (i32, i32) {
    %c0_i32 = arith.constant 0 : i32
    %c0_i32_0 = arith.constant 0 : i32
    return %arg0, %c0_i32 : i32, i32
  }
  func.func @transform_5(%arg0: i32) -> (i32, i32) {
    %c0_i32 = arith.constant 0 : i32
    %c0_i32_0 = arith.constant 0 : i32
    return %arg0, %c0_i32 : i32, i32
  }
}

module attributes {stable_mosaic.version = 14 : i64} {
  func.func @_tc_out_body(%arg0: i32, %arg1: memref<1x1xf32, #tpu.memory_space<smem>>, %arg2: memref<2x400x128xf32, #tpu.memory_space<vmem>>, %arg3: memref<400x128xf32, #tpu.memory_space<vmem>>, %arg4: memref<400x128xf32, #tpu.memory_space<vmem>>, %arg5: memref<2x400x128xf32, #tpu.memory_space<vmem>>, %arg6: memref<384x128xf32, #tpu.memory_space<vmem>>, %arg7: memref<400x128xf32, #tpu.memory_space<vmem>>) attributes {dimension_semantics = [#tpu.dimension_semantics<arbitrary>], iteration_bounds = array<i64: 25>, scalar_prefetch = 0 : i64, scratch_operands = 0 : i64, tpu.core_type = #tpu.core_type<tc>, window_params = [{transform_indices = @transform_0, window_bounds = array<i64: 1, 1>}, {transform_indices = @transform_1, window_bounds = array<i64: 2, 400, 128>}, {transform_indices = @transform_2, window_bounds = array<i64: 400, 128>}, {transform_indices = @transform_3, window_bounds = array<i64: 400, 128>}, {transform_indices = @transform_4, window_bounds = array<i64: 2, 400, 128>}, {pipeline_mode = #tpu.pipeline_mode<synchronous>, transform_indices = @transform_5, window_bounds = array<i64: 384, 128>}, {transform_indices = @transform_6, window_bounds = array<i64: 400, 128>}]} {
    %get3A = arith.constant 0 : index
    %get3A_0 = arith.constant 0 : index
    %get3A_1 = memref.load %arg1[%get3A, %get3A_0] : memref<1x1xf32, #tpu.memory_space<smem>>
    %get3A_2 = arith.constant 0 : index
    %get3A_3 = arith.constant 0 : index
    %get3A_4 = arith.constant 0 : index
    %get3A_5 = vector.load %arg2[%get3A_2, %get3A_3, %get3A_4] : memref<2x400x128xf32, #tpu.memory_space<vmem>>, vector<1x400x1xf32>
    %get3A_6 = vector.shape_cast %get3A_5 : vector<1x400x1xf32> to vector<400x1xf32>
    %get3A_7 = arith.constant 1 : index
    %get3A_8 = arith.constant 0 : index
    %get3A_9 = arith.constant 0 : index
    %get3A_10 = vector.load %arg2[%get3A_7, %get3A_8, %get3A_9] : memref<2x400x128xf32, #tpu.memory_space<vmem>>, vector<1x400x1xf32>
    %get3A_11 = vector.shape_cast %get3A_10 : vector<1x400x1xf32> to vector<400x1xf32>
    %add3A = arith.addf %get3A_6, %get3A_11 : vector<400x1xf32>
    %max3A = arith.constant 1.000000e+00 : f32
    %max3A_12 = vector.broadcast %max3A : f32 to vector<400x1xf32>
    %max3A_13 = arith.maximumf %add3A, %max3A_12 : vector<400x1xf32>
    %rsqrt3A = math.rsqrt %max3A_13 : vector<400x1xf32>
    %get3A_14 = arith.constant 0 : index
    %get3A_15 = arith.constant 0 : index
    %get3A_16 = arith.constant 0 : index
    %get3A_17 = vector.load %arg5[%get3A_14, %get3A_15, %get3A_16] : memref<2x400x128xf32, #tpu.memory_space<vmem>>, vector<1x400x128xf32>
    %get3A_18 = vector.shape_cast %get3A_17 : vector<1x400x128xf32> to vector<400x128xf32>
    %get3A_19 = arith.constant 1 : index
    %get3A_20 = arith.constant 0 : index
    %get3A_21 = arith.constant 0 : index
    %get3A_22 = vector.load %arg5[%get3A_19, %get3A_20, %get3A_21] : memref<2x400x128xf32, #tpu.memory_space<vmem>>, vector<1x400x128xf32>
    %get3A_23 = vector.shape_cast %get3A_22 : vector<1x400x128xf32> to vector<400x128xf32>
    %add3A_24 = arith.addf %get3A_18, %get3A_23 : vector<400x128xf32>
    %mul3A = vector.broadcast %rsqrt3A : vector<400x1xf32> to vector<400x128xf32>
    %mul3A_25 = arith.mulf %add3A_24, %mul3A : vector<400x128xf32>
    %get3A_26 = arith.constant 0 : index
    %get3A_27 = arith.constant 0 : index
    %get3A_28 = vector.load %arg3[%get3A_26, %get3A_27] : memref<400x128xf32, #tpu.memory_space<vmem>>, vector<400x128xf32>
    %get3A_29 = arith.constant 0 : index
    %get3A_30 = arith.constant 0 : index
    %get3A_31 = vector.load %arg4[%get3A_29, %get3A_30] : memref<400x128xf32, #tpu.memory_space<vmem>>, vector<400x128xf32>
    %mul3A_32 = arith.constant -2.000000e+00 : f32
    %mul3A_33 = arith.mulf %mul3A_32, %get3A_1 : f32
    %mul3A_34 = vector.broadcast %mul3A_33 : f32 to vector<400x128xf32>
    %mul3A_35 = arith.mulf %mul3A_34, %mul3A_25 : vector<400x128xf32>
    %sub3A = arith.constant 1.000000e+00 : f32
    %sub3A_36 = arith.subf %get3A_1, %sub3A : f32
    %mul3A_37 = arith.constant 2.000000e+00 : f32
    %mul3A_38 = arith.mulf %mul3A_37, %sub3A_36 : f32
    %mul3A_39 = vector.broadcast %mul3A_38 : f32 to vector<400x128xf32>
    %mul3A_40 = arith.mulf %mul3A_39, %get3A_31 : vector<400x128xf32>
    %add3A_41 = arith.addf %mul3A_35, %mul3A_40 : vector<400x128xf32>
    %sub3A_42 = arith.subf %add3A_41, %get3A_28 : vector<400x128xf32>
    %concatenate3A = tpu.concatenate %get3A_28, %get3A_31, %sub3A_42 in 1 : vector<400x128xf32>, vector<400x128xf32>, vector<400x128xf32> -> vector<400x384xf32>
    %get3A_43 = arith.constant 0 : index
    %get3A_44 = arith.constant 0 : index
    %get3A_45 = vector.load %arg6[%get3A_43, %get3A_44] : memref<384x128xf32, #tpu.memory_space<vmem>>, vector<384x128xf32>
    %dot_general3A = arith.constant dense<0.000000e+00> : vector<400x128xf32>
    %dot_general3A_46 = tpu.matmul %concatenate3A, %get3A_45, %dot_general3A {dimension_numbers = #tpu.dot_dimension_numbers<[1], [0], [0], [1], [0, 0, 1, 1], [], []>, transpose_lhs_hint = false} : vector<400x384xf32>, vector<384x128xf32>, vector<400x128xf32> -> vector<400x128xf32>
    %swap3A = arith.constant 0 : index
    %swap3A_47 = arith.constant 0 : index
    %swap3A_48 = vector.load %arg7[%swap3A, %swap3A_47] : memref<400x128xf32, #tpu.memory_space<vmem>>, vector<400x128xf32>
    tpu.vector_store %arg7[%swap3A, %swap3A_47], %dot_general3A_46 {strides = array<i32>} : memref<400x128xf32, #tpu.memory_space<vmem>>, vector<400x128xf32>,
    return
  }
  func.func @transform_0(%arg0: i32) -> (i32, i32) {
    %c0_i32 = arith.constant 0 : i32
    %c0_i32_0 = arith.constant 0 : i32
    %c0_i32_1 = arith.constant 0 : i32
    return %c0_i32, %c0_i32_0 : i32, i32
  }
  func.func @transform_1(%arg0: i32) -> (i32, i32, i32) {
    %c0_i32 = arith.constant 0 : i32
    %c0_i32_0 = arith.constant 0 : i32
    %c0_i32_1 = arith.constant 0 : i32
    return %c0_i32, %arg0, %c0_i32_0 : i32, i32, i32
  }
  func.func @transform_2(%arg0: i32) -> (i32, i32) {
    %c0_i32 = arith.constant 0 : i32
    %c0_i32_0 = arith.constant 0 : i32
    return %arg0, %c0_i32 : i32, i32
  }
  func.func @transform_3(%arg0: i32) -> (i32, i32) {
    %c0_i32 = arith.constant 0 : i32
    %c0_i32_0 = arith.constant 0 : i32
    return %arg0, %c0_i32 : i32, i32
  }
  func.func @transform_4(%arg0: i32) -> (i32, i32, i32) {
    %c0_i32 = arith.constant 0 : i32
    %c0_i32_0 = arith.constant 0 : i32
    %c0_i32_1 = arith.constant 0 : i32
    return %c0_i32, %arg0, %c0_i32_0 : i32, i32, i32
  }
  func.func @transform_5(%arg0: i32) -> (i32, i32) {
    %c0_i32 = arith.constant 0 : i32
    %c0_i32_0 = arith.constant 0 : i32
    %c0_i32_1 = arith.constant 0 : i32
    return %c0_i32, %c0_i32_0 : i32, i32
  }
  func.func @transform_6(%arg0: i32) -> (i32, i32) {
    %c0_i32 = arith.constant 0 : i32
    %c0_i32_0 = arith.constant 0 : i32
    return %arg0, %c0_i32 : i32, i32
  }
}

</mosaic_0001>

<sc_bundles>
// kernel: kernel.11.cloned.1.call-start
scs
__scs_entry_jumppad:
0x0: {  	(pc) =	sbr.rel $0x88, $3  }
0x1: {  	(tag) =	ssettag $0x0;
	lr =	simm.s32 $0x1  }
0x2: {  	[smem:$0x3F9B] =	sst lr;
	_ =	strace $0xD0000000  }
0x3: {  	_ = 	snop  }
0x4: {  	_ = 	snop  }
0x5: {  	_ = 	snop  }
0x6: {  	_ = 	snop  }
0x7: {  	_ = 	snop  }
__scs_overlays_trampoline_lowered:
0x8: {  	[smem:$0x3FAA] =	sst s0  }
0x9: {  	[smem:$0x3FAB] =	sst s1  }
0xa: {  	[smem:$0x3FAC] =	sst s2  }
0xb: {  	[smem:$0x3FAD] =	sst s3  }
0xc: {  	[smem:$0x3FAE] =	sst s4  }
0xd: {  	[smem:$0x3FAF] =	sst s5  }
0xe: {  	[smem:$0x3FB0] =	sst s6  }
0xf: {  	[smem:$0x3FB1] =	sst s7  }
0x10: {  	[smem:$0x3FB2] =	sst s8  }
0x11: {  	[smem:$0x3FB3] =	sst s9;
	s0 =	simm.s32 @!p0 $0x0  }
0x12: {  	s1 =	sld [smem:$0x3F99];
	s0 =	simm.s32 @p0 $0x1  }
0x13: {  	[smem:$0x3FB4] =	sst s0;
	s0 =	simm.s32 @!p1 $0x0  }
0x14: {  	s2 =	sld [smem:$0x3F98];
	s0 =	simm.s32 @p1 $0x1  }
0x15: {  	[smem:$0x3FB5] =	sst s0;
	s0 =	simm.s32 @!p2 $0x0  }
0x16: {  	s3 =	sld [smem:$0x3FDB];
	s0 =	simm.s32 @p2 $0x1  }
0x17: {  	s4 =	simm.s32 $0x1BF5;
	[smem:$0x3FB7] =	sst s0  }
0x18: {  	s0 =	sld [smem:$0x3F9A];
	_ =	swait.ge [sflag:s4], $0x0  }
0x19: {  	s7 =	sld [smem:$0x3F9B]  }
0x1a: {  	s8 =	sadd.s32 $0xFFFFE003, lr  }
0x1b: {  	s9 =	sadd.s32 $0xFFFFFEF7, lr;
	s5 =	simm.s32 $0xFFFFFFFF;
	p2 =	slt.u32 s8, $0xFFFFF086  }
0x1c: {  	p1 =	slt.u32 s9, $0xF7A;
	s5 =	simm.s32 @!p2 $0x0  }
0x1d: {  	s5 =	simm.s32 @p1 $0x1;
	p0 =	seq.s32 s7, s2  }
0x1e: {  	s7 =	smul.u32 @!p0 $0xF7A, s2;
	p2 =	seq.s32 @!p0 s5, $0x0  }
0x1f: {  	s9 =	smul.u32 $0xF7A, s1;
	s8 =	simm.s32 @!p0 $0x1BF5;
	p2 =	por !p2, p0  }
0x20: {  	[sflag:s8] =	ssyncset.s32 @!p0 $0xFFFFF086;
	s6 =	sadd.s32 @!p0 s3, s7;
	s7 =	simm.s32 @!p0 $0x108  }
0x21: {  	s3 =	sadd.s32 s3, s9;
	s6 =	sadd.s32 @!p0 $0x88, s6;
	s7 =	simm.s32 @p2 $0x1082  }
0x22: {  	[simem:s7], [sflag:s8] =	dma.local @!p0 [hbm:s6], $0xF7A  }
0x23: {  	s9 =	sor.u32 $0xD0000000, s2;
	s6 =	simm.s32 $0x108;
	_ =	swait.ge @!p0 [sflag:s8], $0x0  }
0x24: {  	s3 =	sadd.s32 $0x88, s3;
	s6 =	simm.s32 @!p1 $0x1082;
	[sflag:s4] =	ssyncset.s32 $0xFFFFF086  }
0x25: {  	[simem:s6], [sflag:s4] =	dma.local [hbm:s3], $0xF7A  }
0x26: {  	[smem:$0x3F9B] =	sst s1;
	(tag) =	ssettag s2;
	_ =	strace s9  }
0x27: {  	s1 =	sld [smem:$0x3FAB]  }
0x28: {  	s2 =	sld [smem:$0x3FAC]  }
0x29: {  	s4 =	sld [smem:$0x3FAE]  }
0x2a: {  	p0 =	seq.s32 s5, $0x0;
	s5 =	sld [smem:$0x3FAF]  }
0x2b: {  	s6 =	sld [smem:$0x3FB0]  }
0x2c: {  	s7 =	sld [smem:$0x3FB1]  }
0x2d: {  	s3 =	simm.s32 $0x108;
	s8 =	sld [smem:$0x3FB2]  }
0x2e: {  	s3 =	simm.s32 @!p0 $0x1082;
	s9 =	sld [smem:$0x3FB3]  }
0x2f: {  	lr =	sadd.s32 s0, s3;
	s0 =	sld [smem:$0x3FAA]  }
0x30: {  	s3 =	sld [smem:$0x3FAD]  }
0x31: {  	[smem:$0x3FB6] =	sst s10  }
0x32: {  	s10 =	sld [smem:$0x3FB4];
	_ =	sdelay $0x3  }
0x33: {  	p0 =	seq.s32 s10, $0x1;
	s10 =	sld [smem:$0x3FB6];
	_ =	sdelay $0x3  }
0x34: {  	[smem:$0x3FB6] =	sst s10  }
0x35: {  	s10 =	sld [smem:$0x3FB5];
	_ =	sdelay $0x3  }
0x36: {  	p1 =	seq.s32 s10, $0x1;
	s10 =	sld [smem:$0x3FB6];
	_ =	sdelay $0x3  }
0x37: {  	[smem:$0x3FB6] =	sst s10  }
0x38: {  	s10 =	sld [smem:$0x3FB7]  }
0x39: {  	_ = 	snop;
	(pc) =	sbr.ind lr, $3  }
0x3a: {  	_ = 	snop  }
0x3b: {  	_ = 	snop  }
0x3c: {  	p2 =	seq.s32 s10, $0x1;
	s10 =	sld [smem:$0x3FB6]  }
0x3d: {  	_ =	shalt  }
0x3e: {  	_ =	shalt  }
0x3f: {  	_ =	shalt  }
0x40: {  	_ =	shalt  }
0x41: {  	_ =	shalt  }
0x42: {  	_ =	shalt  }
0x43: {  	_ =	shalt  }
0x44: {  	_ =	shalt  }
0x45: {  	_ =	shalt  }
0x46: {  	_ =	shalt  }
0x47: {  	_ =	shalt  }
0x48: {  	_ =	shalt  }
0x49: {  	_ =	shalt  }
0x4a: {  	_ =	shalt  }
0x4b: {  	_ =	shalt  }
0x4c: {  	_ =	shalt  }
0x4d: {  	_ =	shalt  }
0x4e: {  	_ =	shalt  }
0x4f: {  	_ =	shalt  }
0x50: {  	_ =	shalt  }
0x51: {  	_ =	shalt  }
0x52: {  	_ =	shalt  }
0x53: {  	_ =	shalt  }
0x54: {  	_ =	shalt  }
0x55: {  	_ =	shalt  }
0x56: {  	_ =	shalt  }
0x57: {  	_ =	shalt  }
0x58: {  	_ =	shalt  }
0x59: {  	_ =	shalt  }
0x5a: {  	_ =	shalt  }
0x5b: {  	_ =	shalt  }
0x5c: {  	_ =	shalt  }
0x5d: {  	_ =	shalt  }
0x5e: {  	_ =	shalt  }
0x5f: {  	_ =	shalt  }
0x60: {  	_ =	shalt  }
0x61: {  	_ =	shalt  }
0x62: {  	_ =	shalt  }
0x63: {  	_ =	shalt  }
0x64: {  	_ =	shalt  }
0x65: {  	_ =	shalt  }
0x66: {  	_ =	shalt  }
0x67: {  	_ =	shalt  }
0x68: {  	_ =	shalt  }
0x69: {  	_ =	shalt  }
0x6a: {  	_ =	shalt  }
0x6b: {  	_ =	shalt  }
0x6c: {  	_ =	shalt  }
0x6d: {  	_ =	shalt  }
0x6e: {  	_ =	shalt  }
0x6f: {  	_ =	shalt  }
0x70: {  	_ =	shalt  }
0x71: {  	_ =	shalt  }
0x72: {  	_ =	shalt  }
0x73: {  	_ =	shalt  }
0x74: {  	_ =	shalt  }
0x75: {  	_ =	shalt  }
0x76: {  	_ =	shalt  }
0x77: {  	_ =	shalt  }
0x78: {  	_ =	shalt  }
0x79: {  	_ =	shalt  }
0x7a: {  	_ =	shalt  }
0x7b: {  	_ =	shalt  }
0x7c: {  	_ =	shalt  }
0x7d: {  	_ =	shalt  }
0x7e: {  	_ =	shalt  }
0x7f: {  	_ =	shalt  }
0x80: {  	_ =	shalt  }
0x81: {  	_ =	shalt  }
0x82: {  	_ =	shalt  }
0x83: {  	_ =	shalt  }
0x84: {  	_ =	shalt  }
0x85: {  	_ =	shalt  }
0x86: {  	_ =	shalt  }
0x87: {  	_ =	shalt  }
.Lfunc_end0:
.L_simem_size_0:
called_computation.1_lowered:
.L_overlay_start_0:
0x88: {  	s2 =	sld [smem:$0x3FD9]  }
0x89: {  	s3 =	sld [smem:$0x3FFE];
	_ =	sdelay $0x1  }
0x8a: {  	s1 =	srdreg.scid  }
0x8b: {  	s0 =	sand.u32 $0x1, s1  }
0x8c: {  	s16 =	sshll.u32 s0, $0xA;
	s2 =	sadd.s32 s3, s2  }
0x8d: {  	s2 =	sadd.s32 s2, s16  }
0x8e: {  	[smem:$0x3FC2] =	sst s2  }
0x8f: {  	_ = 	snop  }
0x90: {  	(tm) =	ssettm $0x1  }
0x91: {  	s17 =	sld [smem:$0x3FFB];
	_ =	sdelay $0x3  }
0x92: {  	_ =	strace s17  }
0x93: {  	s2 =	sld [smem:$0x3FFC];
	_ =	sdelay $0x3  }
0x94: {  	_ =	strace s2  }
0x95: {  	s2 =	sld [smem:$0x3FFD];
	_ =	sdelay $0x3  }
0x96: {  	_ =	strace s2  }
0x97: {  	_ =	strace $0x8FFFFFFF  }
0x98: {  	s18 =	sld [smem:$0x3FDB];
	_ =	sdelay $0x1  }
0x99: {  	s19 =	simm.s32 $_scs_section_size  }
0x9a: {  	s4 =	simm.s32 $_size__tile_overlayer_lowered;
	s5 =	simm.s32 $_tile_overlayer_lowered  }
0x9b: {  	s22 =	simm.s32 $0x1BFF;
	s21 =	sshll.u32 s5, $0x1;
	s2 =	sadd.s32 s19, s18  }
0x9c: {  	s6 =	simm.s32 $0x0;
	s20 =	sshll.u32 s4, $0x1;
	s4 =	sadd.s32 s21, s2  }
0x9d: {  	[timem:s6], [sflag:s22] =	dma.local [hbm:s4], s20  }
0x9e: {  	_ =	swait.ge [sflag:s22], s20  }
0x9f: {  	s3 =	ssub.s32 $0x0, s20;
	[sflag:s22] =	ssyncset.done $0x0  }
0xa0: {  	[sflag:s22] =	ssyncadd.s32 s3;
	_ =	sdelay $0x1  }
0xa1: {  	s23 =	simm.s32 $0x1B8B  }
0xa2: {  	_ =	swait.ge [sflag:s23], $0x1  }
0xa3: {  	[sflag:s23] =	ssyncset.done $0x0  }
0xa4: {  	s25 =	simm.s32 $0x1B8E;
	s24 =	sld [smem:$0x3FFE];
	[sflag:s23] =	ssyncadd.s32 $0xFFFFFFFF  }
0xa5: {  	s26 =	simm.s32 $execute0_lowered;
	[smem:$0x3FD2] =	sst s25  }
0xa6: {  	s4 =	sshll.u32 s26, $0x1;
	_ =	strace $0x80000049;
	[dreg:$0x1] =	wrdreg $0xFFFFFFFF  }
0xa7: {  	s28 =	simm.s32 $_size_execute0_lowered;
	s2 =	sadd.s32 s2, s4;
	[dreg:$0x0] =	wrdreg $0x0  }
0xa8: {  	s4 =	sshll.u32 s28, $0x1;
	[dreg:$0x2] =	wrdreg s2  }
0xa9: {  	[dreg:$0x3] =	wrdreg s4  }
0xaa: {  	[dreg:$0x4] =	wrdreg $0xC0  }
0xab: {  	_ =	task [dreg:s6], $0x5FFFF  }
0xac: {  	[dreg:$0x1] =	wrdreg $0xFFFFFFFF  }
0xad: {  	[dreg:$0x0] =	wrdreg $0x60  }
0xae: {  	[dreg:$0x2] =	wrdreg s24  }
0xaf: {  	[dreg:$0x3] =	wrdreg $0xA9000  }
0xb0: {  	[dreg:$0x4] =	wrdreg $0x9  }
0xb1: {  	_ =	task.clear_ibuf [dreg:s6], $0x5FFFF;
	_ =	strace $0x90000049  }
0xb2: {  	s29 =	simm.s32 $0x9;
	_ =	strace $0x8000004B  }
0xb3: {  	_ =	swait.ge [sflag:s29], $0x1  }
0xb4: {  	[sflag:s29] =	ssyncadd.s32 $0xFFFFFFFF  }
0xb5: {  	_ =	strace $0x9000004B  }
0xb6: {  	_ =	sfence  }
0xb7: {  	s30 =	sld [smem:$0x0];
	_ =	sdelay $0x2  }
0xb8: {  	s31 =	sshll.u32 s1, $0xD;
	s1 =	sshrl.u32 s1, $0x2  }
0xb9: {  	s3 =	sand.u32 $0x4000, s31;
	s1 =	sadd.s32 s1, s30  }
0xba: {  	s0 =	sor.u32 s3, s0;
	s1 =	sshll.u32 s1, $0x11  }
0xbb: {  	s0 =	sor.u32 s1, s0  }
0xbc: {  	s0 =	sadd.s32 $0x8F2B, s0  }
0xbd: {  	[sflag:s0] =	ssyncadd.remote.s32 $0x1  }
0xbe: {  	_ =	sfence.sel $0xFFFF  }
0xbf: {  	[dreg:$0x0] =	wrdreg $0xFFFFFFFF;
	(pc) =	sbr.abs _section_cstart, $3  }
0xc0: {  	[dreg:$0x1] =	wrdreg $0xFFFFFFFF  }
0xc1: {  	_ =	task.clear_ibuf [dreg:s6], $0x2FFFF;
	_ =	strace $0x9FFFFFFF  }
0xc2: {  	(tm) =	ssettm $0x7FFFFFFF  }
0xc3: {  	_ =	shalt  }
tec
execute0_lowered:
.L_overlay_start_1:
0x0: {  	(tag) =	ssettag $0x1  }
0x1: {  	s0 =	srdreg.scid  }
0x2: {  	s1 =	rddreg [dreg:$0x0];
	s7 =	stileid.u32  }
0x3: {  	s2 =	rddreg [dreg:$0x1];
	s28 =	simm.s32 $0x2800;
	s29 =	simm.s32 $0x80  }
0x4: {  	s30 =	simm.s32 $0x2880;
	s31 =	simm.s32 $0x1;
	s0 =	sand.u32 $0x1, s0  }
0x5: {  	s5 =	sadd.s32 $0x67E00, s1;
	s11 =	smul.u32 $0x50000, s7;
	s6 =	sadd.s32 $0x5DE00, s1  }
0x6: {  	s15 =	smul.u32 $0x14000, s7;
	s3 =	sshll.u32 s0, $0x4;
	s10 =	ssub.s32 $0x2, s0  }
0x7: {  	s0 =	smul.u32 $0x140000, s0;
	s4 =	sor.u32 s7, s3;
	s3 =	simm.s32 $0x0  }
0x8: {  	s12 =	sshrl.u32 s10, $0x1;
	s7 =	sadd.s32 $0x2E00, s1;
	s23 =	sshrl.u32 s11, $0x2  }
0x9: {  	s17 =	sadd.s32 $0x4000, s15;
	s18 =	sadd.s32 $0x8000, s15;
	s19 =	sadd.s32 $0xC000, s15  }
0xa: {  	s20 =	sadd.s32 $0x10000, s15;
	s4 =	smul.u32 $0x2800, s4;
	[smem:$0x7FF] =	sst s3  }
0xb: {  	s16 =	ssub.s32 s10, s12;
	s10 =	sadd.s32 s17, s2;
	s11 =	sadd.s32 s18, s2  }
0xc: {  	s12 =	sadd.s32 s19, s2;
	s13 =	sadd.s32 s20, s2;
	s24 =	sadd.s32 s15, s0  }
0xd: {  	s25 =	sadd.s32 s0, s17;
	s22 =	sadd.s32 s0, s18;
	_ =	strace $0x8000004A  }
0xe: {  	s15 =	sshrl.u32 s25, $0x3;
	s25 =	smax.u32 s16, $0x1;
	s8 =	sshrl.u32 s4, $0x3  }
0xf: {  	s16 =	simm.s32 $0x0;
	[dreg:$0xa] =	wrdreg s25;
	s9 =	sadd.s32 s8, s1  }
0x10: {  	s1 =	sadd.s32 $0x8FE00, s1;
	s14 =	sadd.s32 s6, s8;
	s9 =	sadd.s32 $0x53E00, s9  }
0x11: {  	s8 =	sshrl.u32 s24, $0x3;
	s26 =	sadd.s32 $0x10, s14;
	[dreg:$0x3] =	wrdreg s9  }
0x12: {  	s25 =	simm.s32 $0x2900;
	s8 =	sadd.s32 s1, s8;
	[dreg:$0x4] =	wrdreg s26  }
0x13: {  	s21 =	sadd.s32 s1, s15;
	s15 =	simm.s32 $0x2780;
	[dreg:$0x5] =	wrdreg s8  }
0x14: {  	s9 =	sadd.s32 s23, s2;
	[dreg:$0x6] =	wrdreg s21;
	s8 =	sshrl.u32 s22, $0x3  }
0x15: {  	s23 =	sadd.s32 s0, s19;
	s0 =	sadd.s32 s0, s20;
	s22 =	sadd.s32 $0x4F0, s14  }
0x16: {  	s26 =	sadd.s32 $0x4E0, s14;
	s8 =	sadd.s32 s1, s8;
	s24 =	sshrl.u32 s23, $0x3  }
0x17: {  	s0 =	sshrl.u32 s0, $0x3;
	[dreg:$0xb] =	wrdreg s26;
	s26 =	simm.s32 $0x6900  }
0x18: {  	[dreg:$0x7] =	wrdreg s8;
	s8 =	sadd.s32 s1, s24;
	s0 =	sadd.s32 s1, s0  }
0x19: {  	s24 =	simm.s32 $0x5;
	s1 =	simm.s32 $0x3;
	[dreg:$0x8] =	wrdreg s8  }
0x1a: {  	[dreg:$0x9] =	wrdreg s0;
	s0 =	simm.s32 $0x2;
	s8 =	simm.s32 $0x4  }
.LBB2_1:
0x1b: {  	s17 =	rddreg [dreg:$0x3]  }
0x1c: {  	[tilespmem:s3], [sflag:$0x5] =	stream.linear.gather [hbm4b:s17+s3], $0x2800, $0x38;
	[tilespmem:$0x1E900] =	vst v63  }
0x1d: {  	_ =	swait.ge [sflag:s24], $0x2800  }
0x1e: {  	[sflag:s24] =	ssyncset.done $0x0  }
0x1f: {  	[sflag:s24] =	ssyncadd.s32 $0xFFFFD800  }
0x20: {  	[tilespmem:s25], [sflag:$0x5] =	stream.linear.gather [hbm4b:s7+s3], $0x4000, $0x38;
	[tilespmem:$0x1E900] =	vst v63  }
0x21: {  	_ =	swait.ge [sflag:s24], $0x4000  }
0x22: {  	[sflag:s24] =	ssyncset.done $0x0  }
0x23: {  	[sflag:s24] =	ssyncadd.s32 $0xFFFFC000  }
0x24: {  	[tilespmem:s26], [sflag:$0x5] =	stream.linear.gather [hbm4b:s7+s3], $0x4000, $0x38;
	[tilespmem:$0x1E900] =	vst v63  }
0x25: {  	_ =	swait.ge [sflag:s24], $0x4000  }
0x26: {  	[sflag:s24] =	ssyncset.done $0x0  }
0x27: {  	[sflag:s24] =	ssyncadd.s32 $0xFFFFC000  }
0x28: {  	[spmem:s9] =	stream.linear.scatter [tilespmem:s25], [sflag:$0x5], $0x4000, $0x38;
	[tilespmem:$0x1E900] =	vst v63  }
0x29: {  	_ =	swait.ge [sflag:s24], $0x4000  }
0x2a: {  	[sflag:s24] =	ssyncset.done $0x0  }
0x2b: {  	[sflag:s24] =	ssyncadd.s32 $0xFFFFC000  }
0x2c: {  	[spmem:s10] =	stream.linear.scatter [tilespmem:s26], [sflag:$0x5], $0x4000, $0x38;
	[tilespmem:$0x1E900] =	vst v63  }
0x2d: {  	_ =	swait.ge [sflag:s24], $0x4000  }
0x2e: {  	[sflag:s24] =	ssyncset.done $0x0  }
0x2f: {  	[sflag:s24] =	ssyncadd.s32 $0xFFFFC000  }
0x30: {  	[spmem:s11] =	stream.linear.scatter [tilespmem:s25], [sflag:$0x5], $0x4000, $0x38;
	[tilespmem:$0x1E900] =	vst v63  }
0x31: {  	_ =	swait.ge [sflag:s24], $0x4000  }
0x32: {  	[sflag:s24] =	ssyncset.done $0x0  }
0x33: {  	[sflag:s24] =	ssyncadd.s32 $0xFFFFC000  }
0x34: {  	[spmem:s12] =	stream.linear.scatter [tilespmem:s26], [sflag:$0x5], $0x4000, $0x38;
	[tilespmem:$0x1E900] =	vst v63  }
0x35: {  	_ =	swait.ge [sflag:s24], $0x4000  }
0x36: {  	[sflag:s24] =	ssyncset.done $0x0  }
0x37: {  	[sflag:s24] =	ssyncadd.s32 $0xFFFFC000  }
0x38: {  	[spmem:s13] =	stream.linear.scatter [tilespmem:s25], [sflag:$0x5], $0x4000, $0x38;
	[tilespmem:$0x1E900] =	vst v63  }
0x39: {  	_ =	swait.ge [sflag:s24], $0x4000  }
0x3a: {  	[sflag:s24] =	ssyncset.done $0x0  }
0x3b: {  	[sflag:s24] =	ssyncadd.s32 $0xFFFFC000  }
0x3c: {  	[bflag:$0x0] =	sbarrier.arrive $0xFFFF  }
0x3d: {  	[tilespmem:s28], [sflag:$0x3] =	stream.linear.gather [hbm4b:s14+s3], $0x80, $0x38;
	[tilespmem:$0x1E900] =	vst v63  }
0x3e: {  	_ = 	snop  }
0x3f: {  	[tilespmem:s25], [sflag:$0x1] =	stream.indirect.gather [hbm4b:s5+s29], $0x80, s3, s29, $0xb8;
	[tilespmem:$0x1E900] =	vst v63  }
0x40: {  	s19 =	rddreg [dreg:$0x4]  }
0x41: {  	[tilespmem:s30], [sflag:$0x4] =	stream.linear.gather [hbm4b:s19+s3], $0x80, $0x38;
	[tilespmem:$0x1E900] =	vst v63  }
0x42: {  	_ = 	snop  }
0x43: {  	[tilespmem:s26], [sflag:$0x2] =	stream.indirect.gather [hbm4b:s5+s29], $0x80, s29, s29, $0xb8;
	[tilespmem:$0x1E900] =	vst v63  }
0x44: {  	_ =	swait.ge [sflag:s31], $0x4000  }
0x45: {  	[sflag:s31] =	ssyncset.done $0x0  }
0x46: {  	[sflag:s31] =	ssyncadd.s32 $0xFFFFC000  }
0x47: {  	s20 =	simm.s32 $0x100;
	_ =	swait.ge [sflag:s1], $0x80  }
0x48: {  	s18 =	sand.u32 $0x7C00, s20;
	[sflag:s1] =	ssyncset.done $0x0  }
0x49: {  	s17 =	sand.u32 $0x300, s20;
	s18 =	sadd.s32 s4, s18;
	[sflag:s1] =	ssyncadd.s32 $0xFFFFFF80  }
0x4a: {  	[spmem:s2] =	stream.indirect.scatter.add.f32 [tilespmem:s25], [sflag:$0x5], $0x80, s28, s29, $0xb8;
	[tilespmem:$0x1E900] =	vst v63  }
0x4b: {  	s17 =	sor.u32 s17, s18;
	_ =	swait.ge [sflag:s24], $0x4000  }
0x4c: {  	s17 =	sshrl.u32 s17, $0x3;
	[sflag:s24] =	ssyncset.done $0x0  }
0x4d: {  	s17 =	sadd.s32 s6, s17;
	[sflag:s24] =	ssyncadd.s32 $0xFFFFC000  }
0x4e: {  	[tilespmem:s28], [sflag:$0x3] =	stream.linear.gather [hbm4b:s17+s3], $0x80, $0x38;
	[tilespmem:$0x1E900] =	vst v63  }
0x4f: {  	s21 =	simm.s32 $0x100  }
0x50: {  	[tilespmem:s25], [sflag:$0x1] =	stream.indirect.gather [hbm4b:s5+s29], $0x80, s21, s29, $0xb8;
	[tilespmem:$0x1E900] =	vst v63  }
0x51: {  	_ =	swait.ge [sflag:s0], $0x4000  }
0x52: {  	[sflag:s0] =	ssyncset.done $0x0  }
0x53: {  	[sflag:s0] =	ssyncadd.s32 $0xFFFFC000  }
0x54: {  	s17 =	simm.s32 $0x180;
	_ =	swait.ge [sflag:s8], $0x80  }
0x55: {  	s23 =	sand.u32 $0x7C00, s17;
	[sflag:s8] =	ssyncset.done $0x0  }
0x56: {  	s19 =	sand.u32 $0x380, s17;
	s18 =	sadd.s32 s4, s23;
	[sflag:s8] =	ssyncadd.s32 $0xFFFFFF80  }
0x57: {  	[spmem:s2] =	stream.indirect.scatter.add.f32 [tilespmem:s26], [sflag:$0x5], $0x80, s30, s29, $0xb8;
	[tilespmem:$0x1E900] =	vst v63  }
0x58: {  	s18 =	sor.u32 s19, s18;
	_ =	swait.ge [sflag:s24], $0x4000  }
0x59: {  	s18 =	sshrl.u32 s18, $0x3;
	[sflag:s24] =	ssyncset.done $0x0  }
0x5a: {  	s18 =	sadd.s32 s6, s18;
	[sflag:s24] =	ssyncadd.s32 $0xFFFFC000  }
0x5b: {  	[tilespmem:s30], [sflag:$0x4] =	stream.linear.gather [hbm4b:s18+s3], $0x80, $0x38;
	[tilespmem:$0x1E900] =	vst v63  }
0x5c: {  	s19 =	simm.s32 $0x180;
	s18 =	simm.s32 $0x280  }
.LBB2_2:
0x5d: {  	p0 =	sne.s32 s18, $0x2680  }
0x5e: {  	s17 =	sadd.s32 $0x100, s17;
	s20 =	smov.u32 s18;
	s18 =	sadd.s32 $0x100, s18  }
0x5f: {  	[tilespmem:s26], [sflag:$0x2] =	stream.indirect.gather [hbm4b:s5+s29], $0x80, s19, s29, $0xb8;
	[tilespmem:$0x1E900] =	vst v63  }
0x60: {  	s19 =	smov.u32 s17;
	_ =	swait.ge [sflag:s31], $0x4000  }
0x61: {  	[sflag:s31] =	ssyncset.done $0x0  }
0x62: {  	[sflag:s31] =	ssyncadd.s32 $0xFFFFC000  }
0x63: {  	_ =	swait.ge [sflag:s1], $0x80  }
0x64: {  	s21 =	sadd.s32 $0xFFFFFF80, s20;
	[sflag:s1] =	ssyncset.done $0x0  }
0x65: {  	s23 =	sand.u32 $0x7C00, s21;
	s21 =	sand.u32 $0x300, s21;
	[sflag:s1] =	ssyncadd.s32 $0xFFFFFF80  }
0x66: {  	[spmem:s2] =	stream.indirect.scatter.add.f32 [tilespmem:s25], [sflag:$0x5], $0x80, s28, s29, $0xb8;
	[tilespmem:$0x1E900] =	vst v63  }
0x67: {  	s23 =	sadd.s32 s4, s23;
	_ =	swait.ge [sflag:s24], $0x4000  }
0x68: {  	s21 =	sor.u32 s21, s23;
	[sflag:s24] =	ssyncset.done $0x0  }
0x69: {  	s21 =	sshrl.u32 s21, $0x3;
	[sflag:s24] =	ssyncadd.s32 $0xFFFFC000  }
0x6a: {  	s23 =	sadd.s32 $0xFFFFFF80, s17;
	s21 =	sadd.s32 s6, s21  }
0x6b: {  	[tilespmem:s28], [sflag:$0x3] =	stream.linear.gather [hbm4b:s21+s3], $0x80, $0x38;
	[tilespmem:$0x1E900] =	vst v63  }
0x6c: {  	_ = 	snop  }
0x6d: {  	[tilespmem:s25], [sflag:$0x1] =	stream.indirect.gather [hbm4b:s5+s29], $0x80, s23, s29, $0xb8;
	[tilespmem:$0x1E900] =	vst v63  }
0x6e: {  	_ =	swait.ge [sflag:s0], $0x4000  }
0x6f: {  	[sflag:s0] =	ssyncset.done $0x0  }
0x70: {  	[sflag:s0] =	ssyncadd.s32 $0xFFFFC000  }
0x71: {  	_ =	swait.ge [sflag:s8], $0x80  }
0x72: {  	s21 =	sand.u32 $0x7C00, s20;
	[sflag:s8] =	ssyncset.done $0x0  }
0x73: {  	s20 =	sand.u32 $0x380, s20;
	s21 =	sadd.s32 s4, s21;
	[sflag:s8] =	ssyncadd.s32 $0xFFFFFF80  }
0x74: {  	[spmem:s2] =	stream.indirect.scatter.add.f32 [tilespmem:s26], [sflag:$0x5], $0x80, s30, s29, $0xb8;
	[tilespmem:$0x1E900] =	vst v63  }
.Ltmp0:
0x75: {  	_ = 	snop;
	(pc) =	sbr.rel @p0 .LBB2_2-.Ltmp0, $4  }
0x76: {  	s20 =	sor.u32 s20, s21;
	_ =	swait.ge [sflag:s24], $0x4000  }
0x77: {  	s20 =	sshrl.u32 s20, $0x3;
	[sflag:s24] =	ssyncset.done $0x0  }
0x78: {  	s20 =	sadd.s32 s6, s20;
	[sflag:s24] =	ssyncadd.s32 $0xFFFFC000  }
0x79: {  	[tilespmem:s30], [sflag:$0x4] =	stream.linear.gather [hbm4b:s20+s3], $0x80, $0x38;
	[tilespmem:$0x1E900] =	vst v63  }
0x7a: {  	[tilespmem:s26], [sflag:$0x2] =	stream.indirect.gather [hbm4b:s5+s29], $0x80, s19, s29, $0xb8;
	[tilespmem:$0x1E900] =	vst v63  }
0x7b: {  	_ =	swait.ge [sflag:s31], $0x4000  }
0x7c: {  	[sflag:s31] =	ssyncset.done $0x0  }
0x7d: {  	[sflag:s31] =	ssyncadd.s32 $0xFFFFC000  }
0x7e: {  	_ =	swait.ge [sflag:s1], $0x80  }
0x7f: {  	[sflag:s1] =	ssyncset.done $0x0  }
0x80: {  	[sflag:s1] =	ssyncadd.s32 $0xFFFFFF80  }
0x81: {  	[spmem:s2] =	stream.indirect.scatter.add.f32 [tilespmem:s25], [sflag:$0x5], $0x80, s28, s29, $0xb8;
	[tilespmem:$0x1E900] =	vst v63  }
0x82: {  	_ =	swait.ge [sflag:s24], $0x4000  }
0x83: {  	[sflag:s24] =	ssyncset.done $0x0  }
0x84: {  	s17 =	rddreg [dreg:$0xb];
	[sflag:s24] =	ssyncadd.s32 $0xFFFFC000  }
0x85: {  	[tilespmem:s28], [sflag:$0x3] =	stream.linear.gather [hbm4b:s17+s3], $0x80, $0x38;
	[tilespmem:$0x1E900] =	vst v63  }
0x86: {  	s21 =	simm.s32 $0x2700  }
0x87: {  	[tilespmem:s25], [sflag:$0x1] =	stream.indirect.gather [hbm4b:s5+s29], $0x80, s21, s29, $0xb8;
	[tilespmem:$0x1E900] =	vst v63  }
0x88: {  	_ =	swait.ge [sflag:s0], $0x4000  }
0x89: {  	[sflag:s0] =	ssyncset.done $0x0  }
0x8a: {  	[sflag:s0] =	ssyncadd.s32 $0xFFFFC000  }
0x8b: {  	_ =	swait.ge [sflag:s8], $0x80  }
0x8c: {  	[sflag:s8] =	ssyncset.done $0x0  }
0x8d: {  	[sflag:s8] =	ssyncadd.s32 $0xFFFFFF80  }
0x8e: {  	[spmem:s2] =	stream.indirect.scatter.add.f32 [tilespmem:s26], [sflag:$0x5], $0x80, s30, s29, $0xb8;
	[tilespmem:$0x1E900] =	vst v63  }
0x8f: {  	_ =	swait.ge [sflag:s24], $0x4000  }
0x90: {  	[sflag:s24] =	ssyncset.done $0x0  }
0x91: {  	[sflag:s24] =	ssyncadd.s32 $0xFFFFC000  }
0x92: {  	[tilespmem:s30], [sflag:$0x4] =	stream.linear.gather [hbm4b:s22+s3], $0x80, $0x38;
	[tilespmem:$0x1E900] =	vst v63  }
0x93: {  	_ = 	snop  }
0x94: {  	[tilespmem:s26], [sflag:$0x2] =	stream.indirect.gather [hbm4b:s5+s29], $0x80, s15, s29, $0xb8;
	[tilespmem:$0x1E900] =	vst v63  }
0x95: {  	_ =	swait.ge [sflag:s31], $0x4000  }
0x96: {  	[sflag:s31] =	ssyncset.done $0x0  }
0x97: {  	[sflag:s31] =	ssyncadd.s32 $0xFFFFC000  }
0x98: {  	_ =	swait.ge [sflag:s1], $0x80  }
0x99: {  	[sflag:s1] =	ssyncset.done $0x0  }
0x9a: {  	[sflag:s1] =	ssyncadd.s32 $0xFFFFFF80  }
0x9b: {  	[spmem:s2] =	stream.indirect.scatter.add.f32 [tilespmem:s25], [sflag:$0x5], $0x80, s28, s29, $0xb8;
	[tilespmem:$0x1E900] =	vst v63  }
0x9c: {  	_ =	swait.ge [sflag:s24], $0x4000  }
0x9d: {  	[sflag:s24] =	ssyncset.done $0x0  }
0x9e: {  	[sflag:s24] =	ssyncadd.s32 $0xFFFFC000  }
0x9f: {  	[tilespmem:s28], [sflag:$0x3] =	stream.linear.gather [hbm4b:s22+s3], $0x80, $0x38;
	[tilespmem:$0x1E900] =	vst v63  }
0xa0: {  	_ = 	snop  }
0xa1: {  	[tilespmem:s25], [sflag:$0x1] =	stream.indirect.gather [hbm4b:s5+s29], $0x80, s15, s29, $0xb8;
	[tilespmem:$0x1E900] =	vst v63  }
0xa2: {  	_ =	swait.ge [sflag:s0], $0x4000  }
0xa3: {  	[sflag:s0] =	ssyncset.done $0x0  }
0xa4: {  	[sflag:s0] =	ssyncadd.s32 $0xFFFFC000  }
0xa5: {  	_ =	swait.ge [sflag:s8], $0x80  }
0xa6: {  	[sflag:s8] =	ssyncset.done $0x0  }
0xa7: {  	[sflag:s8] =	ssyncadd.s32 $0xFFFFFF80  }
0xa8: {  	[spmem:s2] =	stream.indirect.scatter.add.f32 [tilespmem:s26], [sflag:$0x5], $0x80, s30, s29, $0xb8;
	[tilespmem:$0x1E900] =	vst v63  }
0xa9: {  	_ =	swait.ge [sflag:s24], $0x4000  }
0xaa: {  	[sflag:s24] =	ssyncset.done $0x0  }
0xab: {  	[sflag:s24] =	ssyncadd.s32 $0xFFFFC000  }
0xac: {  	[tilespmem:s30], [sflag:$0x4] =	stream.linear.gather [hbm4b:s22+s3], $0x80, $0x38;
	[tilespmem:$0x1E900] =	vst v63  }
0xad: {  	_ = 	snop  }
0xae: {  	[tilespmem:s26], [sflag:$0x2] =	stream.indirect.gather [hbm4b:s5+s29], $0x80, s15, s29, $0xb8;
	[tilespmem:$0x1E900] =	vst v63  }
0xaf: {  	_ =	swait.ge [sflag:s31], $0x4000  }
0xb0: {  	[sflag:s31] =	ssyncset.done $0x0  }
0xb1: {  	[sflag:s31] =	ssyncadd.s32 $0xFFFFC000  }
0xb2: {  	_ =	swait.ge [sflag:s1], $0x80  }
0xb3: {  	[sflag:s1] =	ssyncset.done $0x0  }
0xb4: {  	[sflag:s1] =	ssyncadd.s32 $0xFFFFFF80  }
0xb5: {  	_ =	swait.ge [sflag:s0], $0x4000  }
0xb6: {  	[sflag:s0] =	ssyncset.done $0x0  }
0xb7: {  	[sflag:s0] =	ssyncadd.s32 $0xFFFFC000  }
0xb8: {  	_ =	swait.ge [sflag:s8], $0x80  }
0xb9: {  	[sflag:s8] =	ssyncset.done $0x0  }
0xba: {  	[sflag:s8] =	ssyncadd.s32 $0xFFFFFF80  }
0xbb: {  	[bflag:$0x0] =	sbarrier.arrive $0xFFFF  }
0xbc: {  	[tilespmem:s25], [sflag:$0x5] =	stream.linear.gather [spmem:s9], $0x4000, $0x38;
	[tilespmem:$0x1E900] =	vst v63  }
0xbd: {  	_ =	swait.ge [sflag:s24], $0x4000  }
0xbe: {  	[sflag:s24] =	ssyncset.done $0x0  }
0xbf: {  	s23 =	rddreg [dreg:$0x5];
	[sflag:s24] =	ssyncadd.s32 $0xFFFFC000  }
0xc0: {  	[hbm4b:s23+s3] =	stream.linear.scatter [tilespmem:s25], [sflag:$0x5], $0x4000, $0x38;
	[tilespmem:$0x1E900] =	vst v63  }
0xc1: {  	_ =	swait.ge [sflag:s24], $0x4000  }
0xc2: {  	[sflag:s24] =	ssyncset.done $0x0  }
0xc3: {  	[sflag:s24] =	ssyncadd.s32 $0xFFFFC000  }
0xc4: {  	[tilespmem:s26], [sflag:$0x5] =	stream.linear.gather [spmem:s10], $0x4000, $0x38;
	[tilespmem:$0x1E900] =	vst v63  }
0xc5: {  	_ =	swait.ge [sflag:s24], $0x4000  }
0xc6: {  	[sflag:s24] =	ssyncset.done $0x0  }
0xc7: {  	s18 =	rddreg [dreg:$0x6];
	[sflag:s24] =	ssyncadd.s32 $0xFFFFC000  }
0xc8: {  	[hbm4b:s18+s3] =	stream.linear.scatter [tilespmem:s26], [sflag:$0x5], $0x4000, $0x38;
	[tilespmem:$0x1E900] =	vst v63  }
0xc9: {  	_ =	swait.ge [sflag:s24], $0x4000  }
0xca: {  	[sflag:s24] =	ssyncset.done $0x0  }
0xcb: {  	[sflag:s24] =	ssyncadd.s32 $0xFFFFC000  }
0xcc: {  	[tilespmem:s25], [sflag:$0x5] =	stream.linear.gather [spmem:s11], $0x4000, $0x38;
	[tilespmem:$0x1E900] =	vst v63  }
0xcd: {  	_ =	swait.ge [sflag:s24], $0x4000  }
0xce: {  	[sflag:s24] =	ssyncset.done $0x0  }
0xcf: {  	s19 =	rddreg [dreg:$0x7];
	[sflag:s24] =	ssyncadd.s32 $0xFFFFC000  }
0xd0: {  	[hbm4b:s19+s3] =	stream.linear.scatter [tilespmem:s25], [sflag:$0x5], $0x4000, $0x38;
	[tilespmem:$0x1E900] =	vst v63  }
0xd1: {  	_ =	swait.ge [sflag:s24], $0x4000  }
0xd2: {  	[sflag:s24] =	ssyncset.done $0x0  }
0xd3: {  	[sflag:s24] =	ssyncadd.s32 $0xFFFFC000  }
0xd4: {  	[tilespmem:s26], [sflag:$0x5] =	stream.linear.gather [spmem:s12], $0x4000, $0x38;
	[tilespmem:$0x1E900] =	vst v63  }
0xd5: {  	_ =	swait.ge [sflag:s24], $0x4000  }
0xd6: {  	[sflag:s24] =	ssyncset.done $0x0  }
0xd7: {  	s20 =	rddreg [dreg:$0x8];
	[sflag:s24] =	ssyncadd.s32 $0xFFFFC000  }
0xd8: {  	[hbm4b:s20+s3] =	stream.linear.scatter [tilespmem:s26], [sflag:$0x5], $0x4000, $0x38;
	[tilespmem:$0x1E900] =	vst v63  }
0xd9: {  	_ =	swait.ge [sflag:s24], $0x4000  }
0xda: {  	[sflag:s24] =	ssyncset.done $0x0  }
0xdb: {  	[sflag:s24] =	ssyncadd.s32 $0xFFFFC000  }
0xdc: {  	[tilespmem:s25], [sflag:$0x5] =	stream.linear.gather [spmem:s13], $0x4000, $0x38;
	[tilespmem:$0x1E900] =	vst v63  }
0xdd: {  	_ =	swait.ge [sflag:s24], $0x4000  }
0xde: {  	[sflag:s24] =	ssyncset.done $0x0  }
0xdf: {  	s21 =	rddreg [dreg:$0x9];
	[sflag:s24] =	ssyncadd.s32 $0xFFFFC000  }
0xe0: {  	[hbm4b:s21+s3] =	stream.linear.scatter [tilespmem:s25], [sflag:$0x5], $0x4000, $0x38;
	[tilespmem:$0x1E900] =	vst v63  }
0xe1: {  	_ =	swait.ge [sflag:s24], $0x4000  }
0xe2: {  	s16 =	sadd.s32 $0x1, s16;
	s23 =	rddreg [dreg:$0xa]  }
0xe3: {  	p0 =	sne.s32 s16, s23  }
.Ltmp1:
0xe4: {  	_ = 	snop;
	(pc) =	sbr.rel @p0 .LBB2_1-.Ltmp1, $3  }
0xe5: {  	_ =	sdelay $0x1  }
0xe6: {  	[sflag:s24] =	ssyncset.done $0x0  }
0xe7: {  	[sflag:s24] =	ssyncadd.s32 $0xFFFFC000  }
0xe8: {  	_ =	sfence.sel $0x180000  }
0xe9: {  	[bflag:$0x0] =	sbarrier.arrive $0xFFFF  }
0xea: {  	_ =	strace $0x9000004A  }
0xeb: {  	s0 =	stileid.u32;
	[bflag:$0x2] =	sbarrier.arrive $0xFFFF  }
0xec: {  	p0 =	sne.s32 s0, $0x0;
	s0 =	rddreg [dreg:$0x2]  }
0xed: {  	s0 =	sadd.s32 @!p0 $0x100000, s0  }
0xee: {  	[sflag:s0] =	ssyncadd.tile.s32 @!p0 $0x1;
	_ =	shalt  }
.Lfunc_end2:
_tile_overlayer_lowered:
.L_overlay_start_2:
0xef: {  	(tag) =	ssettag $0x2  }
0xf0: {  	s0 =	rddreg [dreg:$0x0];
	s2 =	stileid.u32  }
0xf1: {  	s1 =	rddreg [dreg:$0x1];
	p0 =	sne.s32 s2, $0x0  }
0xf2: {  	s3 =	rddreg [dreg:$0x2];
	[bflag:$0x3] =	sbarrier.arrive $0xFFFF;
	s2 =	simm.s32 @!p0 $0x1C05  }
0xf3: {  	[timem:s3], [sflag:s2] =	dma.local @!p0 [hbm:s0], s1  }
0xf4: {  	s0 =	simm.s32 @!p0 $0x5  }
0xf5: {  	_ =	swait.ge @!p0 [sflag:s0], s1  }
0xf6: {  	s1 =	ssub.s32 @!p0 $0x0, s1;
	[sflag:s0] =	ssyncset.done @!p0 $0x0  }
0xf7: {  	[sflag:s0] =	ssyncadd.s32 @!p0 s1  }
0xf8: {  	[bflag:$0x3] =	sbarrier.arrive $0xFFFF  }
0xf9: {  	_ =	shalt  }

// kernel: kernel.14.cloned.1.call-start
scs
__scs_entry_jumppad:
0x0: {  	(pc) =	sbr.rel $0x88, $3  }
0x1: {  	(tag) =	ssettag $0x0;
	lr =	simm.s32 $0x1  }
0x2: {  	[smem:$0x3F9B] =	sst lr;
	_ =	strace $0xD0000000  }
0x3: {  	_ = 	snop  }
0x4: {  	_ = 	snop  }
0x5: {  	_ = 	snop  }
0x6: {  	_ = 	snop  }
0x7: {  	_ = 	snop  }
__scs_overlays_trampoline_lowered:
0x8: {  	[smem:$0x3FAA] =	sst s0  }
0x9: {  	[smem:$0x3FAB] =	sst s1  }
0xa: {  	[smem:$0x3FAC] =	sst s2  }
0xb: {  	[smem:$0x3FAD] =	sst s3  }
0xc: {  	[smem:$0x3FAE] =	sst s4  }
0xd: {  	[smem:$0x3FAF] =	sst s5  }
0xe: {  	[smem:$0x3FB0] =	sst s6  }
0xf: {  	[smem:$0x3FB1] =	sst s7  }
0x10: {  	[smem:$0x3FB2] =	sst s8  }
0x11: {  	[smem:$0x3FB3] =	sst s9;
	s0 =	simm.s32 @!p0 $0x0  }
0x12: {  	s1 =	sld [smem:$0x3F99];
	s0 =	simm.s32 @p0 $0x1  }
0x13: {  	[smem:$0x3FB4] =	sst s0;
	s0 =	simm.s32 @!p1 $0x0  }
0x14: {  	s2 =	sld [smem:$0x3F98];
	s0 =	simm.s32 @p1 $0x1  }
0x15: {  	[smem:$0x3FB5] =	sst s0;
	s0 =	simm.s32 @!p2 $0x0  }
0x16: {  	s3 =	sld [smem:$0x3FDB];
	s0 =	simm.s32 @p2 $0x1  }
0x17: {  	s4 =	simm.s32 $0x1BF5;
	[smem:$0x3FB7] =	sst s0  }
0x18: {  	s0 =	sld [smem:$0x3F9A];
	_ =	swait.ge [sflag:s4], $0x0  }
0x19: {  	s7 =	sld [smem:$0x3F9B]  }
0x1a: {  	s8 =	sadd.s32 $0xFFFFE003, lr  }
0x1b: {  	s9 =	sadd.s32 $0xFFFFFEF7, lr;
	s5 =	simm.s32 $0xFFFFFFFF;
	p2 =	slt.u32 s8, $0xFFFFF086  }
0x1c: {  	p1 =	slt.u32 s9, $0xF7A;
	s5 =	simm.s32 @!p2 $0x0  }
0x1d: {  	s5 =	simm.s32 @p1 $0x1;
	p0 =	seq.s32 s7, s2  }
0x1e: {  	s7 =	smul.u32 @!p0 $0xF7A, s2;
	p2 =	seq.s32 @!p0 s5, $0x0  }
0x1f: {  	s9 =	smul.u32 $0xF7A, s1;
	s8 =	simm.s32 @!p0 $0x1BF5;
	p2 =	por !p2, p0  }
0x20: {  	[sflag:s8] =	ssyncset.s32 @!p0 $0xFFFFF086;
	s6 =	sadd.s32 @!p0 s3, s7;
	s7 =	simm.s32 @!p0 $0x108  }
0x21: {  	s3 =	sadd.s32 s3, s9;
	s6 =	sadd.s32 @!p0 $0x88, s6;
	s7 =	simm.s32 @p2 $0x1082  }
0x22: {  	[simem:s7], [sflag:s8] =	dma.local @!p0 [hbm:s6], $0xF7A  }
0x23: {  	s9 =	sor.u32 $0xD0000000, s2;
	s6 =	simm.s32 $0x108;
	_ =	swait.ge @!p0 [sflag:s8], $0x0  }
0x24: {  	s3 =	sadd.s32 $0x88, s3;
	s6 =	simm.s32 @!p1 $0x1082;
	[sflag:s4] =	ssyncset.s32 $0xFFFFF086  }
0x25: {  	[simem:s6], [sflag:s4] =	dma.local [hbm:s3], $0xF7A  }
0x26: {  	[smem:$0x3F9B] =	sst s1;
	(tag) =	ssettag s2;
	_ =	strace s9  }
0x27: {  	s1 =	sld [smem:$0x3FAB]  }
0x28: {  	s2 =	sld [smem:$0x3FAC]  }
0x29: {  	s4 =	sld [smem:$0x3FAE]  }
0x2a: {  	p0 =	seq.s32 s5, $0x0;
	s5 =	sld [smem:$0x3FAF]  }
0x2b: {  	s6 =	sld [smem:$0x3FB0]  }
0x2c: {  	s7 =	sld [smem:$0x3FB1]  }
0x2d: {  	s3 =	simm.s32 $0x108;
	s8 =	sld [smem:$0x3FB2]  }
0x2e: {  	s3 =	simm.s32 @!p0 $0x1082;
	s9 =	sld [smem:$0x3FB3]  }
0x2f: {  	lr =	sadd.s32 s0, s3;
	s0 =	sld [smem:$0x3FAA]  }
0x30: {  	s3 =	sld [smem:$0x3FAD]  }
0x31: {  	[smem:$0x3FB6] =	sst s10  }
0x32: {  	s10 =	sld [smem:$0x3FB4];
	_ =	sdelay $0x3  }
0x33: {  	p0 =	seq.s32 s10, $0x1;
	s10 =	sld [smem:$0x3FB6];
	_ =	sdelay $0x3  }
0x34: {  	[smem:$0x3FB6] =	sst s10  }
0x35: {  	s10 =	sld [smem:$0x3FB5];
	_ =	sdelay $0x3  }
0x36: {  	p1 =	seq.s32 s10, $0x1;
	s10 =	sld [smem:$0x3FB6];
	_ =	sdelay $0x3  }
0x37: {  	[smem:$0x3FB6] =	sst s10  }
0x38: {  	s10 =	sld [smem:$0x3FB7]  }
0x39: {  	_ = 	snop;
	(pc) =	sbr.ind lr, $3  }
0x3a: {  	_ = 	snop  }
0x3b: {  	_ = 	snop  }
0x3c: {  	p2 =	seq.s32 s10, $0x1;
	s10 =	sld [smem:$0x3FB6]  }
0x3d: {  	_ =	shalt  }
0x3e: {  	_ =	shalt  }
0x3f: {  	_ =	shalt  }
0x40: {  	_ =	shalt  }
0x41: {  	_ =	shalt  }
0x42: {  	_ =	shalt  }
0x43: {  	_ =	shalt  }
0x44: {  	_ =	shalt  }
0x45: {  	_ =	shalt  }
0x46: {  	_ =	shalt  }
0x47: {  	_ =	shalt  }
0x48: {  	_ =	shalt  }
0x49: {  	_ =	shalt  }
0x4a: {  	_ =	shalt  }
0x4b: {  	_ =	shalt  }
0x4c: {  	_ =	shalt  }
0x4d: {  	_ =	shalt  }
0x4e: {  	_ =	shalt  }
0x4f: {  	_ =	shalt  }
0x50: {  	_ =	shalt  }
0x51: {  	_ =	shalt  }
0x52: {  	_ =	shalt  }
0x53: {  	_ =	shalt  }
0x54: {  	_ =	shalt  }
0x55: {  	_ =	shalt  }
0x56: {  	_ =	shalt  }
0x57: {  	_ =	shalt  }
0x58: {  	_ =	shalt  }
0x59: {  	_ =	shalt  }
0x5a: {  	_ =	shalt  }
0x5b: {  	_ =	shalt  }
0x5c: {  	_ =	shalt  }
0x5d: {  	_ =	shalt  }
0x5e: {  	_ =	shalt  }
0x5f: {  	_ =	shalt  }
0x60: {  	_ =	shalt  }
0x61: {  	_ =	shalt  }
0x62: {  	_ =	shalt  }
0x63: {  	_ =	shalt  }
0x64: {  	_ =	shalt  }
0x65: {  	_ =	shalt  }
0x66: {  	_ =	shalt  }
0x67: {  	_ =	shalt  }
0x68: {  	_ =	shalt  }
0x69: {  	_ =	shalt  }
0x6a: {  	_ =	shalt  }
0x6b: {  	_ =	shalt  }
0x6c: {  	_ =	shalt  }
0x6d: {  	_ =	shalt  }
0x6e: {  	_ =	shalt  }
0x6f: {  	_ =	shalt  }
0x70: {  	_ =	shalt  }
0x71: {  	_ =	shalt  }
0x72: {  	_ =	shalt  }
0x73: {  	_ =	shalt  }
0x74: {  	_ =	shalt  }
0x75: {  	_ =	shalt  }
0x76: {  	_ =	shalt  }
0x77: {  	_ =	shalt  }
0x78: {  	_ =	shalt  }
0x79: {  	_ =	shalt  }
0x7a: {  	_ =	shalt  }
0x7b: {  	_ =	shalt  }
0x7c: {  	_ =	shalt  }
0x7d: {  	_ =	shalt  }
0x7e: {  	_ =	shalt  }
0x7f: {  	_ =	shalt  }
0x80: {  	_ =	shalt  }
0x81: {  	_ =	shalt  }
0x82: {  	_ =	shalt  }
0x83: {  	_ =	shalt  }
0x84: {  	_ =	shalt  }
0x85: {  	_ =	shalt  }
0x86: {  	_ =	shalt  }
0x87: {  	_ =	shalt  }
.Lfunc_end0:
.L_simem_size_0:
called_computation.2_lowered:
.L_overlay_start_0:
0x88: {  	s2 =	sld [smem:$0x3FD9]  }
0x89: {  	s3 =	sld [smem:$0x3FFE];
	_ =	sdelay $0x1  }
0x8a: {  	s1 =	srdreg.scid  }
0x8b: {  	s0 =	sand.u32 $0x1, s1  }
0x8c: {  	s16 =	sshll.u32 s0, $0xA;
	s2 =	sadd.s32 s3, s2  }
0x8d: {  	s2 =	sadd.s32 s2, s16  }
0x8e: {  	[smem:$0x3FC2] =	sst s2  }
0x8f: {  	_ = 	snop  }
0x90: {  	(tm) =	ssettm $0x1  }
0x91: {  	s17 =	sld [smem:$0x3FFB];
	_ =	sdelay $0x3  }
0x92: {  	_ =	strace s17  }
0x93: {  	s2 =	sld [smem:$0x3FFC];
	_ =	sdelay $0x3  }
0x94: {  	_ =	strace s2  }
0x95: {  	s2 =	sld [smem:$0x3FFD];
	_ =	sdelay $0x3  }
0x96: {  	_ =	strace s2  }
0x97: {  	_ =	strace $0x8FFFFFFF  }
0x98: {  	s18 =	sld [smem:$0x3FDB];
	_ =	sdelay $0x1  }
0x99: {  	s19 =	simm.s32 $_scs_section_size  }
0x9a: {  	s4 =	simm.s32 $_size__tile_overlayer_lowered;
	s5 =	simm.s32 $_tile_overlayer_lowered  }
0x9b: {  	s22 =	simm.s32 $0x1BFF;
	s21 =	sshll.u32 s5, $0x1;
	s2 =	sadd.s32 s19, s18  }
0x9c: {  	s6 =	simm.s32 $0x0;
	s20 =	sshll.u32 s4, $0x1;
	s4 =	sadd.s32 s21, s2  }
0x9d: {  	[timem:s6], [sflag:s22] =	dma.local [hbm:s4], s20  }
0x9e: {  	_ =	swait.ge [sflag:s22], s20  }
0x9f: {  	s3 =	ssub.s32 $0x0, s20;
	[sflag:s22] =	ssyncset.done $0x0  }
0xa0: {  	[sflag:s22] =	ssyncadd.s32 s3;
	_ =	sdelay $0x1  }
0xa1: {  	s23 =	simm.s32 $0x1B8B  }
0xa2: {  	_ =	swait.ge [sflag:s23], $0x1  }
0xa3: {  	[sflag:s23] =	ssyncset.done $0x0  }
0xa4: {  	s25 =	simm.s32 $0x1B8E;
	s24 =	sld [smem:$0x3FFE];
	[sflag:s23] =	ssyncadd.s32 $0xFFFFFFFF  }
0xa5: {  	s26 =	simm.s32 $execute0_lowered;
	[smem:$0x3FD2] =	sst s25  }
0xa6: {  	s4 =	sshll.u32 s26, $0x1;
	_ =	strace $0x8000004C;
	[dreg:$0x1] =	wrdreg $0xFFFFFFFF  }
0xa7: {  	s28 =	simm.s32 $_size_execute0_lowered;
	s2 =	sadd.s32 s2, s4;
	[dreg:$0x0] =	wrdreg $0x0  }
0xa8: {  	s4 =	sshll.u32 s28, $0x1;
	[dreg:$0x2] =	wrdreg s2  }
0xa9: {  	[dreg:$0x3] =	wrdreg s4  }
0xaa: {  	[dreg:$0x4] =	wrdreg $0xC0  }
0xab: {  	_ =	task [dreg:s6], $0x5FFFF  }
0xac: {  	[dreg:$0x1] =	wrdreg $0xFFFFFFFF  }
0xad: {  	[dreg:$0x0] =	wrdreg $0x60  }
0xae: {  	[dreg:$0x2] =	wrdreg s24  }
0xaf: {  	[dreg:$0x3] =	wrdreg $0xA9000  }
0xb0: {  	[dreg:$0x4] =	wrdreg $0x9  }
0xb1: {  	_ =	task.clear_ibuf [dreg:s6], $0x5FFFF;
	_ =	strace $0x9000004C  }
0xb2: {  	s29 =	simm.s32 $0x9;
	_ =	strace $0x8000004E  }
0xb3: {  	_ =	swait.ge [sflag:s29], $0x1  }
0xb4: {  	[sflag:s29] =	ssyncadd.s32 $0xFFFFFFFF  }
0xb5: {  	_ =	strace $0x9000004E  }
0xb6: {  	_ =	sfence  }
0xb7: {  	s30 =	sld [smem:$0x0];
	_ =	sdelay $0x2  }
0xb8: {  	s31 =	sshll.u32 s1, $0xD;
	s1 =	sshrl.u32 s1, $0x2  }
0xb9: {  	s3 =	sand.u32 $0x4000, s31;
	s1 =	sadd.s32 s1, s30  }
0xba: {  	s0 =	sor.u32 s3, s0;
	s1 =	sshll.u32 s1, $0x11  }
0xbb: {  	s0 =	sor.u32 s1, s0  }
0xbc: {  	s0 =	sadd.s32 $0x8F2B, s0  }
0xbd: {  	[sflag:s0] =	ssyncadd.remote.s32 $0x1  }
0xbe: {  	_ =	sfence.sel $0xFFFF  }
0xbf: {  	[dreg:$0x0] =	wrdreg $0xFFFFFFFF;
	(pc) =	sbr.abs _section_cstart, $3  }
0xc0: {  	[dreg:$0x1] =	wrdreg $0xFFFFFFFF  }
0xc1: {  	_ =	task.clear_ibuf [dreg:s6], $0x2FFFF;
	_ =	strace $0x9FFFFFFF  }
0xc2: {  	(tm) =	ssettm $0x7FFFFFFF  }
0xc3: {  	_ =	shalt  }
tec
execute0_lowered:
.L_overlay_start_1:
0x0: {  	(tag) =	ssettag $0x1  }
0x1: {  	s0 =	srdreg.scid  }
0x2: {  	s1 =	rddreg [dreg:$0x0];
	s7 =	stileid.u32  }
0x3: {  	s2 =	rddreg [dreg:$0x1];
	s28 =	simm.s32 $0x2800;
	s29 =	simm.s32 $0x80  }
0x4: {  	s30 =	simm.s32 $0x2880;
	s31 =	simm.s32 $0x1;
	s0 =	sand.u32 $0x1, s0  }
0x5: {  	s5 =	sadd.s32 $0x67E00, s1;
	s11 =	smul.u32 $0x50000, s7;
	s6 =	sadd.s32 $0x5DE00, s1  }
0x6: {  	s15 =	smul.u32 $0x14000, s7;
	s3 =	sshll.u32 s0, $0x4;
	s10 =	ssub.s32 $0x2, s0  }
0x7: {  	s0 =	smul.u32 $0x140000, s0;
	s4 =	sor.u32 s7, s3;
	s3 =	simm.s32 $0x0  }
0x8: {  	s12 =	sshrl.u32 s10, $0x1;
	s7 =	sadd.s32 $0x2E00, s1;
	s23 =	sshrl.u32 s11, $0x2  }
0x9: {  	s17 =	sadd.s32 $0x4000, s15;
	s18 =	sadd.s32 $0x8000, s15;
	s19 =	sadd.s32 $0xC000, s15  }
0xa: {  	s20 =	sadd.s32 $0x10000, s15;
	s4 =	smul.u32 $0x2800, s4;
	[smem:$0x7FF] =	sst s3  }
0xb: {  	s16 =	ssub.s32 s10, s12;
	s10 =	sadd.s32 s17, s2;
	s11 =	sadd.s32 s18, s2  }
0xc: {  	s12 =	sadd.s32 s19, s2;
	s13 =	sadd.s32 s20, s2;
	s24 =	sadd.s32 s15, s0  }
0xd: {  	s25 =	sadd.s32 s0, s17;
	s22 =	sadd.s32 s0, s18;
	_ =	strace $0x8000004D  }
0xe: {  	s15 =	sshrl.u32 s25, $0x3;
	s25 =	smax.u32 s16, $0x1;
	s8 =	sshrl.u32 s4, $0x3  }
0xf: {  	s16 =	simm.s32 $0x0;
	[dreg:$0xa] =	wrdreg s25;
	s9 =	sadd.s32 s8, s1  }
0x10: {  	s1 =	sadd.s32 $0x8FE00, s1;
	s14 =	sadd.s32 s6, s8;
	s9 =	sadd.s32 $0x53E00, s9  }
0x11: {  	s8 =	sshrl.u32 s24, $0x3;
	s26 =	sadd.s32 $0x10, s14;
	[dreg:$0x3] =	wrdreg s9  }
0x12: {  	s25 =	simm.s32 $0x2900;
	s8 =	sadd.s32 s1, s8;
	[dreg:$0x4] =	wrdreg s26  }
0x13: {  	s21 =	sadd.s32 s1, s15;
	s15 =	simm.s32 $0x2780;
	[dreg:$0x5] =	wrdreg s8  }
0x14: {  	s9 =	sadd.s32 s23, s2;
	[dreg:$0x6] =	wrdreg s21;
	s8 =	sshrl.u32 s22, $0x3  }
0x15: {  	s23 =	sadd.s32 s0, s19;
	s0 =	sadd.s32 s0, s20;
	s22 =	sadd.s32 $0x4F0, s14  }
0x16: {  	s26 =	sadd.s32 $0x4E0, s14;
	s8 =	sadd.s32 s1, s8;
	s24 =	sshrl.u32 s23, $0x3  }
0x17: {  	s0 =	sshrl.u32 s0, $0x3;
	[dreg:$0xb] =	wrdreg s26;
	s26 =	simm.s32 $0x6900  }
0x18: {  	[dreg:$0x7] =	wrdreg s8;
	s8 =	sadd.s32 s1, s24;
	s0 =	sadd.s32 s1, s0  }
0x19: {  	s24 =	simm.s32 $0x5;
	s1 =	simm.s32 $0x3;
	[dreg:$0x8] =	wrdreg s8  }
0x1a: {  	[dreg:$0x9] =	wrdreg s0;
	s0 =	simm.s32 $0x2;
	s8 =	simm.s32 $0x4  }
.LBB2_1:
0x1b: {  	s17 =	rddreg [dreg:$0x3]  }
0x1c: {  	[tilespmem:s3], [sflag:$0x5] =	stream.linear.gather [hbm4b:s17+s3], $0x2800, $0x38;
	[tilespmem:$0x1E900] =	vst v63  }
0x1d: {  	_ =	swait.ge [sflag:s24], $0x2800  }
0x1e: {  	[sflag:s24] =	ssyncset.done $0x0  }
0x1f: {  	[sflag:s24] =	ssyncadd.s32 $0xFFFFD800  }
0x20: {  	[tilespmem:s25], [sflag:$0x5] =	stream.linear.gather [hbm4b:s7+s3], $0x4000, $0x38;
	[tilespmem:$0x1E900] =	vst v63  }
0x21: {  	_ =	swait.ge [sflag:s24], $0x4000  }
0x22: {  	[sflag:s24] =	ssyncset.done $0x0  }
0x23: {  	[sflag:s24] =	ssyncadd.s32 $0xFFFFC000  }
0x24: {  	[tilespmem:s26], [sflag:$0x5] =	stream.linear.gather [hbm4b:s7+s3], $0x4000, $0x38;
	[tilespmem:$0x1E900] =	vst v63  }
0x25: {  	_ =	swait.ge [sflag:s24], $0x4000  }
0x26: {  	[sflag:s24] =	ssyncset.done $0x0  }
0x27: {  	[sflag:s24] =	ssyncadd.s32 $0xFFFFC000  }
0x28: {  	[spmem:s9] =	stream.linear.scatter [tilespmem:s25], [sflag:$0x5], $0x4000, $0x38;
	[tilespmem:$0x1E900] =	vst v63  }
0x29: {  	_ =	swait.ge [sflag:s24], $0x4000  }
0x2a: {  	[sflag:s24] =	ssyncset.done $0x0  }
0x2b: {  	[sflag:s24] =	ssyncadd.s32 $0xFFFFC000  }
0x2c: {  	[spmem:s10] =	stream.linear.scatter [tilespmem:s26], [sflag:$0x5], $0x4000, $0x38;
	[tilespmem:$0x1E900] =	vst v63  }
0x2d: {  	_ =	swait.ge [sflag:s24], $0x4000  }
0x2e: {  	[sflag:s24] =	ssyncset.done $0x0  }
0x2f: {  	[sflag:s24] =	ssyncadd.s32 $0xFFFFC000  }
0x30: {  	[spmem:s11] =	stream.linear.scatter [tilespmem:s25], [sflag:$0x5], $0x4000, $0x38;
	[tilespmem:$0x1E900] =	vst v63  }
0x31: {  	_ =	swait.ge [sflag:s24], $0x4000  }
0x32: {  	[sflag:s24] =	ssyncset.done $0x0  }
0x33: {  	[sflag:s24] =	ssyncadd.s32 $0xFFFFC000  }
0x34: {  	[spmem:s12] =	stream.linear.scatter [tilespmem:s26], [sflag:$0x5], $0x4000, $0x38;
	[tilespmem:$0x1E900] =	vst v63  }
0x35: {  	_ =	swait.ge [sflag:s24], $0x4000  }
0x36: {  	[sflag:s24] =	ssyncset.done $0x0  }
0x37: {  	[sflag:s24] =	ssyncadd.s32 $0xFFFFC000  }
0x38: {  	[spmem:s13] =	stream.linear.scatter [tilespmem:s25], [sflag:$0x5], $0x4000, $0x38;
	[tilespmem:$0x1E900] =	vst v63  }
0x39: {  	_ =	swait.ge [sflag:s24], $0x4000  }
0x3a: {  	[sflag:s24] =	ssyncset.done $0x0  }
0x3b: {  	[sflag:s24] =	ssyncadd.s32 $0xFFFFC000  }
0x3c: {  	[bflag:$0x0] =	sbarrier.arrive $0xFFFF  }
0x3d: {  	[tilespmem:s28], [sflag:$0x3] =	stream.linear.gather [hbm4b:s14+s3], $0x80, $0x38;
	[tilespmem:$0x1E900] =	vst v63  }
0x3e: {  	_ = 	snop  }
0x3f: {  	[tilespmem:s25], [sflag:$0x1] =	stream.indirect.gather [hbm4b:s5+s29], $0x80, s3, s29, $0xb8;
	[tilespmem:$0x1E900] =	vst v63  }
0x40: {  	s19 =	rddreg [dreg:$0x4]  }
0x41: {  	[tilespmem:s30], [sflag:$0x4] =	stream.linear.gather [hbm4b:s19+s3], $0x80, $0x38;
	[tilespmem:$0x1E900] =	vst v63  }
0x42: {  	_ = 	snop  }
0x43: {  	[tilespmem:s26], [sflag:$0x2] =	stream.indirect.gather [hbm4b:s5+s29], $0x80, s29, s29, $0xb8;
	[tilespmem:$0x1E900] =	vst v63  }
0x44: {  	_ =	swait.ge [sflag:s31], $0x4000  }
0x45: {  	[sflag:s31] =	ssyncset.done $0x0  }
0x46: {  	[sflag:s31] =	ssyncadd.s32 $0xFFFFC000  }
0x47: {  	s20 =	simm.s32 $0x100;
	_ =	swait.ge [sflag:s1], $0x80  }
0x48: {  	s18 =	sand.u32 $0x7C00, s20;
	[sflag:s1] =	ssyncset.done $0x0  }
0x49: {  	s17 =	sand.u32 $0x300, s20;
	s18 =	sadd.s32 s4, s18;
	[sflag:s1] =	ssyncadd.s32 $0xFFFFFF80  }
0x4a: {  	[spmem:s2] =	stream.indirect.scatter.add.f32 [tilespmem:s25], [sflag:$0x5], $0x80, s28, s29, $0xb8;
	[tilespmem:$0x1E900] =	vst v63  }
0x4b: {  	s17 =	sor.u32 s17, s18;
	_ =	swait.ge [sflag:s24], $0x4000  }
0x4c: {  	s17 =	sshrl.u32 s17, $0x3;
	[sflag:s24] =	ssyncset.done $0x0  }
0x4d: {  	s17 =	sadd.s32 s6, s17;
	[sflag:s24] =	ssyncadd.s32 $0xFFFFC000  }
0x4e: {  	[tilespmem:s28], [sflag:$0x3] =	stream.linear.gather [hbm4b:s17+s3], $0x80, $0x38;
	[tilespmem:$0x1E900] =	vst v63  }
0x4f: {  	s21 =	simm.s32 $0x100  }
0x50: {  	[tilespmem:s25], [sflag:$0x1] =	stream.indirect.gather [hbm4b:s5+s29], $0x80, s21, s29, $0xb8;
	[tilespmem:$0x1E900] =	vst v63  }
0x51: {  	_ =	swait.ge [sflag:s0], $0x4000  }
0x52: {  	[sflag:s0] =	ssyncset.done $0x0  }
0x53: {  	[sflag:s0] =	ssyncadd.s32 $0xFFFFC000  }
0x54: {  	s17 =	simm.s32 $0x180;
	_ =	swait.ge [sflag:s8], $0x80  }
0x55: {  	s23 =	sand.u32 $0x7C00, s17;
	[sflag:s8] =	ssyncset.done $0x0  }
0x56: {  	s19 =	sand.u32 $0x380, s17;
	s18 =	sadd.s32 s4, s23;
	[sflag:s8] =	ssyncadd.s32 $0xFFFFFF80  }
0x57: {  	[spmem:s2] =	stream.indirect.scatter.add.f32 [tilespmem:s26], [sflag:$0x5], $0x80, s30, s29, $0xb8;
	[tilespmem:$0x1E900] =	vst v63  }
0x58: {  	s18 =	sor.u32 s19, s18;
	_ =	swait.ge [sflag:s24], $0x4000  }
0x59: {  	s18 =	sshrl.u32 s18, $0x3;
	[sflag:s24] =	ssyncset.done $0x0  }
0x5a: {  	s18 =	sadd.s32 s6, s18;
	[sflag:s24] =	ssyncadd.s32 $0xFFFFC000  }
0x5b: {  	[tilespmem:s30], [sflag:$0x4] =	stream.linear.gather [hbm4b:s18+s3], $0x80, $0x38;
	[tilespmem:$0x1E900] =	vst v63  }
0x5c: {  	s19 =	simm.s32 $0x180;
	s18 =	simm.s32 $0x280  }
.LBB2_2:
0x5d: {  	p0 =	sne.s32 s18, $0x2680  }
0x5e: {  	s17 =	sadd.s32 $0x100, s17;
	s20 =	smov.u32 s18;
	s18 =	sadd.s32 $0x100, s18  }
0x5f: {  	[tilespmem:s26], [sflag:$0x2] =	stream.indirect.gather [hbm4b:s5+s29], $0x80, s19, s29, $0xb8;
	[tilespmem:$0x1E900] =	vst v63  }
0x60: {  	s19 =	smov.u32 s17;
	_ =	swait.ge [sflag:s31], $0x4000  }
0x61: {  	[sflag:s31] =	ssyncset.done $0x0  }
0x62: {  	[sflag:s31] =	ssyncadd.s32 $0xFFFFC000  }
0x63: {  	_ =	swait.ge [sflag:s1], $0x80  }
0x64: {  	s21 =	sadd.s32 $0xFFFFFF80, s20;
	[sflag:s1] =	ssyncset.done $0x0  }
0x65: {  	s23 =	sand.u32 $0x7C00, s21;
	s21 =	sand.u32 $0x300, s21;
	[sflag:s1] =	ssyncadd.s32 $0xFFFFFF80  }
0x66: {  	[spmem:s2] =	stream.indirect.scatter.add.f32 [tilespmem:s25], [sflag:$0x5], $0x80, s28, s29, $0xb8;
	[tilespmem:$0x1E900] =	vst v63  }
0x67: {  	s23 =	sadd.s32 s4, s23;
	_ =	swait.ge [sflag:s24], $0x4000  }
0x68: {  	s21 =	sor.u32 s21, s23;
	[sflag:s24] =	ssyncset.done $0x0  }
0x69: {  	s21 =	sshrl.u32 s21, $0x3;
	[sflag:s24] =	ssyncadd.s32 $0xFFFFC000  }
0x6a: {  	s23 =	sadd.s32 $0xFFFFFF80, s17;
	s21 =	sadd.s32 s6, s21  }
0x6b: {  	[tilespmem:s28], [sflag:$0x3] =	stream.linear.gather [hbm4b:s21+s3], $0x80, $0x38;
	[tilespmem:$0x1E900] =	vst v63  }
0x6c: {  	_ = 	snop  }
0x6d: {  	[tilespmem:s25], [sflag:$0x1] =	stream.indirect.gather [hbm4b:s5+s29], $0x80, s23, s29, $0xb8;
	[tilespmem:$0x1E900] =	vst v63  }
0x6e: {  	_ =	swait.ge [sflag:s0], $0x4000  }
0x6f: {  	[sflag:s0] =	ssyncset.done $0x0  }
0x70: {  	[sflag:s0] =	ssyncadd.s32 $0xFFFFC000  }
0x71: {  	_ =	swait.ge [sflag:s8], $0x80  }
0x72: {  	s21 =	sand.u32 $0x7C00, s20;
	[sflag:s8] =	ssyncset.done $0x0  }
0x73: {  	s20 =	sand.u32 $0x380, s20;
	s21 =	sadd.s32 s4, s21;
	[sflag:s8] =	ssyncadd.s32 $0xFFFFFF80  }
0x74: {  	[spmem:s2] =	stream.indirect.scatter.add.f32 [tilespmem:s26], [sflag:$0x5], $0x80, s30, s29, $0xb8;
	[tilespmem:$0x1E900] =	vst v63  }
.Ltmp0:
0x75: {  	_ = 	snop;
	(pc) =	sbr.rel @p0 .LBB2_2-.Ltmp0, $4  }
0x76: {  	s20 =	sor.u32 s20, s21;
	_ =	swait.ge [sflag:s24], $0x4000  }
0x77: {  	s20 =	sshrl.u32 s20, $0x3;
	[sflag:s24] =	ssyncset.done $0x0  }
0x78: {  	s20 =	sadd.s32 s6, s20;
	[sflag:s24] =	ssyncadd.s32 $0xFFFFC000  }
0x79: {  	[tilespmem:s30], [sflag:$0x4] =	stream.linear.gather [hbm4b:s20+s3], $0x80, $0x38;
	[tilespmem:$0x1E900] =	vst v63  }
0x7a: {  	[tilespmem:s26], [sflag:$0x2] =	stream.indirect.gather [hbm4b:s5+s29], $0x80, s19, s29, $0xb8;
	[tilespmem:$0x1E900] =	vst v63  }
0x7b: {  	_ =	swait.ge [sflag:s31], $0x4000  }
0x7c: {  	[sflag:s31] =	ssyncset.done $0x0  }
0x7d: {  	[sflag:s31] =	ssyncadd.s32 $0xFFFFC000  }
0x7e: {  	_ =	swait.ge [sflag:s1], $0x80  }
0x7f: {  	[sflag:s1] =	ssyncset.done $0x0  }
0x80: {  	[sflag:s1] =	ssyncadd.s32 $0xFFFFFF80  }
0x81: {  	[spmem:s2] =	stream.indirect.scatter.add.f32 [tilespmem:s25], [sflag:$0x5], $0x80, s28, s29, $0xb8;
	[tilespmem:$0x1E900] =	vst v63  }
0x82: {  	_ =	swait.ge [sflag:s24], $0x4000  }
0x83: {  	[sflag:s24] =	ssyncset.done $0x0  }
0x84: {  	s17 =	rddreg [dreg:$0xb];
	[sflag:s24] =	ssyncadd.s32 $0xFFFFC000  }
0x85: {  	[tilespmem:s28], [sflag:$0x3] =	stream.linear.gather [hbm4b:s17+s3], $0x80, $0x38;
	[tilespmem:$0x1E900] =	vst v63  }
0x86: {  	s21 =	simm.s32 $0x2700  }
0x87: {  	[tilespmem:s25], [sflag:$0x1] =	stream.indirect.gather [hbm4b:s5+s29], $0x80, s21, s29, $0xb8;
	[tilespmem:$0x1E900] =	vst v63  }
0x88: {  	_ =	swait.ge [sflag:s0], $0x4000  }
0x89: {  	[sflag:s0] =	ssyncset.done $0x0  }
0x8a: {  	[sflag:s0] =	ssyncadd.s32 $0xFFFFC000  }
0x8b: {  	_ =	swait.ge [sflag:s8], $0x80  }
0x8c: {  	[sflag:s8] =	ssyncset.done $0x0  }
0x8d: {  	[sflag:s8] =	ssyncadd.s32 $0xFFFFFF80  }
0x8e: {  	[spmem:s2] =	stream.indirect.scatter.add.f32 [tilespmem:s26], [sflag:$0x5], $0x80, s30, s29, $0xb8;
	[tilespmem:$0x1E900] =	vst v63  }
0x8f: {  	_ =	swait.ge [sflag:s24], $0x4000  }
0x90: {  	[sflag:s24] =	ssyncset.done $0x0  }
0x91: {  	[sflag:s24] =	ssyncadd.s32 $0xFFFFC000  }
0x92: {  	[tilespmem:s30], [sflag:$0x4] =	stream.linear.gather [hbm4b:s22+s3], $0x80, $0x38;
	[tilespmem:$0x1E900] =	vst v63  }
0x93: {  	_ = 	snop  }
0x94: {  	[tilespmem:s26], [sflag:$0x2] =	stream.indirect.gather [hbm4b:s5+s29], $0x80, s15, s29, $0xb8;
	[tilespmem:$0x1E900] =	vst v63  }
0x95: {  	_ =	swait.ge [sflag:s31], $0x4000  }
0x96: {  	[sflag:s31] =	ssyncset.done $0x0  }
0x97: {  	[sflag:s31] =	ssyncadd.s32 $0xFFFFC000  }
0x98: {  	_ =	swait.ge [sflag:s1], $0x80  }
0x99: {  	[sflag:s1] =	ssyncset.done $0x0  }
0x9a: {  	[sflag:s1] =	ssyncadd.s32 $0xFFFFFF80  }
0x9b: {  	[spmem:s2] =	stream.indirect.scatter.add.f32 [tilespmem:s25], [sflag:$0x5], $0x80, s28, s29, $0xb8;
	[tilespmem:$0x1E900] =	vst v63  }
0x9c: {  	_ =	swait.ge [sflag:s24], $0x4000  }
0x9d: {  	[sflag:s24] =	ssyncset.done $0x0  }
0x9e: {  	[sflag:s24] =	ssyncadd.s32 $0xFFFFC000  }
0x9f: {  	[tilespmem:s28], [sflag:$0x3] =	stream.linear.gather [hbm4b:s22+s3], $0x80, $0x38;
	[tilespmem:$0x1E900] =	vst v63  }
0xa0: {  	_ = 	snop  }
0xa1: {  	[tilespmem:s25], [sflag:$0x1] =	stream.indirect.gather [hbm4b:s5+s29], $0x80, s15, s29, $0xb8;
	[tilespmem:$0x1E900] =	vst v63  }
0xa2: {  	_ =	swait.ge [sflag:s0], $0x4000  }
0xa3: {  	[sflag:s0] =	ssyncset.done $0x0  }
0xa4: {  	[sflag:s0] =	ssyncadd.s32 $0xFFFFC000  }
0xa5: {  	_ =	swait.ge [sflag:s8], $0x80  }
0xa6: {  	[sflag:s8] =	ssyncset.done $0x0  }
0xa7: {  	[sflag:s8] =	ssyncadd.s32 $0xFFFFFF80  }
0xa8: {  	[spmem:s2] =	stream.indirect.scatter.add.f32 [tilespmem:s26], [sflag:$0x5], $0x80, s30, s29, $0xb8;
	[tilespmem:$0x1E900] =	vst v63  }
0xa9: {  	_ =	swait.ge [sflag:s24], $0x4000  }
0xaa: {  	[sflag:s24] =	ssyncset.done $0x0  }
0xab: {  	[sflag:s24] =	ssyncadd.s32 $0xFFFFC000  }
0xac: {  	[tilespmem:s30], [sflag:$0x4] =	stream.linear.gather [hbm4b:s22+s3], $0x80, $0x38;
	[tilespmem:$0x1E900] =	vst v63  }
0xad: {  	_ = 	snop  }
0xae: {  	[tilespmem:s26], [sflag:$0x2] =	stream.indirect.gather [hbm4b:s5+s29], $0x80, s15, s29, $0xb8;
	[tilespmem:$0x1E900] =	vst v63  }
0xaf: {  	_ =	swait.ge [sflag:s31], $0x4000  }
0xb0: {  	[sflag:s31] =	ssyncset.done $0x0  }
0xb1: {  	[sflag:s31] =	ssyncadd.s32 $0xFFFFC000  }
0xb2: {  	_ =	swait.ge [sflag:s1], $0x80  }
0xb3: {  	[sflag:s1] =	ssyncset.done $0x0  }
0xb4: {  	[sflag:s1] =	ssyncadd.s32 $0xFFFFFF80  }
0xb5: {  	_ =	swait.ge [sflag:s0], $0x4000  }
0xb6: {  	[sflag:s0] =	ssyncset.done $0x0  }
0xb7: {  	[sflag:s0] =	ssyncadd.s32 $0xFFFFC000  }
0xb8: {  	_ =	swait.ge [sflag:s8], $0x80  }
0xb9: {  	[sflag:s8] =	ssyncset.done $0x0  }
0xba: {  	[sflag:s8] =	ssyncadd.s32 $0xFFFFFF80  }
0xbb: {  	[bflag:$0x0] =	sbarrier.arrive $0xFFFF  }
0xbc: {  	[tilespmem:s25], [sflag:$0x5] =	stream.linear.gather [spmem:s9], $0x4000, $0x38;
	[tilespmem:$0x1E900] =	vst v63  }
0xbd: {  	_ =	swait.ge [sflag:s24], $0x4000  }
0xbe: {  	[sflag:s24] =	ssyncset.done $0x0  }
0xbf: {  	s23 =	rddreg [dreg:$0x5];
	[sflag:s24] =	ssyncadd.s32 $0xFFFFC000  }
0xc0: {  	[hbm4b:s23+s3] =	stream.linear.scatter [tilespmem:s25], [sflag:$0x5], $0x4000, $0x38;
	[tilespmem:$0x1E900] =	vst v63  }
0xc1: {  	_ =	swait.ge [sflag:s24], $0x4000  }
0xc2: {  	[sflag:s24] =	ssyncset.done $0x0  }
0xc3: {  	[sflag:s24] =	ssyncadd.s32 $0xFFFFC000  }
0xc4: {  	[tilespmem:s26], [sflag:$0x5] =	stream.linear.gather [spmem:s10], $0x4000, $0x38;
	[tilespmem:$0x1E900] =	vst v63  }
0xc5: {  	_ =	swait.ge [sflag:s24], $0x4000  }
0xc6: {  	[sflag:s24] =	ssyncset.done $0x0  }
0xc7: {  	s18 =	rddreg [dreg:$0x6];
	[sflag:s24] =	ssyncadd.s32 $0xFFFFC000  }
0xc8: {  	[hbm4b:s18+s3] =	stream.linear.scatter [tilespmem:s26], [sflag:$0x5], $0x4000, $0x38;
	[tilespmem:$0x1E900] =	vst v63  }
0xc9: {  	_ =	swait.ge [sflag:s24], $0x4000  }
0xca: {  	[sflag:s24] =	ssyncset.done $0x0  }
0xcb: {  	[sflag:s24] =	ssyncadd.s32 $0xFFFFC000  }
0xcc: {  	[tilespmem:s25], [sflag:$0x5] =	stream.linear.gather [spmem:s11], $0x4000, $0x38;
	[tilespmem:$0x1E900] =	vst v63  }
0xcd: {  	_ =	swait.ge [sflag:s24], $0x4000  }
0xce: {  	[sflag:s24] =	ssyncset.done $0x0  }
0xcf: {  	s19 =	rddreg [dreg:$0x7];
	[sflag:s24] =	ssyncadd.s32 $0xFFFFC000  }
0xd0: {  	[hbm4b:s19+s3] =	stream.linear.scatter [tilespmem:s25], [sflag:$0x5], $0x4000, $0x38;
	[tilespmem:$0x1E900] =	vst v63  }
0xd1: {  	_ =	swait.ge [sflag:s24], $0x4000  }
0xd2: {  	[sflag:s24] =	ssyncset.done $0x0  }
0xd3: {  	[sflag:s24] =	ssyncadd.s32 $0xFFFFC000  }
0xd4: {  	[tilespmem:s26], [sflag:$0x5] =	stream.linear.gather [spmem:s12], $0x4000, $0x38;
	[tilespmem:$0x1E900] =	vst v63  }
0xd5: {  	_ =	swait.ge [sflag:s24], $0x4000  }
0xd6: {  	[sflag:s24] =	ssyncset.done $0x0  }
0xd7: {  	s20 =	rddreg [dreg:$0x8];
	[sflag:s24] =	ssyncadd.s32 $0xFFFFC000  }
0xd8: {  	[hbm4b:s20+s3] =	stream.linear.scatter [tilespmem:s26], [sflag:$0x5], $0x4000, $0x38;
	[tilespmem:$0x1E900] =	vst v63  }
0xd9: {  	_ =	swait.ge [sflag:s24], $0x4000  }
0xda: {  	[sflag:s24] =	ssyncset.done $0x0  }
0xdb: {  	[sflag:s24] =	ssyncadd.s32 $0xFFFFC000  }
0xdc: {  	[tilespmem:s25], [sflag:$0x5] =	stream.linear.gather [spmem:s13], $0x4000, $0x38;
	[tilespmem:$0x1E900] =	vst v63  }
0xdd: {  	_ =	swait.ge [sflag:s24], $0x4000  }
0xde: {  	[sflag:s24] =	ssyncset.done $0x0  }
0xdf: {  	s21 =	rddreg [dreg:$0x9];
	[sflag:s24] =	ssyncadd.s32 $0xFFFFC000  }
0xe0: {  	[hbm4b:s21+s3] =	stream.linear.scatter [tilespmem:s25], [sflag:$0x5], $0x4000, $0x38;
	[tilespmem:$0x1E900] =	vst v63  }
0xe1: {  	_ =	swait.ge [sflag:s24], $0x4000  }
0xe2: {  	s16 =	sadd.s32 $0x1, s16;
	s23 =	rddreg [dreg:$0xa]  }
0xe3: {  	p0 =	sne.s32 s16, s23  }
.Ltmp1:
0xe4: {  	_ = 	snop;
	(pc) =	sbr.rel @p0 .LBB2_1-.Ltmp1, $3  }
0xe5: {  	_ =	sdelay $0x1  }
0xe6: {  	[sflag:s24] =	ssyncset.done $0x0  }
0xe7: {  	[sflag:s24] =	ssyncadd.s32 $0xFFFFC000  }
0xe8: {  	_ =	sfence.sel $0x180000  }
0xe9: {  	[bflag:$0x0] =	sbarrier.arrive $0xFFFF  }
0xea: {  	_ =	strace $0x9000004D  }
0xeb: {  	s0 =	stileid.u32;
	[bflag:$0x2] =	sbarrier.arrive $0xFFFF  }
0xec: {  	p0 =	sne.s32 s0, $0x0;
	s0 =	rddreg [dreg:$0x2]  }
0xed: {  	s0 =	sadd.s32 @!p0 $0x100000, s0  }
0xee: {  	[sflag:s0] =	ssyncadd.tile.s32 @!p0 $0x1;
	_ =	shalt  }
.Lfunc_end2:
_tile_overlayer_lowered:
.L_overlay_start_2:
0xef: {  	(tag) =	ssettag $0x2  }
0xf0: {  	s0 =	rddreg [dreg:$0x0];
	s2 =	stileid.u32  }
0xf1: {  	s1 =	rddreg [dreg:$0x1];
	p0 =	sne.s32 s2, $0x0  }
0xf2: {  	s3 =	rddreg [dreg:$0x2];
	[bflag:$0x3] =	sbarrier.arrive $0xFFFF;
	s2 =	simm.s32 @!p0 $0x1C05  }
0xf3: {  	[timem:s3], [sflag:s2] =	dma.local @!p0 [hbm:s0], s1  }
0xf4: {  	s0 =	simm.s32 @!p0 $0x5  }
0xf5: {  	_ =	swait.ge @!p0 [sflag:s0], s1  }
0xf6: {  	s1 =	ssub.s32 @!p0 $0x0, s1;
	[sflag:s0] =	ssyncset.done @!p0 $0x0  }
0xf7: {  	[sflag:s0] =	ssyncadd.s32 @!p0 s1  }
0xf8: {  	[bflag:$0x3] =	sbarrier.arrive $0xFFFF  }
0xf9: {  	_ =	shalt  }

// kernel: kernel.8.cloned.1.call-start
scs
__scs_entry_jumppad:
0x0: {  	(pc) =	sbr.rel $0x88, $3  }
0x1: {  	(tag) =	ssettag $0x0;
	lr =	simm.s32 $0x1  }
0x2: {  	[smem:$0x3F9B] =	sst lr;
	_ =	strace $0xD0000000  }
0x3: {  	_ = 	snop  }
0x4: {  	_ = 	snop  }
0x5: {  	_ = 	snop  }
0x6: {  	_ = 	snop  }
0x7: {  	_ = 	snop  }
__scs_overlays_trampoline_lowered:
0x8: {  	[smem:$0x3FAA] =	sst s0  }
0x9: {  	[smem:$0x3FAB] =	sst s1  }
0xa: {  	[smem:$0x3FAC] =	sst s2  }
0xb: {  	[smem:$0x3FAD] =	sst s3  }
0xc: {  	[smem:$0x3FAE] =	sst s4  }
0xd: {  	[smem:$0x3FAF] =	sst s5  }
0xe: {  	[smem:$0x3FB0] =	sst s6  }
0xf: {  	[smem:$0x3FB1] =	sst s7  }
0x10: {  	[smem:$0x3FB2] =	sst s8  }
0x11: {  	[smem:$0x3FB3] =	sst s9;
	s0 =	simm.s32 @!p0 $0x0  }
0x12: {  	s1 =	sld [smem:$0x3F99];
	s0 =	simm.s32 @p0 $0x1  }
0x13: {  	[smem:$0x3FB4] =	sst s0;
	s0 =	simm.s32 @!p1 $0x0  }
0x14: {  	s2 =	sld [smem:$0x3F98];
	s0 =	simm.s32 @p1 $0x1  }
0x15: {  	[smem:$0x3FB5] =	sst s0;
	s0 =	simm.s32 @!p2 $0x0  }
0x16: {  	s3 =	sld [smem:$0x3FDB];
	s0 =	simm.s32 @p2 $0x1  }
0x17: {  	s4 =	simm.s32 $0x1BF5;
	[smem:$0x3FB7] =	sst s0  }
0x18: {  	s0 =	sld [smem:$0x3F9A];
	_ =	swait.ge [sflag:s4], $0x0  }
0x19: {  	s7 =	sld [smem:$0x3F9B]  }
0x1a: {  	s8 =	sadd.s32 $0xFFFFE003, lr  }
0x1b: {  	s9 =	sadd.s32 $0xFFFFFEF7, lr;
	s5 =	simm.s32 $0xFFFFFFFF;
	p2 =	slt.u32 s8, $0xFFFFF086  }
0x1c: {  	p1 =	slt.u32 s9, $0xF7A;
	s5 =	simm.s32 @!p2 $0x0  }
0x1d: {  	s5 =	simm.s32 @p1 $0x1;
	p0 =	seq.s32 s7, s2  }
0x1e: {  	s7 =	smul.u32 @!p0 $0xF7A, s2;
	p2 =	seq.s32 @!p0 s5, $0x0  }
0x1f: {  	s9 =	smul.u32 $0xF7A, s1;
	s8 =	simm.s32 @!p0 $0x1BF5;
	p2 =	por !p2, p0  }
0x20: {  	[sflag:s8] =	ssyncset.s32 @!p0 $0xFFFFF086;
	s6 =	sadd.s32 @!p0 s3, s7;
	s7 =	simm.s32 @!p0 $0x108  }
0x21: {  	s3 =	sadd.s32 s3, s9;
	s6 =	sadd.s32 @!p0 $0x88, s6;
	s7 =	simm.s32 @p2 $0x1082  }
0x22: {  	[simem:s7], [sflag:s8] =	dma.local @!p0 [hbm:s6], $0xF7A  }
0x23: {  	s9 =	sor.u32 $0xD0000000, s2;
	s6 =	simm.s32 $0x108;
	_ =	swait.ge @!p0 [sflag:s8], $0x0  }
0x24: {  	s3 =	sadd.s32 $0x88, s3;
	s6 =	simm.s32 @!p1 $0x1082;
	[sflag:s4] =	ssyncset.s32 $0xFFFFF086  }
0x25: {  	[simem:s6], [sflag:s4] =	dma.local [hbm:s3], $0xF7A  }
0x26: {  	[smem:$0x3F9B] =	sst s1;
	(tag) =	ssettag s2;
	_ =	strace s9  }
0x27: {  	s1 =	sld [smem:$0x3FAB]  }
0x28: {  	s2 =	sld [smem:$0x3FAC]  }
0x29: {  	s4 =	sld [smem:$0x3FAE]  }
0x2a: {  	p0 =	seq.s32 s5, $0x0;
	s5 =	sld [smem:$0x3FAF]  }
0x2b: {  	s6 =	sld [smem:$0x3FB0]  }
0x2c: {  	s7 =	sld [smem:$0x3FB1]  }
0x2d: {  	s3 =	simm.s32 $0x108;
	s8 =	sld [smem:$0x3FB2]  }
0x2e: {  	s3 =	simm.s32 @!p0 $0x1082;
	s9 =	sld [smem:$0x3FB3]  }
0x2f: {  	lr =	sadd.s32 s0, s3;
	s0 =	sld [smem:$0x3FAA]  }
0x30: {  	s3 =	sld [smem:$0x3FAD]  }
0x31: {  	[smem:$0x3FB6] =	sst s10  }
0x32: {  	s10 =	sld [smem:$0x3FB4];
	_ =	sdelay $0x3  }
0x33: {  	p0 =	seq.s32 s10, $0x1;
	s10 =	sld [smem:$0x3FB6];
	_ =	sdelay $0x3  }
0x34: {  	[smem:$0x3FB6] =	sst s10  }
0x35: {  	s10 =	sld [smem:$0x3FB5];
	_ =	sdelay $0x3  }
0x36: {  	p1 =	seq.s32 s10, $0x1;
	s10 =	sld [smem:$0x3FB6];
	_ =	sdelay $0x3  }
0x37: {  	[smem:$0x3FB6] =	sst s10  }
0x38: {  	s10 =	sld [smem:$0x3FB7]  }
0x39: {  	_ = 	snop;
	(pc) =	sbr.ind lr, $3  }
0x3a: {  	_ = 	snop  }
0x3b: {  	_ = 	snop  }
0x3c: {  	p2 =	seq.s32 s10, $0x1;
	s10 =	sld [smem:$0x3FB6]  }
0x3d: {  	_ =	shalt  }
0x3e: {  	_ =	shalt  }
0x3f: {  	_ =	shalt  }
0x40: {  	_ =	shalt  }
0x41: {  	_ =	shalt  }
0x42: {  	_ =	shalt  }
0x43: {  	_ =	shalt  }
0x44: {  	_ =	shalt  }
0x45: {  	_ =	shalt  }
0x46: {  	_ =	shalt  }
0x47: {  	_ =	shalt  }
0x48: {  	_ =	shalt  }
0x49: {  	_ =	shalt  }
0x4a: {  	_ =	shalt  }
0x4b: {  	_ =	shalt  }
0x4c: {  	_ =	shalt  }
0x4d: {  	_ =	shalt  }
0x4e: {  	_ =	shalt  }
0x4f: {  	_ =	shalt  }
0x50: {  	_ =	shalt  }
0x51: {  	_ =	shalt  }
0x52: {  	_ =	shalt  }
0x53: {  	_ =	shalt  }
0x54: {  	_ =	shalt  }
0x55: {  	_ =	shalt  }
0x56: {  	_ =	shalt  }
0x57: {  	_ =	shalt  }
0x58: {  	_ =	shalt  }
0x59: {  	_ =	shalt  }
0x5a: {  	_ =	shalt  }
0x5b: {  	_ =	shalt  }
0x5c: {  	_ =	shalt  }
0x5d: {  	_ =	shalt  }
0x5e: {  	_ =	shalt  }
0x5f: {  	_ =	shalt  }
0x60: {  	_ =	shalt  }
0x61: {  	_ =	shalt  }
0x62: {  	_ =	shalt  }
0x63: {  	_ =	shalt  }
0x64: {  	_ =	shalt  }
0x65: {  	_ =	shalt  }
0x66: {  	_ =	shalt  }
0x67: {  	_ =	shalt  }
0x68: {  	_ =	shalt  }
0x69: {  	_ =	shalt  }
0x6a: {  	_ =	shalt  }
0x6b: {  	_ =	shalt  }
0x6c: {  	_ =	shalt  }
0x6d: {  	_ =	shalt  }
0x6e: {  	_ =	shalt  }
0x6f: {  	_ =	shalt  }
0x70: {  	_ =	shalt  }
0x71: {  	_ =	shalt  }
0x72: {  	_ =	shalt  }
0x73: {  	_ =	shalt  }
0x74: {  	_ =	shalt  }
0x75: {  	_ =	shalt  }
0x76: {  	_ =	shalt  }
0x77: {  	_ =	shalt  }
0x78: {  	_ =	shalt  }
0x79: {  	_ =	shalt  }
0x7a: {  	_ =	shalt  }
0x7b: {  	_ =	shalt  }
0x7c: {  	_ =	shalt  }
0x7d: {  	_ =	shalt  }
0x7e: {  	_ =	shalt  }
0x7f: {  	_ =	shalt  }
0x80: {  	_ =	shalt  }
0x81: {  	_ =	shalt  }
0x82: {  	_ =	shalt  }
0x83: {  	_ =	shalt  }
0x84: {  	_ =	shalt  }
0x85: {  	_ =	shalt  }
0x86: {  	_ =	shalt  }
0x87: {  	_ =	shalt  }
.Lfunc_end0:
.L_simem_size_0:
called_computation_lowered:
.L_overlay_start_0:
0x88: {  	s2 =	sld [smem:$0x3FD9]  }
0x89: {  	s3 =	sld [smem:$0x3FFE];
	_ =	sdelay $0x1  }
0x8a: {  	s1 =	srdreg.scid  }
0x8b: {  	s0 =	sand.u32 $0x1, s1  }
0x8c: {  	s17 =	sshll.u32 s0, $0xA;
	s2 =	sadd.s32 s3, s2  }
0x8d: {  	s2 =	sadd.s32 s2, s17  }
0x8e: {  	[smem:$0x3FC2] =	sst s2  }
0x8f: {  	_ = 	snop  }
0x90: {  	s2 =	sld [smem:$0x3FD0];
	(tm) =	ssettm $0x1  }
0x91: {  	s18 =	sld [smem:$0x3FFB];
	_ =	sdelay $0x3  }
0x92: {  	_ =	strace s18  }
0x93: {  	s3 =	sld [smem:$0x3FFC];
	_ =	sdelay $0x3  }
0x94: {  	_ =	strace s3  }
0x95: {  	s3 =	sld [smem:$0x3FFD];
	_ =	sdelay $0x3  }
0x96: {  	_ =	strace s3  }
0x97: {  	_ =	strace $0x8FFFFFFF  }
0x98: {  	s19 =	sld [smem:$0x3FDB];
	_ =	sdelay $0x1  }
0x99: {  	s4 =	simm.s32 $_scs_section_size  }
0x9a: {  	s5 =	simm.s32 $_size__tile_overlayer_lowered;
	s6 =	simm.s32 $_tile_overlayer_lowered  }
0x9b: {  	s22 =	simm.s32 $0x1BFF;
	s21 =	sshll.u32 s6, $0x1;
	s3 =	sadd.s32 s4, s19  }
0x9c: {  	s7 =	simm.s32 $0x0;
	s20 =	sshll.u32 s5, $0x1;
	s5 =	sadd.s32 s21, s3  }
0x9d: {  	[timem:s7], [sflag:s22] =	dma.local [hbm:s5], s20  }
0x9e: {  	_ =	swait.ge [sflag:s22], s20  }
0x9f: {  	s4 =	ssub.s32 $0x0, s20;
	[sflag:s22] =	ssyncset.done $0x0  }
0xa0: {  	[sflag:s22] =	ssyncadd.s32 s4;
	_ =	sdelay $0x1  }
0xa1: {  	s23 =	simm.s32 $0x1B8B  }
0xa2: {  	_ =	swait.ge [sflag:s23], $0x1  }
0xa3: {  	[sflag:s23] =	ssyncset.done $0x0  }
0xa4: {  	s25 =	simm.s32 $0x1B8E;
	s24 =	sld [smem:$0x3FFE];
	[sflag:s23] =	ssyncadd.s32 $0xFFFFFFFF  }
0xa5: {  	s26 =	simm.s32 $execute0_lowered;
	[smem:$0x3FD2] =	sst s25  }
0xa6: {  	s5 =	sshll.u32 s26, $0x1;
	_ =	strace $0x80000046;
	[dreg:$0x1] =	wrdreg $0xFFFFFFFF  }
0xa7: {  	s28 =	simm.s32 $_size_execute0_lowered;
	s3 =	sadd.s32 s3, s5;
	[dreg:$0x0] =	wrdreg $0x0  }
0xa8: {  	s5 =	sshll.u32 s28, $0x1;
	[dreg:$0x2] =	wrdreg s3  }
0xa9: {  	[dreg:$0x3] =	wrdreg s5  }
0xaa: {  	[dreg:$0x4] =	wrdreg $0xC0  }
0xab: {  	_ =	task [dreg:s7], $0x5FFFF  }
0xac: {  	[dreg:$0x1] =	wrdreg $0xFFFFFFFF  }
0xad: {  	[dreg:$0x0] =	wrdreg $0x60  }
0xae: {  	[dreg:$0x2] =	wrdreg s2  }
0xaf: {  	[dreg:$0x3] =	wrdreg s24  }
0xb0: {  	[dreg:$0x4] =	wrdreg $0x68000  }
0xb1: {  	[dreg:$0x5] =	wrdreg $0x9  }
0xb2: {  	_ =	task.clear_ibuf [dreg:s7], $0x6FFFF;
	_ =	strace $0x90000046  }
0xb3: {  	s29 =	simm.s32 $0x9;
	_ =	strace $0x80000048  }
0xb4: {  	_ =	swait.ge [sflag:s29], $0x1  }
0xb5: {  	[sflag:s29] =	ssyncadd.s32 $0xFFFFFFFF  }
0xb6: {  	_ =	strace $0x90000048  }
0xb7: {  	_ =	sfence  }
0xb8: {  	s30 =	sld [smem:$0x0];
	_ =	sdelay $0x2  }
0xb9: {  	s31 =	sshll.u32 s1, $0xD;
	s1 =	sshrl.u32 s1, $0x2  }
0xba: {  	s3 =	sand.u32 $0x4000, s31;
	s1 =	sadd.s32 s1, s30  }
0xbb: {  	s0 =	sor.u32 s3, s0;
	s1 =	sshll.u32 s1, $0x11  }
0xbc: {  	s0 =	sor.u32 s1, s0  }
0xbd: {  	s0 =	sadd.s32 $0x8F2B, s0  }
0xbe: {  	[sflag:s0] =	ssyncadd.remote.s32 $0x1  }
0xbf: {  	_ =	sfence.sel $0xFFFF  }
0xc0: {  	[dreg:$0x0] =	wrdreg $0xFFFFFFFF;
	(pc) =	sbr.abs _section_cstart, $3  }
0xc1: {  	[dreg:$0x1] =	wrdreg $0xFFFFFFFF  }
0xc2: {  	_ =	task.clear_ibuf [dreg:s7], $0x2FFFF;
	_ =	strace $0x9FFFFFFF  }
0xc3: {  	(tm) =	ssettm $0x7FFFFFFF  }
tec
execute0_lowered:
.L_overlay_start_1:
0x0: {  	(tag) =	ssettag $0x1  }
0x1: {  	s6 =	rddreg [dreg:$0x0]  }
0x2: {  	s7 =	rddreg [dreg:$0x1]  }
0x3: {  	s1 =	rddreg [dreg:$0x2]  }
0x4: {  	s2 =	srdreg.scid;
	s0 =	rddreg [dreg:$0x3]  }
0x5: {  	s3 =	simm.s32 $0x0;
	s20 =	simm.s32 $0x80;
	s21 =	simm.s32 $0x0  }
0x6: {  	s8 =	sand.u32 $0x1, s2;
	s2 =	stileid.u32;
	[smem:$0x7FF] =	sst s3  }
0x7: {  	s16 =	sadd.s32 $0x3E00, s7;
	s4 =	sshll.u32 s8, $0x4;
	s11 =	smul.u32 $0x50000, s2  }
0x8: {  	_ =	strace $0x80000047;
	s10 =	ssub.s32 $0x2, s8;
	s12 =	smul.u32 $0x14000, s2  }
0x9: {  	s14 =	smul.u32 $0x140000, s8;
	s5 =	sor.u32 s2, s4;
	s4 =	sadd.s32 $0x3600, s7  }
0xa: {  	s25 =	sshrl.u32 s10, $0x1;
	s9 =	smul.u32 $0x500, s5;
	s5 =	sadd.s32 $0x2E00, s7  }
0xb: {  	s17 =	ssub.s32 s10, s25;
	s26 =	sshrl.u32 s11, $0x2;
	s28 =	sadd.s32 $0x4000, s12  }
0xc: {  	s15 =	sadd.s32 $0x8000, s12;
	s18 =	sadd.s32 $0xC000, s12;
	s13 =	sadd.s32 s12, s14  }
0xd: {  	s19 =	sadd.s32 $0x10000, s12;
	s7 =	sadd.s32 s26, s1;
	s8 =	sadd.s32 s28, s1  }
0xe: {  	s10 =	sadd.s32 s18, s1;
	s29 =	sshrl.u32 s13, $0x3;
	s30 =	sadd.s32 s14, s28  }
0xf: {  	s11 =	sadd.s32 s19, s1;
	s18 =	sadd.s32 s14, s18;
	s19 =	sadd.s32 s14, s19  }
0x10: {  	s17 =	smax.u32 s17, $0x1;
	s6 =	sadd.s32 s6, s9;
	s9 =	sadd.s32 s15, s1  }
0x11: {  	s12 =	sadd.s32 s16, s29;
	s13 =	sshrl.u32 s30, $0x3;
	s15 =	sadd.s32 s14, s15  }
0x12: {  	s18 =	sshrl.u32 s18, $0x3;
	s31 =	sshrl.u32 s19, $0x3;
	s15 =	sshrl.u32 s15, $0x3  }
0x13: {  	s19 =	simm.s32 $0x2800;
	s13 =	sadd.s32 s16, s13;
	s14 =	sadd.s32 s16, s15  }
0x14: {  	s15 =	sadd.s32 s16, s18;
	s16 =	sadd.s32 s16, s31;
	s18 =	simm.s32 $0x1  }
.LBB2_1:
0x15: {  	[tilespmem:s3], [sflag:$0x1] =	stream.linear.gather [hbm4b:s6+s3], $0x2800, $0x38;
	[tilespmem:$0x1A800] =	vst v63  }
0x16: {  	_ =	swait.ge [sflag:s18], $0x2800  }
0x17: {  	[sflag:s18] =	ssyncset.done $0x0  }
0x18: {  	[sflag:s18] =	ssyncadd.s32 $0xFFFFD800  }
0x19: {  	[tilespmem:s19], [sflag:$0x1] =	stream.linear.gather [hbm4b:s5+s3], $0x4000, $0x38;
	[tilespmem:$0x1A800] =	vst v63  }
0x1a: {  	_ =	swait.ge [sflag:s18], $0x4000  }
0x1b: {  	[sflag:s18] =	ssyncset.done $0x0  }
0x1c: {  	[sflag:s18] =	ssyncadd.s32 $0xFFFFC000  }
0x1d: {  	[spmem:s7] =	stream.linear.scatter [tilespmem:s19], [sflag:$0x1], $0x4000, $0x38;
	[tilespmem:$0x1A800] =	vst v63  }
0x1e: {  	_ =	swait.ge [sflag:s18], $0x4000  }
0x1f: {  	[sflag:s18] =	ssyncset.done $0x0  }
0x20: {  	[sflag:s18] =	ssyncadd.s32 $0xFFFFC000  }
0x21: {  	[spmem:s8] =	stream.linear.scatter [tilespmem:s19], [sflag:$0x1], $0x4000, $0x38;
	[tilespmem:$0x1A800] =	vst v63  }
0x22: {  	_ =	swait.ge [sflag:s18], $0x4000  }
0x23: {  	[sflag:s18] =	ssyncset.done $0x0  }
0x24: {  	[sflag:s18] =	ssyncadd.s32 $0xFFFFC000  }
0x25: {  	[spmem:s9] =	stream.linear.scatter [tilespmem:s19], [sflag:$0x1], $0x4000, $0x38;
	[tilespmem:$0x1A800] =	vst v63  }
0x26: {  	_ =	swait.ge [sflag:s18], $0x4000  }
0x27: {  	[sflag:s18] =	ssyncset.done $0x0  }
0x28: {  	[sflag:s18] =	ssyncadd.s32 $0xFFFFC000  }
0x29: {  	[spmem:s10] =	stream.linear.scatter [tilespmem:s19], [sflag:$0x1], $0x4000, $0x38;
	[tilespmem:$0x1A800] =	vst v63  }
0x2a: {  	_ =	swait.ge [sflag:s18], $0x4000  }
0x2b: {  	[sflag:s18] =	ssyncset.done $0x0  }
0x2c: {  	[sflag:s18] =	ssyncadd.s32 $0xFFFFC000  }
0x2d: {  	[spmem:s11] =	stream.linear.scatter [tilespmem:s19], [sflag:$0x1], $0x4000, $0x38;
	[tilespmem:$0x1A800] =	vst v63  }
0x2e: {  	_ =	swait.ge [sflag:s18], $0x4000  }
0x2f: {  	[sflag:s18] =	ssyncset.done $0x0  }
0x30: {  	[sflag:s18] =	ssyncadd.s32 $0xFFFFC000  }
0x31: {  	[bflag:$0x0] =	sbarrier.arrive $0xFFFF  }
0x32: {  	[tilespmem:s19], [sflag:$0x1] =	stream.linear.gather [hbm4b:s4+s3], $0x4000, $0x38;
	[tilespmem:$0x1A800] =	vst v63  }
0x33: {  	_ =	swait.ge [sflag:s18], $0x4000  }
0x34: {  	[sflag:s18] =	ssyncset.done $0x0  }
0x35: {  	s22 =	simm.s32 $0x0;
	[sflag:s18] =	ssyncadd.s32 $0xFFFFC000  }
0x36: {  	[spmem:s1] =	stream.indirect.scatter.add.f32 [tilespmem:s19], [sflag:$0x1], $0x80, s22, s20, $0xb8;
	[tilespmem:$0x1A800] =	vst v63  }
0x37: {  	_ =	swait.ge [sflag:s18], $0x4000  }
0x38: {  	s22 =	simm.s32 $0x200;
	[sflag:s18] =	ssyncset.done $0x0  }
.LBB2_2:
0x39: {  	s23 =	sshra.s32 s22, $0x2;
	[sflag:s18] =	ssyncadd.s32 $0xFFFFC000;
	p0 =	sne.s32 s22, $0x9E00  }
0x3a: {  	[spmem:s1] =	stream.indirect.scatter.add.f32 [tilespmem:s19], [sflag:$0x1], $0x80, s23, s20, $0xb8;
	[tilespmem:$0x1A800] =	vst v63  }
.Ltmp0:
0x3b: {  	_ = 	snop;
	(pc) =	sbr.rel @p0 .LBB2_2-.Ltmp0, $4  }
0x3c: {  	_ = 	snop  }
0x3d: {  	s22 =	sadd.s32 $0x200, s22  }
0x3e: {  	_ =	swait.ge [sflag:s18], $0x4000  }
0x3f: {  	[sflag:s18] =	ssyncset.done $0x0  }
0x40: {  	[sflag:s18] =	ssyncadd.s32 $0xFFFFC000  }
0x41: {  	[bflag:$0x0] =	sbarrier.arrive $0xFFFF  }
0x42: {  	[tilespmem:s19], [sflag:$0x1] =	stream.linear.gather [spmem:s7], $0x4000, $0x38;
	[tilespmem:$0x1A800] =	vst v63  }
0x43: {  	_ =	swait.ge [sflag:s18], $0x4000  }
0x44: {  	[sflag:s18] =	ssyncset.done $0x0  }
0x45: {  	[sflag:s18] =	ssyncadd.s32 $0xFFFFC000  }
0x46: {  	[hbm4b:s12+s3] =	stream.linear.scatter [tilespmem:s19], [sflag:$0x1], $0x4000, $0x38;
	[tilespmem:$0x1A800] =	vst v63  }
0x47: {  	_ =	swait.ge [sflag:s18], $0x4000  }
0x48: {  	[sflag:s18] =	ssyncset.done $0x0  }
0x49: {  	[sflag:s18] =	ssyncadd.s32 $0xFFFFC000  }
0x4a: {  	[tilespmem:s19], [sflag:$0x1] =	stream.linear.gather [spmem:s8], $0x4000, $0x38;
	[tilespmem:$0x1A800] =	vst v63  }
0x4b: {  	_ =	swait.ge [sflag:s18], $0x4000  }
0x4c: {  	[sflag:s18] =	ssyncset.done $0x0  }
0x4d: {  	[sflag:s18] =	ssyncadd.s32 $0xFFFFC000  }
0x4e: {  	[hbm4b:s13+s3] =	stream.linear.scatter [tilespmem:s19], [sflag:$0x1], $0x4000, $0x38;
	[tilespmem:$0x1A800] =	vst v63  }
0x4f: {  	_ =	swait.ge [sflag:s18], $0x4000  }
0x50: {  	[sflag:s18] =	ssyncset.done $0x0  }
0x51: {  	[sflag:s18] =	ssyncadd.s32 $0xFFFFC000  }
0x52: {  	[tilespmem:s19], [sflag:$0x1] =	stream.linear.gather [spmem:s9], $0x4000, $0x38;
	[tilespmem:$0x1A800] =	vst v63  }
0x53: {  	_ =	swait.ge [sflag:s18], $0x4000  }
0x54: {  	[sflag:s18] =	ssyncset.done $0x0  }
0x55: {  	[sflag:s18] =	ssyncadd.s32 $0xFFFFC000  }
0x56: {  	[hbm4b:s14+s3] =	stream.linear.scatter [tilespmem:s19], [sflag:$0x1], $0x4000, $0x38;
	[tilespmem:$0x1A800] =	vst v63  }
0x57: {  	_ =	swait.ge [sflag:s18], $0x4000  }
0x58: {  	[sflag:s18] =	ssyncset.done $0x0  }
0x59: {  	[sflag:s18] =	ssyncadd.s32 $0xFFFFC000  }
0x5a: {  	[tilespmem:s19], [sflag:$0x1] =	stream.linear.gather [spmem:s10], $0x4000, $0x38;
	[tilespmem:$0x1A800] =	vst v63  }
0x5b: {  	_ =	swait.ge [sflag:s18], $0x4000  }
0x5c: {  	[sflag:s18] =	ssyncset.done $0x0  }
0x5d: {  	[sflag:s18] =	ssyncadd.s32 $0xFFFFC000  }
0x5e: {  	[hbm4b:s15+s3] =	stream.linear.scatter [tilespmem:s19], [sflag:$0x1], $0x4000, $0x38;
	[tilespmem:$0x1A800] =	vst v63  }
0x5f: {  	_ =	swait.ge [sflag:s18], $0x4000  }
0x60: {  	[sflag:s18] =	ssyncset.done $0x0  }
0x61: {  	[sflag:s18] =	ssyncadd.s32 $0xFFFFC000  }
0x62: {  	[tilespmem:s19], [sflag:$0x1] =	stream.linear.gather [spmem:s11], $0x4000, $0x38;
	[tilespmem:$0x1A800] =	vst v63  }
0x63: {  	s21 =	sadd.s32 $0x1, s21;
	_ =	swait.ge [sflag:s18], $0x4000  }
0x64: {  	p0 =	sne.s32 s21, s17;
	[sflag:s18] =	ssyncset.done $0x0  }
.Ltmp1:
0x65: {  	[sflag:s18] =	ssyncadd.s32 $0xFFFFC000;
	(pc) =	sbr.rel @p0 .LBB2_1-.Ltmp1, $4  }
0x66: {  	[hbm4b:s16+s3] =	stream.linear.scatter [tilespmem:s19], [sflag:$0x1], $0x4000, $0x38;
	[tilespmem:$0x1A800] =	vst v63  }
0x67: {  	_ =	swait.ge [sflag:s18], $0x4000  }
0x68: {  	[sflag:s18] =	ssyncset.done $0x0  }
0x69: {  	[sflag:s18] =	ssyncadd.s32 $0xFFFFC000  }
0x6a: {  	_ =	sfence.sel $0x180000  }
0x6b: {  	[bflag:$0x0] =	sbarrier.arrive $0xFFFF  }
0x6c: {  	p0 =	sne.s32 s2, $0x0;
	_ =	strace $0x90000047  }
0x6d: {  	s0 =	sadd.s32 @!p0 $0x100000, s0;
	[bflag:$0x2] =	sbarrier.arrive $0xFFFF  }
0x6e: {  	[sflag:s0] =	ssyncadd.tile.s32 @!p0 $0x1;
	_ =	shalt  }
.Lfunc_end2:
_tile_overlayer_lowered:
.L_overlay_start_2:
0x6f: {  	(tag) =	ssettag $0x2  }
0x70: {  	s0 =	rddreg [dreg:$0x0];
	s2 =	stileid.u32  }
0x71: {  	s1 =	rddreg [dreg:$0x1];
	p0 =	sne.s32 s2, $0x0  }
0x72: {  	s3 =	rddreg [dreg:$0x2];
	[bflag:$0x3] =	sbarrier.arrive $0xFFFF;
	s2 =	simm.s32 @!p0 $0x1C01  }
0x73: {  	[timem:s3], [sflag:s2] =	dma.local @!p0 [hbm:s0], s1  }
0x74: {  	s0 =	simm.s32 @!p0 $0x1  }
0x75: {  	_ =	swait.ge @!p0 [sflag:s0], s1  }
0x76: {  	s1 =	ssub.s32 @!p0 $0x0, s1;
	[sflag:s0] =	ssyncset.done @!p0 $0x0  }
0x77: {  	[sflag:s0] =	ssyncadd.s32 @!p0 s1  }
0x78: {  	[bflag:$0x3] =	sbarrier.arrive $0xFFFF  }
0x79: {  	_ =	shalt  }

</sc_bundles>
